<compile_context>
chip_gen: v7x
topology: tpu7x:2x2x1
jax: 0.10.2.dev20260603
libtpu: 0.0.44.dev20260713+nightly
codegen_flags: <defaults>
</compile_context>

<pallas_src>
import jax
import jax.numpy as jnp
from jax.experimental import pallas as pl
from jax.experimental.pallas import tpu as pltpu
from jax.experimental.pallas import tpu_sc as plsc

_NUM_CODES = 8192
_DIM = 256
_ROWS = 9216
_R = 768
_GW = 128
_SUBS = 32
_IDS_PER_SUB = _ROWS // _SUBS


def _vq_tc_kernel(z_ref, w_ref, znorm_ref, cnorm_ref, ids_ref):
    z2 = z_ref[...] * 2.0
    w = w_ref[...]
    mm2 = jax.lax.dot_general(
        z2, w, (((1,), (1,)), ((), ())),
        preferred_element_type=jnp.float32)
    d = (znorm_ref[...] + cnorm_ref[...]) - mm2

    lane = jax.lax.broadcasted_iota(jnp.int32, (_R, 128), 1)
    val = d[:, 0:128]
    colacc = lane
    for g in range(1, _NUM_CODES // 128):
        dg = d[:, 128 * g:128 * (g + 1)]
        better = dg < val
        val = jnp.where(better, dg, val)
        colacc = jnp.where(better, lane + 128 * g, colacc)
    rowmin = jnp.min(val, axis=1, keepdims=True)
    cand = jnp.where(val == rowmin, colacc, jnp.int32(_NUM_CODES))
    ids_ref[...] = jnp.min(cand, axis=1)[None, None, :]


def _sc_gather(W, ids_row):
    mesh = plsc.VectorSubcoreMesh(core_axis_name="core",
                                  subcore_axis_name="subcore")

    @pl.kernel(out_type=jax.ShapeDtypeStruct((_ROWS, _DIM), jnp.float32),
               mesh=mesh)
    def gather_kernel(w_hbm, i_hbm, o_hbm):
        def body(i_vmem, o_vmem):
            pltpu.sync_copy(w_hbm.at[i_vmem.at[0]], o_vmem)

        pltpu.emit_pipeline(
            body,
            grid=(_ROWS // _GW,),
            in_specs=[pl.BlockSpec((1, _GW), index_map=lambda i: (0, i))],
            out_specs=[pl.BlockSpec((_GW, _DIM), index_map=lambda i: (i, 0))],
            core_axis_name=("core", "subcore"),
            dimension_semantics=(pltpu.PARALLEL,),
        )(i_hbm, o_hbm)

    return gather_kernel(W, ids_row)


_NWIN = _ROWS // _GW


def _sc_gather_hist(W, ids_row):
    mesh = plsc.VectorSubcoreMesh(core_axis_name="core",
                                  subcore_axis_name="subcore")

    @pl.kernel(
        out_type=[jax.ShapeDtypeStruct((_ROWS, _DIM), jnp.float32),
                  jax.ShapeDtypeStruct((_SUBS, _NUM_CODES), jnp.int32)],
        mesh=mesh)
    def gather_kernel(w_hbm, i_hbm, one0_hbm, o_hbm, part_hbm):
        def body(i_vmem, o_vmem):
            pltpu.sync_copy(w_hbm.at[i_vmem.at[0]], o_vmem)

        pltpu.emit_pipeline(
            body,
            grid=(_NWIN,),
            in_specs=[pl.BlockSpec((1, _GW), index_map=lambda i: (0, i))],
            out_specs=[pl.BlockSpec((_GW, _DIM), index_map=lambda i: (i, 0))],
            core_axis_name=("core", "subcore"),
            dimension_semantics=(pltpu.PARALLEL,),
        )(i_hbm, o_hbm)

        u = (jax.lax.axis_index("core") * 16
             + jax.lax.axis_index("subcore"))

        def hist_scope(bins_vmem, ids_vmem, one0_vmem, sem):
            pltpu.async_copy(one0_hbm.at[0], one0_vmem, sem).wait()
            one0 = one0_vmem[...]

            @pl.loop(0, (_NUM_CODES + 16) // 16)
            def _(k):
                bins_vmem[pl.ds(k * 16, 16)] = jnp.zeros((16,), jnp.int32)

            for w_i in range((_NWIN + _SUBS - 1) // _SUBS):
                w = u + _SUBS * w_i

                @pl.when(w < _NWIN)
                def _():
                    off = pl.multiple_of(w * _GW, _GW)
                    pltpu.async_copy(i_hbm.at[0, pl.ds(off, _GW)],
                                     ids_vmem, sem).wait()

                    @pl.loop(0, _GW // 16)
                    def _(kk):
                        v = ids_vmem[pl.ds(kk * 16, 16)]
                        for k in range(16):
                            idx = v[k]
                            cur = bins_vmem[pl.ds(idx, 16)]
                            bins_vmem[pl.ds(idx, 16)] = cur + one0

            pltpu.async_copy(bins_vmem.at[pl.ds(0, _NUM_CODES)],
                             part_hbm.at[u], sem).wait()

        pl.run_scoped(hist_scope,
                      pltpu.VMEM((_NUM_CODES + 16,), jnp.int32),
                      pltpu.VMEM((_GW,), jnp.int32),
                      pltpu.VMEM((16,), jnp.int32),
                      pltpu.SemaphoreType.DMA)

    one0_arr = jnp.zeros((1, 16), jnp.int32).at[0, 0].set(1)
    return gather_kernel(W, ids_row, one0_arr)


def kernel(z, W):
    B, S, D = z.shape
    zf = z.reshape(-1, D)
    znorm = jnp.sum(zf ** 2, axis=1, keepdims=True)
    cnorm = jnp.sum(W ** 2, axis=1)[None, :]

    ids3 = pl.pallas_call(
        _vq_tc_kernel,
        grid=(_ROWS // _R,),
        in_specs=[
            pl.BlockSpec((_R, _DIM), lambda i: (i, 0)),
            pl.BlockSpec((_NUM_CODES, _DIM), lambda i: (0, 0)),
            pl.BlockSpec((_R, 1), lambda i: (i, 0)),
            pl.BlockSpec((1, _NUM_CODES), lambda i: (0, 0)),
        ],
        out_specs=pl.BlockSpec((1, 1, _R), lambda i: (i, 0, 0)),
        out_shape=jax.ShapeDtypeStruct((_ROWS // _R, 1, _R), jnp.int32),
    )(zf, W, znorm, cnorm)

    gathered, partials = _sc_gather_hist(W, ids3.reshape(1, _ROWS))
    zq = z + (gathered.reshape(z.shape) - z)

    counts = jnp.sum(partials, axis=0).astype(jnp.float32)
    avg_probs = counts / (B * S)
    perplexity = jnp.exp(-jnp.sum(avg_probs * jnp.log(avg_probs + 1e-10)))
    return (zq, jnp.asarray(0.0, dtype=jnp.float32), perplexity)

# --- scband reference (transcript-rebuilt; emitter-appended) ---
"""Pipeline reference for scband-concept-codebook-81277961109953 (READ-ONLY COPY).

The authoritative reference and input builder live on the scoring server;
editing this copy changes nothing except your own understanding.
"""

import jax, jax.numpy as jnp
import numpy as np

NUM_CONCEPTS = 8192
CONCEPT_DIM = 256

def setup_inputs(seed: int = 0) -> dict:
    key = jax.random.key(seed)
    k1, k2 = jax.random.split(key)
    z = jax.random.normal(k1, (16, 576, CONCEPT_DIM), dtype=jnp.float32)
    W = jax.random.uniform(k2, (NUM_CONCEPTS, CONCEPT_DIM), dtype=jnp.float32,
                           minval=-1.0 / NUM_CONCEPTS, maxval=1.0 / NUM_CONCEPTS)
    return {"z": z, "W": W}

def reference(z, W):
    # eval-mode forward of ConceptCodebook (self.training == False)
    B, S, D = z.shape
    z_flat = z.reshape(-1, D)
    codebook = W.astype(z_flat.dtype)
    distances = (jnp.sum(z_flat ** 2, axis=1, keepdims=True)
                 + jnp.sum(codebook ** 2, axis=1)
                 - 2.0 * jnp.matmul(z_flat, codebook.T))
    concept_ids_flat = jnp.argmin(distances, axis=1).astype(jnp.int64)
    z_q_flat = jnp.take(W, concept_ids_flat, axis=0).astype(z.dtype)
    z_q = z_q_flat.reshape(z.shape)
    concept_ids = concept_ids_flat.reshape(B, S)
    vq_loss = jnp.asarray(0.0, dtype=jnp.float32)
    # straight-through estimator
    z_q = z + jax.lax.stop_gradient(z_q - z)
    one_hot = jax.nn.one_hot(concept_ids_flat, NUM_CONCEPTS, dtype=jnp.float32)
    avg_probs = jnp.mean(one_hot, axis=0)
    perplexity = jnp.exp(-jnp.sum(avg_probs * jnp.log(avg_probs + 1e-10)))
    return (z_q, vq_loss, perplexity)

if __name__ == "__main__":
    import jax
    _d = setup_inputs()
    print(jax.jit(kernel)(*tuple(_d.values())))

</pallas_src>

<mosaic_0001>
#map = affine_map<(d0, d1) -> (0, 0)>
module attributes {stable_mosaic.version = 14 : i64} {
  func.func @gather_kernel(%arg0: i32, %arg1: i32, %arg2: memref<8192x256xf32, #tpu.memory_space<hbm>>, %arg3: memref<1x9216xi32, #tpu.memory_space<hbm>>, %arg4: memref<1x16xi32, #tpu.memory_space<hbm>>, %arg5: memref<9216x256xf32, #tpu.memory_space<hbm>>, %arg6: memref<32x8192xi32, #tpu.memory_space<hbm>>) attributes {dimension_semantics = [#tpu.dimension_semantics<core_parallel>, #tpu.dimension_semantics<subcore_parallel>], iteration_bounds = array<i64: 2, 16>, scalar_prefetch = 0 : i64, scratch_operands = 0 : i64, tpu.core_type = #tpu.core_type<sc_vector_subcore>, window_params = [{transform_indices = #map}, {transform_indices = #map}, {transform_indices = #map}, {transform_indices = #map}, {transform_indices = #map}]} {
    %mul3A = arith.constant 1 : i32
    %mul3A_0 = arith.muli %arg1, %mul3A : i32
    %add3A = arith.constant 0 : i32
    %add3A_1 = arith.addi %add3A, %mul3A_0 : i32
    %mul3A_2 = arith.constant 16 : i32
    %mul3A_3 = arith.muli %arg0, %mul3A_2 : i32
    %add3A_4 = arith.addi %add3A_1, %mul3A_3 : i32
    %lt3A = arith.constant 8 : i32
    %lt3A_5 = arith.cmpi slt, %add3A_4, %lt3A : i32
    %jit3A = arith.constant 3 : i32
    %jit3A_6 = arith.constant 2 : i32
    %select_n3A = arith.select %lt3A_5, %jit3A, %jit3A_6 : i32
    %lt3A_7 = arith.constant 8 : i32
    %lt3A_8 = arith.cmpi slt, %add3A_4, %lt3A_7 : i32
    %mul3A_9 = arith.muli %add3A_4, %select_n3A : i32
    %mul3A_10 = arith.constant 2 : i32
    %mul3A_11 = arith.muli %add3A_4, %mul3A_10 : i32
    %add3A_12 = arith.constant 8 : i32
    %add3A_13 = arith.addi %mul3A_11, %add3A_12 : i32
    %select_n3A_14 = arith.select %lt3A_8, %mul3A_9, %add3A_13 : i32
    %mul3A_15 = arith.constant 1 : i32
    %mul3A_16 = arith.muli %mul3A_15, %select_n3A : i32
    "tpu.region"() ({
      %run_scoped3A = memref.alloca() : memref<2x1x128xi32, #tpu.memory_space<vmem>>
      %run_scoped3A_20 = tpu.sem_alloc : memref<2x!tpu.dma_semaphore, #tpu.memory_space<semaphore_mem>>
      %run_scoped3A_21 = memref.alloca() : memref<2x128x256xf32, #tpu.memory_space<vmem>>
      %run_scoped3A_22 = tpu.sem_alloc : memref<2x!tpu.dma_semaphore, #tpu.memory_space<semaphore_mem>>
      %gt3A = arith.constant 0 : i32
      %gt3A_23 = arith.cmpi sgt, %mul3A_16, %gt3A : i32
      %convert_element_type3A = arith.extui %gt3A_23 : i1 to i32
      %cond3A = arith.constant 0 : i32
      %cond3A_24 = arith.cmpi ne, %convert_element_type3A, %cond3A : i32
      scf.if %cond3A_24 {
        %mul3A_25 = arith.constant 1 : i32
        %mul3A_26 = arith.muli %mul3A_25, %select_n3A : i32
        %sub3A = arith.constant 1 : i32
        %sub3A_27 = arith.subi %mul3A_26, %sub3A : i32
        %eq3A = arith.constant 0 : i32
        %eq3A_28 = arith.cmpi eq, %sub3A_27, %eq3A : i32
        %add3A_29 = arith.constant 0 : i32
        %add3A_30 = arith.addi %add3A_29, %select_n3A_14 : i32
        %select_n3A_31 = arith.constant true
        %select_n3A_32 = arith.constant 0 : i32
        %select_n3A_33 = arith.constant -1 : i32
        %select_n3A_34 = arith.select %select_n3A_31, %select_n3A_33, %select_n3A_32 : i32
        %eq3A_35 = arith.constant -1 : i32
        %eq3A_36 = arith.cmpi eq, %select_n3A_34, %eq3A_35 : i32
        %sub3A_37 = arith.constant 1 : i32
        %sub3A_38 = arith.subi %select_n3A, %sub3A_37 : i32
        %select_n3A_39 = arith.select %eq3A_36, %sub3A_38, %select_n3A_34 : i32
        %add3A_40 = arith.addi %select_n3A_39, %select_n3A_14 : i32
        %select_n3A_41 = arith.constant true
        %select_n3A_42 = arith.constant 0 : i32
        %select_n3A_43 = arith.constant 1 : i32
        %select_n3A_44 = arith.select %select_n3A_41, %select_n3A_43, %select_n3A_42 : i32
        %eq3A_45 = arith.cmpi eq, %select_n3A_44, %select_n3A : i32
        %select_n3A_46 = arith.constant 0 : i32
        %select_n3A_47 = arith.select %eq3A_45, %select_n3A_46, %select_n3A_44 : i32
        %add3A_48 = arith.addi %select_n3A_47, %select_n3A_14 : i32
        %add3A_49 = arith.constant 1 : i32
        %add3A_50 = arith.addi %select_n3A_47, %add3A_49 : i32
        %select_n3A_51 = arith.constant true
        %select_n3A_52 = arith.select %select_n3A_51, %add3A_50, %select_n3A_47 : i32
        %eq3A_53 = arith.cmpi eq, %select_n3A_52, %select_n3A : i32
        %select_n3A_54 = arith.constant 0 : i32
        %select_n3A_55 = arith.select %eq3A_53, %select_n3A_54, %select_n3A_52 : i32
        %add3A_56 = arith.addi %select_n3A_55, %select_n3A_14 : i32
        "tpu.trace_start"() <{level = 10 : i32, message = "ep_initialize_0"}> : () -> ()
        %rem3A = arith.constant 0 : i32
        %rem3A_57 = arith.constant 2 : i32
        %rem3A_58 = arith.remui %rem3A, %rem3A_57 : i32
        %mul3A_59 = arith.constant 128 : i32
        %mul3A_60 = arith.muli %mul3A_59, %add3A_30 : i32
        %dma_start3A = arith.constant 0 : i32
        %dma_start3A_61 = arith.constant 0 : i32
        %dma_start3A_62 = tpu.memref_slice %run_scoped3A[%rem3A_58, %dma_start3A, %dma_start3A_61] : memref<2x1x128xi32, #tpu.memory_space<vmem>> -> memref<1x1x128xi32, #tpu.memory_space<vmem>>
        %dma_start3A_63 = tpu.memref_squeeze %dma_start3A_62 : memref<1x1x128xi32, #tpu.memory_space<vmem>> -> memref<1x128xi32, #tpu.memory_space<vmem>>
        %dma_start3A_64 = arith.constant 0 : i32
        %dma_start3A_65 = tpu.memref_slice %arg3[%dma_start3A_64, %mul3A_60] : memref<1x9216xi32, #tpu.memory_space<hbm>> -> memref<1x128xi32, #tpu.memory_space<hbm>>
        %dma_start3A_66 = tpu.memref_slice %run_scoped3A_20[%rem3A_58] : memref<2x!tpu.dma_semaphore, #tpu.memory_space<semaphore_mem>> -> memref<1x!tpu.dma_semaphore, #tpu.memory_space<semaphore_mem>>
        %dma_start3A_67 = tpu.memref_squeeze %dma_start3A_66 : memref<1x!tpu.dma_semaphore, #tpu.memory_space<semaphore_mem>> -> memref<!tpu.dma_semaphore, #tpu.memory_space<semaphore_mem>>
        %dma_start3A_68 = arith.constant 0 : i32
        %dma_start3A_69 = arith.constant 0 : i32
        %dma_start3A_70 = tpu.memref_slice %run_scoped3A[%rem3A_58, %dma_start3A_68, %dma_start3A_69] : memref<2x1x128xi32, #tpu.memory_space<vmem>> -> memref<1x1x128xi32, #tpu.memory_space<vmem>>
        %dma_start3A_71 = tpu.memref_squeeze %dma_start3A_70 : memref<1x1x128xi32, #tpu.memory_space<vmem>> -> memref<1x128xi32, #tpu.memory_space<vmem>>
        %dma_start3A_72 = arith.constant 0 : i32
        %dma_start3A_73 = tpu.memref_slice %arg3[%dma_start3A_72, %mul3A_60] : memref<1x9216xi32, #tpu.memory_space<hbm>> -> memref<1x128xi32, #tpu.memory_space<hbm>>
        tpu.enqueue_dma source(%dma_start3A_73 : memref<1x128xi32, #tpu.memory_space<hbm>>) target(%dma_start3A_71 : memref<1x128xi32, #tpu.memory_space<vmem>>) target_semaphore(%dma_start3A_67 : memref<!tpu.dma_semaphore, #tpu.memory_space<semaphore_mem>>)
        %add3A_74 = arith.constant 0 : i32
        %add3A_75 = arith.constant 1 : i32
        %add3A_76 = arith.addi %add3A_74, %add3A_75 : i32
        %select_n3A_77 = arith.constant true
        %select_n3A_78 = arith.constant 0 : i32
        %select_n3A_79 = arith.select %select_n3A_77, %add3A_76, %select_n3A_78 : i32
        %while3A = arith.constant 0 : i32
        %while3A_80 = arith.constant 0 : i32
        %while3A_81 = arith.constant 0 : i32
        %while3A_82 = arith.constant 0 : i32
        %while3A_83 = arith.constant 0 : i32
        "tpu.trace_stop"() : () -> ()
        %while3A_84 = arith.subi %mul3A_16, %while3A : i32
        %while3A_85 = arith.addi %while3A, %while3A_84 : i32
        %while3A_86 = arith.constant 1 : i32
        %while3A_87 = arith.divsi %while3A_84, %while3A_86 : i32
        %while3A_88 = arith.muli %while3A_87, %while3A_86 : i32
        %while3A_89 = arith.addi %while3A, %while3A_88 : i32
        %while3A_90 = arith.constant 1 : i32
        %while3A_91:5 = scf.for %while3A_145 = %while3A to %while3A_89 step %while3A_90 iter_args(%while3A_146 = %select_n3A_79, %while3A_147 = %while3A_80, %while3A_148 = %while3A_81, %while3A_149 = %while3A_82, %while3A_150 = %while3A_83) -> (i32, i32, i32, i32, i32)  : i32 {
          %mul3A_151 = arith.constant 1 : i32
          %mul3A_152 = arith.muli %mul3A_151, %select_n3A : i32
          %eq3A_153 = arith.constant 0 : i32
          %eq3A_154 = arith.cmpi eq, %while3A_145, %eq3A_153 : i32
          %sub3A_155 = arith.constant 1 : i32
          %sub3A_156 = arith.subi %mul3A_152, %sub3A_155 : i32
          %eq3A_157 = arith.cmpi eq, %while3A_145, %sub3A_156 : i32
          %add3A_158 = arith.addi %while3A_150, %select_n3A_14 : i32
          %sub3A_159 = arith.constant 1 : i32
          %sub3A_160 = arith.subi %while3A_150, %sub3A_159 : i32
          %select_n3A_161 = arith.constant true
          %select_n3A_162 = arith.select %select_n3A_161, %sub3A_160, %while3A_150 : i32
          %eq3A_163 = arith.constant -1 : i32
          %eq3A_164 = arith.cmpi eq, %select_n3A_162, %eq3A_163 : i32
          %sub3A_165 = arith.constant 1 : i32
          %sub3A_166 = arith.subi %select_n3A, %sub3A_165 : i32
          %select_n3A_167 = arith.select %eq3A_164, %sub3A_166, %select_n3A_162 : i32
          %add3A_168 = arith.addi %select_n3A_167, %select_n3A_14 : i32
          %add3A_169 = arith.constant 1 : i32
          %add3A_170 = arith.addi %while3A_150, %add3A_169 : i32
          %select_n3A_171 = arith.constant true
          %select_n3A_172 = arith.select %select_n3A_171, %add3A_170, %while3A_150 : i32
          %eq3A_173 = arith.cmpi eq, %select_n3A_172, %select_n3A : i32
          %select_n3A_174 = arith.constant 0 : i32
          %select_n3A_175 = arith.select %eq3A_173, %select_n3A_174, %select_n3A_172 : i32
          %add3A_176 = arith.addi %select_n3A_175, %select_n3A_14 : i32
          %add3A_177 = arith.constant 1 : i32
          %add3A_178 = arith.addi %select_n3A_175, %add3A_177 : i32
          %select_n3A_179 = arith.constant true
          %select_n3A_180 = arith.select %select_n3A_179, %add3A_178, %select_n3A_175 : i32
          %eq3A_181 = arith.cmpi eq, %select_n3A_180, %select_n3A : i32
          %select_n3A_182 = arith.constant 0 : i32
          %select_n3A_183 = arith.select %eq3A_181, %select_n3A_182, %select_n3A_180 : i32
          %add3A_184 = arith.addi %select_n3A_183, %select_n3A_14 : i32
          %ne3A = arith.cmpi ne, %add3A_158, %add3A_176 : i32
          %or3A = arith.constant false
          %or3A_185 = arith.ori %or3A, %ne3A : i1
          %sub3A_186 = arith.constant 2 : i32
          %sub3A_187 = arith.subi %mul3A_152, %sub3A_186 : i32
          %add3A_188 = arith.constant 1 : i32
          %add3A_189 = arith.addi %sub3A_187, %add3A_188 : i32
          %ge3A = arith.cmpi sge, %while3A_145, %add3A_189 : i32
          %not3A = arith.constant true
          %not3A_190 = arith.xori %ge3A, %not3A : i1
          %and3A = arith.andi %or3A_185, %not3A_190 : i1
          %convert_element_type3A_191 = arith.extui %and3A : i1 to i32
          %cond3A_192 = arith.constant 0 : i32
          %cond3A_193 = arith.cmpi ne, %convert_element_type3A_191, %cond3A_192 : i32
          scf.if %cond3A_193 {
            "tpu.trace_start"() <{level = 10 : i32, message = "ep_copy_in"}> : () -> ()
            %rem3A_297 = arith.constant 2 : i32
            %rem3A_298 = arith.remui %while3A_146, %rem3A_297 : i32
            %mul3A_299 = arith.constant 128 : i32
            %mul3A_300 = arith.muli %mul3A_299, %add3A_176 : i32
            %dma_start3A_301 = arith.constant 0 : i32
            %dma_start3A_302 = arith.constant 0 : i32
            %dma_start3A_303 = tpu.memref_slice %run_scoped3A[%rem3A_298, %dma_start3A_301, %dma_start3A_302] : memref<2x1x128xi32, #tpu.memory_space<vmem>> -> memref<1x1x128xi32, #tpu.memory_space<vmem>>
            %dma_start3A_304 = tpu.memref_squeeze %dma_start3A_303 : memref<1x1x128xi32, #tpu.memory_space<vmem>> -> memref<1x128xi32, #tpu.memory_space<vmem>>
            %dma_start3A_305 = arith.constant 0 : i32
            %dma_start3A_306 = tpu.memref_slice %arg3[%dma_start3A_305, %mul3A_300] : memref<1x9216xi32, #tpu.memory_space<hbm>> -> memref<1x128xi32, #tpu.memory_space<hbm>>
            %dma_start3A_307 = tpu.memref_slice %run_scoped3A_20[%rem3A_298] : memref<2x!tpu.dma_semaphore, #tpu.memory_space<semaphore_mem>> -> memref<1x!tpu.dma_semaphore, #tpu.memory_space<semaphore_mem>>
            %dma_start3A_308 = tpu.memref_squeeze %dma_start3A_307 : memref<1x!tpu.dma_semaphore, #tpu.memory_space<semaphore_mem>> -> memref<!tpu.dma_semaphore, #tpu.memory_space<semaphore_mem>>
            %dma_start3A_309 = arith.constant 0 : i32
            %dma_start3A_310 = arith.constant 0 : i32
            %dma_start3A_311 = tpu.memref_slice %run_scoped3A[%rem3A_298, %dma_start3A_309, %dma_start3A_310] : memref<2x1x128xi32, #tpu.memory_space<vmem>> -> memref<1x1x128xi32, #tpu.memory_space<vmem>>
            %dma_start3A_312 = tpu.memref_squeeze %dma_start3A_311 : memref<1x1x128xi32, #tpu.memory_space<vmem>> -> memref<1x128xi32, #tpu.memory_space<vmem>>
            %dma_start3A_313 = arith.constant 0 : i32
            %dma_start3A_314 = tpu.memref_slice %arg3[%dma_start3A_313, %mul3A_300] : memref<1x9216xi32, #tpu.memory_space<hbm>> -> memref<1x128xi32, #tpu.memory_space<hbm>>
            tpu.enqueue_dma source(%dma_start3A_314 : memref<1x128xi32, #tpu.memory_space<hbm>>) target(%dma_start3A_312 : memref<1x128xi32, #tpu.memory_space<vmem>>) target_semaphore(%dma_start3A_308 : memref<!tpu.dma_semaphore, #tpu.memory_space<semaphore_mem>>)
            "tpu.trace_stop"() : () -> ()
          } else {
          }
          %and3A_194 = arith.constant true
          %and3A_195 = arith.andi %and3A, %and3A_194 : i1
          %add3A_196 = arith.constant 1 : i32
          %add3A_197 = arith.addi %while3A_146, %add3A_196 : i32
          %select_n3A_198 = arith.select %and3A_195, %add3A_197, %while3A_146 : i32
          %ne3A_199 = arith.cmpi ne, %add3A_158, %add3A_176 : i32
          %or3A_200 = arith.constant false
          %or3A_201 = arith.ori %or3A_200, %ne3A_199 : i1
          %or3A_202 = arith.constant false
          %or3A_203 = arith.ori %or3A_201, %or3A_202 : i1
          %sub3A_204 = arith.constant 2 : i32
          %sub3A_205 = arith.subi %mul3A_152, %sub3A_204 : i32
          %add3A_206 = arith.constant 1 : i32
          %add3A_207 = arith.addi %sub3A_205, %add3A_206 : i32
          %ge3A_208 = arith.cmpi sge, %while3A_145, %add3A_207 : i32
          %not3A_209 = arith.constant true
          %not3A_210 = arith.xori %ge3A_208, %not3A_209 : i1
          %and3A_211 = arith.andi %or3A_203, %not3A_210 : i1
          %ne3A_212 = arith.cmpi ne, %add3A_158, %add3A_168 : i32
          %or3A_213 = arith.constant false
          %or3A_214 = arith.ori %or3A_213, %ne3A_212 : i1
          %or3A_215 = arith.ori %or3A_214, %eq3A_154 : i1
          %convert_element_type3A_216 = arith.extui %or3A_215 : i1 to i32
          %cond3A_217 = arith.constant 0 : i32
          %cond3A_218 = arith.cmpi ne, %convert_element_type3A_216, %cond3A_217 : i32
          scf.if %cond3A_218 {
            "tpu.trace_start"() <{level = 10 : i32, message = "ep_wait_in"}> : () -> ()
            %mul3A_297 = arith.constant 128 : i32
            %mul3A_298 = arith.muli %mul3A_297, %add3A_158 : i32
            %rem3A_299 = arith.constant 2 : i32
            %rem3A_300 = arith.remui %while3A_147, %rem3A_299 : i32
            %dma_wait3A = arith.constant 0 : i32
            %dma_wait3A_301 = arith.constant 0 : i32
            %dma_wait3A_302 = tpu.memref_slice %run_scoped3A[%rem3A_300, %dma_wait3A, %dma_wait3A_301] : memref<2x1x128xi32, #tpu.memory_space<vmem>> -> memref<1x1x128xi32, #tpu.memory_space<vmem>>
            %dma_wait3A_303 = tpu.memref_squeeze %dma_wait3A_302 : memref<1x1x128xi32, #tpu.memory_space<vmem>> -> memref<1x128xi32, #tpu.memory_space<vmem>>
            %dma_wait3A_304 = arith.constant 0 : i32
            %dma_wait3A_305 = tpu.memref_slice %arg3[%dma_wait3A_304, %mul3A_298] : memref<1x9216xi32, #tpu.memory_space<hbm>> -> memref<1x128xi32, #tpu.memory_space<hbm>>
            %dma_wait3A_306 = tpu.memref_slice %run_scoped3A_20[%rem3A_300] : memref<2x!tpu.dma_semaphore, #tpu.memory_space<semaphore_mem>> -> memref<1x!tpu.dma_semaphore, #tpu.memory_space<semaphore_mem>>
            %dma_wait3A_307 = tpu.memref_squeeze %dma_wait3A_306 : memref<1x!tpu.dma_semaphore, #tpu.memory_space<semaphore_mem>> -> memref<!tpu.dma_semaphore, #tpu.memory_space<semaphore_mem>>
            %dma_wait3A_308 = arith.constant 0 : i32
            %dma_wait3A_309 = arith.constant 0 : i32
            %dma_wait3A_310 = tpu.memref_slice %run_scoped3A[%rem3A_300, %dma_wait3A_308, %dma_wait3A_309] : memref<2x1x128xi32, #tpu.memory_space<vmem>> -> memref<1x1x128xi32, #tpu.memory_space<vmem>>
            %dma_wait3A_311 = tpu.memref_squeeze %dma_wait3A_310 : memref<1x1x128xi32, #tpu.memory_space<vmem>> -> memref<1x128xi32, #tpu.memory_space<vmem>>
            %dma_wait3A_312 = arith.constant 0 : i32
            %dma_wait3A_313 = tpu.memref_slice %arg3[%dma_wait3A_312, %mul3A_298] : memref<1x9216xi32, #tpu.memory_space<hbm>> -> memref<1x128xi32, #tpu.memory_space<hbm>>
            tpu.wait_dma2 semaphore(%dma_wait3A_307 : memref<!tpu.dma_semaphore, #tpu.memory_space<semaphore_mem>>) src(%dma_wait3A_313 : memref<1x128xi32, #tpu.memory_space<hbm>>) dst(%dma_wait3A_311 : memref<1x128xi32, #tpu.memory_space<vmem>>)
            "tpu.trace_stop"() : () -> ()
          } else {
          }
          %ne3A_219 = arith.cmpi ne, %add3A_158, %add3A_168 : i32
          %or3A_220 = arith.constant false
          %or3A_221 = arith.ori %or3A_220, %ne3A_219 : i1
          %or3A_222 = arith.constant false
          %or3A_223 = arith.ori %or3A_221, %or3A_222 : i1
          %or3A_224 = arith.ori %or3A_223, %eq3A_154 : i1
          %convert_element_type3A_225 = arith.extui %or3A_224 : i1 to i32
          %cond3A_226 = arith.constant 0 : i32
          %cond3A_227 = arith.cmpi ne, %convert_element_type3A_225, %cond3A_226 : i32
          scf.if %cond3A_227 {
          } else {
          }
          %rem3A_228 = arith.constant 2 : i32
          %rem3A_229 = arith.remui %while3A_147, %rem3A_228 : i32
          %rem3A_230 = arith.constant 2 : i32
          %rem3A_231 = arith.remui %while3A_148, %rem3A_230 : i32
          %run_scoped3A_232 = arith.constant 0 : i32
          "tpu.trace_start"() <{level = 10 : i32, message = "ep_run_kernel"}> : () -> ()
          "tpu.region"() ({
            %run_scoped3A_297 = tpu.sem_alloc : memref<!tpu.dma_semaphore, #tpu.memory_space<semaphore_mem>>
            %dma_start3A_298 = arith.constant 0 : i32
            %dma_start3A_299 = arith.constant 0 : i32
            %dma_start3A_300 = tpu.memref_slice %run_scoped3A_21[%rem3A_231, %dma_start3A_298, %dma_start3A_299] : memref<2x128x256xf32, #tpu.memory_space<vmem>> -> memref<1x128x256xf32, #tpu.memory_space<vmem>>
            %dma_start3A_301 = tpu.memref_squeeze %dma_start3A_300 : memref<1x128x256xf32, #tpu.memory_space<vmem>> -> memref<128x256xf32, #tpu.memory_space<vmem>>
            %dma_start3A_302 = arith.constant 0 : i32
            %dma_start3A_303 = arith.constant 0 : i32
            %dma_start3A_304 = tpu.memref_slice %run_scoped3A[%rem3A_229, %dma_start3A_302, %dma_start3A_303] : memref<2x1x128xi32, #tpu.memory_space<vmem>> -> memref<1x1x128xi32, #tpu.memory_space<vmem>>
            %dma_start3A_305 = tpu.memref_squeeze %dma_start3A_304 : memref<1x1x128xi32, #tpu.memory_space<vmem>> -> memref<1x128xi32, #tpu.memory_space<vmem>>
            %dma_start3A_306 = arith.constant 0 : i32
            %dma_start3A_307 = tpu.memref_slice %dma_start3A_305[%run_scoped3A_232, %dma_start3A_306] : memref<1x128xi32, #tpu.memory_space<vmem>> -> memref<1x128xi32, #tpu.memory_space<vmem>>
            %dma_start3A_308 = tpu.memref_squeeze %dma_start3A_307 : memref<1x128xi32, #tpu.memory_space<vmem>> -> memref<128xi32, #tpu.memory_space<vmem>>
            %dma_start3A_309 = arith.constant 0 : i32
            %dma_start3A_310 = arith.constant 0 : i32
            %dma_start3A_311 = tpu.memref_slice %arg2[%dma_start3A_309, %dma_start3A_310] : memref<8192x256xf32, #tpu.memory_space<hbm>> -> memref<8192x256xf32, #tpu.memory_space<hbm>>
            tpu.enqueue_indirect_dma source(%dma_start3A_311 : memref<8192x256xf32, #tpu.memory_space<hbm>>) target(%dma_start3A_301 : memref<128x256xf32, #tpu.memory_space<vmem>>) offsets(%dma_start3A_308 : memref<128xi32, #tpu.memory_space<vmem>>) semaphore(%run_scoped3A_297 : memref<!tpu.dma_semaphore, #tpu.memory_space<semaphore_mem>>)
            %dma_wait3A = arith.constant 0 : i32
            %dma_wait3A_312 = arith.constant 0 : i32
            %dma_wait3A_313 = tpu.memref_slice %run_scoped3A_21[%rem3A_231, %dma_wait3A, %dma_wait3A_312] : memref<2x128x256xf32, #tpu.memory_space<vmem>> -> memref<1x128x256xf32, #tpu.memory_space<vmem>>
            %dma_wait3A_314 = tpu.memref_squeeze %dma_wait3A_313 : memref<1x128x256xf32, #tpu.memory_space<vmem>> -> memref<128x256xf32, #tpu.memory_space<vmem>>
            %dma_wait3A_315 = arith.constant 0 : i32
            %dma_wait3A_316 = arith.constant 0 : i32
            %dma_wait3A_317 = tpu.memref_slice %run_scoped3A[%rem3A_229, %dma_wait3A_315, %dma_wait3A_316] : memref<2x1x128xi32, #tpu.memory_space<vmem>> -> memref<1x1x128xi32, #tpu.memory_space<vmem>>
            %dma_wait3A_318 = tpu.memref_squeeze %dma_wait3A_317 : memref<1x1x128xi32, #tpu.memory_space<vmem>> -> memref<1x128xi32, #tpu.memory_space<vmem>>
            %dma_wait3A_319 = arith.constant 0 : i32
            %dma_wait3A_320 = tpu.memref_slice %dma_wait3A_318[%run_scoped3A_232, %dma_wait3A_319] : memref<1x128xi32, #tpu.memory_space<vmem>> -> memref<1x128xi32, #tpu.memory_space<vmem>>
            %dma_wait3A_321 = tpu.memref_squeeze %dma_wait3A_320 : memref<1x128xi32, #tpu.memory_space<vmem>> -> memref<128xi32, #tpu.memory_space<vmem>>
            %dma_wait3A_322 = arith.constant 0 : i32
            %dma_wait3A_323 = arith.constant 0 : i32
            %dma_wait3A_324 = tpu.memref_slice %arg2[%dma_wait3A_322, %dma_wait3A_323] : memref<8192x256xf32, #tpu.memory_space<hbm>> -> memref<8192x256xf32, #tpu.memory_space<hbm>>
            tpu.wait_indirect_dma semaphore(%run_scoped3A_297 : memref<!tpu.dma_semaphore, #tpu.memory_space<semaphore_mem>>) src(%dma_wait3A_324 : memref<8192x256xf32, #tpu.memory_space<hbm>>) dst(%dma_wait3A_314 : memref<128x256xf32, #tpu.memory_space<vmem>>)
            tpu.yield
          }) : () -> ()
          "tpu.trace_stop"() : () -> ()
          %ne3A_233 = arith.cmpi ne, %add3A_158, %add3A_176 : i32
          %or3A_234 = arith.constant false
          %or3A_235 = arith.ori %or3A_234, %ne3A_233 : i1
          %or3A_236 = arith.ori %or3A_235, %eq3A_157 : i1
          %convert_element_type3A_237 = arith.extui %or3A_236 : i1 to i32
          %cond3A_238 = arith.constant 0 : i32
          %cond3A_239 = arith.cmpi ne, %convert_element_type3A_237, %cond3A_238 : i32
          scf.if %cond3A_239 {
          } else {
          }
          %and3A_240 = arith.constant false
          %and3A_241 = arith.andi %or3A_236, %and3A_240 : i1
          %ne3A_242 = arith.cmpi ne, %add3A_158, %add3A_176 : i32
          %or3A_243 = arith.constant false
          %or3A_244 = arith.ori %or3A_243, %ne3A_242 : i1
          %or3A_245 = arith.constant false
          %or3A_246 = arith.ori %or3A_244, %or3A_245 : i1
          %or3A_247 = arith.ori %or3A_246, %eq3A_157 : i1
          %convert_element_type3A_248 = arith.extui %or3A_247 : i1 to i32
          %cond3A_249 = arith.constant 0 : i32
          %cond3A_250 = arith.cmpi ne, %convert_element_type3A_248, %cond3A_249 : i32
          scf.if %cond3A_250 {
            "tpu.trace_start"() <{level = 10 : i32, message = "ep_copy_out"}> : () -> ()
            %rem3A_297 = arith.constant 2 : i32
            %rem3A_298 = arith.remui %while3A_148, %rem3A_297 : i32
            %mul3A_299 = arith.constant 128 : i32
            %mul3A_300 = arith.muli %mul3A_299, %add3A_158 : i32
            %dma_start3A_301 = arith.constant 0 : i32
            %dma_start3A_302 = arith.constant 0 : i32
            %dma_start3A_303 = tpu.memref_slice %run_scoped3A_21[%rem3A_298, %dma_start3A_301, %dma_start3A_302] : memref<2x128x256xf32, #tpu.memory_space<vmem>> -> memref<1x128x256xf32, #tpu.memory_space<vmem>>
            %dma_start3A_304 = tpu.memref_squeeze %dma_start3A_303 : memref<1x128x256xf32, #tpu.memory_space<vmem>> -> memref<128x256xf32, #tpu.memory_space<vmem>>
            %dma_start3A_305 = arith.constant 0 : i32
            %dma_start3A_306 = tpu.memref_slice %arg5[%mul3A_300, %dma_start3A_305] : memref<9216x256xf32, #tpu.memory_space<hbm>> -> memref<128x256xf32, #tpu.memory_space<hbm>>
            %dma_start3A_307 = tpu.memref_slice %run_scoped3A_22[%rem3A_298] : memref<2x!tpu.dma_semaphore, #tpu.memory_space<semaphore_mem>> -> memref<1x!tpu.dma_semaphore, #tpu.memory_space<semaphore_mem>>
            %dma_start3A_308 = tpu.memref_squeeze %dma_start3A_307 : memref<1x!tpu.dma_semaphore, #tpu.memory_space<semaphore_mem>> -> memref<!tpu.dma_semaphore, #tpu.memory_space<semaphore_mem>>
            %dma_start3A_309 = arith.constant 0 : i32
            %dma_start3A_310 = tpu.memref_slice %arg5[%mul3A_300, %dma_start3A_309] : memref<9216x256xf32, #tpu.memory_space<hbm>> -> memref<128x256xf32, #tpu.memory_space<hbm>>
            %dma_start3A_311 = arith.constant 0 : i32
            %dma_start3A_312 = arith.constant 0 : i32
            %dma_start3A_313 = tpu.memref_slice %run_scoped3A_21[%rem3A_298, %dma_start3A_311, %dma_start3A_312] : memref<2x128x256xf32, #tpu.memory_space<vmem>> -> memref<1x128x256xf32, #tpu.memory_space<vmem>>
            %dma_start3A_314 = tpu.memref_squeeze %dma_start3A_313 : memref<1x128x256xf32, #tpu.memory_space<vmem>> -> memref<128x256xf32, #tpu.memory_space<vmem>>
            tpu.enqueue_dma source(%dma_start3A_314 : memref<128x256xf32, #tpu.memory_space<vmem>>) target(%dma_start3A_310 : memref<128x256xf32, #tpu.memory_space<hbm>>) target_semaphore(%dma_start3A_308 : memref<!tpu.dma_semaphore, #tpu.memory_space<semaphore_mem>>)
            "tpu.trace_stop"() : () -> ()
          } else {
          }
          %and3A_251 = arith.constant true
          %and3A_252 = arith.andi %or3A_247, %and3A_251 : i1
          %add3A_253 = arith.constant 1 : i32
          %add3A_254 = arith.addi %while3A_148, %add3A_253 : i32
          %select_n3A_255 = arith.select %and3A_252, %add3A_254, %while3A_148 : i32
          %ne3A_256 = arith.cmpi ne, %add3A_158, %add3A_168 : i32
          %or3A_257 = arith.constant false
          %or3A_258 = arith.ori %or3A_257, %ne3A_256 : i1
          %not3A_259 = arith.constant true
          %not3A_260 = arith.xori %eq3A_154, %not3A_259 : i1
          %and3A_261 = arith.andi %or3A_258, %not3A_260 : i1
          %convert_element_type3A_262 = arith.extui %and3A_261 : i1 to i32
          %cond3A_263 = arith.constant 0 : i32
          %cond3A_264 = arith.cmpi ne, %convert_element_type3A_262, %cond3A_263 : i32
          scf.if %cond3A_264 {
          } else {
          }
          %and3A_265 = arith.constant false
          %and3A_266 = arith.andi %and3A_261, %and3A_265 : i1
          %ne3A_267 = arith.cmpi ne, %add3A_158, %add3A_168 : i32
          %or3A_268 = arith.constant false
          %or3A_269 = arith.ori %or3A_268, %ne3A_267 : i1
          %or3A_270 = arith.constant false
          %or3A_271 = arith.ori %or3A_269, %or3A_270 : i1
          %not3A_272 = arith.constant true
          %not3A_273 = arith.xori %eq3A_154, %not3A_272 : i1
          %and3A_274 = arith.andi %or3A_271, %not3A_273 : i1
          %convert_element_type3A_275 = arith.extui %and3A_274 : i1 to i32
          %cond3A_276 = arith.constant 0 : i32
          %cond3A_277 = arith.cmpi ne, %convert_element_type3A_275, %cond3A_276 : i32
          scf.if %cond3A_277 {
            "tpu.trace_start"() <{level = 10 : i32, message = "ep_wait_out"}> : () -> ()
            %rem3A_297 = arith.constant 2 : i32
            %rem3A_298 = arith.remui %while3A_149, %rem3A_297 : i32
            %mul3A_299 = arith.constant 128 : i32
            %mul3A_300 = arith.muli %mul3A_299, %add3A_168 : i32
            %dma_wait3A = arith.constant 0 : i32
            %dma_wait3A_301 = arith.constant 0 : i32
            %dma_wait3A_302 = tpu.memref_slice %run_scoped3A_21[%rem3A_298, %dma_wait3A, %dma_wait3A_301] : memref<2x128x256xf32, #tpu.memory_space<vmem>> -> memref<1x128x256xf32, #tpu.memory_space<vmem>>
            %dma_wait3A_303 = tpu.memref_squeeze %dma_wait3A_302 : memref<1x128x256xf32, #tpu.memory_space<vmem>> -> memref<128x256xf32, #tpu.memory_space<vmem>>
            %dma_wait3A_304 = arith.constant 0 : i32
            %dma_wait3A_305 = tpu.memref_slice %arg5[%mul3A_300, %dma_wait3A_304] : memref<9216x256xf32, #tpu.memory_space<hbm>> -> memref<128x256xf32, #tpu.memory_space<hbm>>
            %dma_wait3A_306 = tpu.memref_slice %run_scoped3A_22[%rem3A_298] : memref<2x!tpu.dma_semaphore, #tpu.memory_space<semaphore_mem>> -> memref<1x!tpu.dma_semaphore, #tpu.memory_space<semaphore_mem>>
            %dma_wait3A_307 = tpu.memref_squeeze %dma_wait3A_306 : memref<1x!tpu.dma_semaphore, #tpu.memory_space<semaphore_mem>> -> memref<!tpu.dma_semaphore, #tpu.memory_space<semaphore_mem>>
            %dma_wait3A_308 = arith.constant 0 : i32
            %dma_wait3A_309 = tpu.memref_slice %arg5[%mul3A_300, %dma_wait3A_308] : memref<9216x256xf32, #tpu.memory_space<hbm>> -> memref<128x256xf32, #tpu.memory_space<hbm>>
            %dma_wait3A_310 = arith.constant 0 : i32
            %dma_wait3A_311 = arith.constant 0 : i32
            %dma_wait3A_312 = tpu.memref_slice %run_scoped3A_21[%rem3A_298, %dma_wait3A_310, %dma_wait3A_311] : memref<2x128x256xf32, #tpu.memory_space<vmem>> -> memref<1x128x256xf32, #tpu.memory_space<vmem>>
            %dma_wait3A_313 = tpu.memref_squeeze %dma_wait3A_312 : memref<1x128x256xf32, #tpu.memory_space<vmem>> -> memref<128x256xf32, #tpu.memory_space<vmem>>
            tpu.wait_dma2 semaphore(%dma_wait3A_307 : memref<!tpu.dma_semaphore, #tpu.memory_space<semaphore_mem>>) src(%dma_wait3A_313 : memref<128x256xf32, #tpu.memory_space<vmem>>) dst(%dma_wait3A_309 : memref<128x256xf32, #tpu.memory_space<hbm>>)
            "tpu.trace_stop"() : () -> ()
          } else {
          }
          %and3A_278 = arith.constant true
          %and3A_279 = arith.andi %and3A_274, %and3A_278 : i1
          %add3A_280 = arith.constant 1 : i32
          %add3A_281 = arith.addi %while3A_149, %add3A_280 : i32
          %select_n3A_282 = arith.select %and3A_279, %add3A_281, %while3A_149 : i32
          %ne3A_283 = arith.cmpi ne, %add3A_158, %add3A_176 : i32
          %or3A_284 = arith.constant false
          %or3A_285 = arith.ori %or3A_284, %ne3A_283 : i1
          %or3A_286 = arith.ori %or3A_285, %eq3A_157 : i1
          %add3A_287 = arith.constant 1 : i32
          %add3A_288 = arith.addi %while3A_147, %add3A_287 : i32
          %select_n3A_289 = arith.select %or3A_286, %add3A_288, %while3A_147 : i32
          %add3A_290 = arith.constant 1 : i32
          %add3A_291 = arith.addi %while3A_150, %add3A_290 : i32
          %select_n3A_292 = arith.constant true
          %select_n3A_293 = arith.select %select_n3A_292, %add3A_291, %while3A_150 : i32
          %eq3A_294 = arith.cmpi eq, %select_n3A_293, %select_n3A : i32
          %select_n3A_295 = arith.constant 0 : i32
          %select_n3A_296 = arith.select %eq3A_294, %select_n3A_295, %select_n3A_293 : i32
          scf.yield %select_n3A_198, %select_n3A_289, %select_n3A_255, %select_n3A_282, %select_n3A_296 : i32, i32, i32, i32, i32
        }
        %while3A_92 = arith.constant 1 : i32
        %while3A_93:5 = scf.for %while3A_145 = %while3A_89 to %while3A_85 step %while3A_92 iter_args(%while3A_146 = %while3A_91#0, %while3A_147 = %while3A_91#1, %while3A_148 = %while3A_91#2, %while3A_149 = %while3A_91#3, %while3A_150 = %while3A_91#4) -> (i32, i32, i32, i32, i32)  : i32 {
          %mul3A_151 = arith.constant 1 : i32
          %mul3A_152 = arith.muli %mul3A_151, %select_n3A : i32
          %eq3A_153 = arith.constant 0 : i32
          %eq3A_154 = arith.cmpi eq, %while3A_145, %eq3A_153 : i32
          %sub3A_155 = arith.constant 1 : i32
          %sub3A_156 = arith.subi %mul3A_152, %sub3A_155 : i32
          %eq3A_157 = arith.cmpi eq, %while3A_145, %sub3A_156 : i32
          %add3A_158 = arith.addi %while3A_150, %select_n3A_14 : i32
          %sub3A_159 = arith.constant 1 : i32
          %sub3A_160 = arith.subi %while3A_150, %sub3A_159 : i32
          %select_n3A_161 = arith.constant true
          %select_n3A_162 = arith.select %select_n3A_161, %sub3A_160, %while3A_150 : i32
          %eq3A_163 = arith.constant -1 : i32
          %eq3A_164 = arith.cmpi eq, %select_n3A_162, %eq3A_163 : i32
          %sub3A_165 = arith.constant 1 : i32
          %sub3A_166 = arith.subi %select_n3A, %sub3A_165 : i32
          %select_n3A_167 = arith.select %eq3A_164, %sub3A_166, %select_n3A_162 : i32
          %add3A_168 = arith.addi %select_n3A_167, %select_n3A_14 : i32
          %add3A_169 = arith.constant 1 : i32
          %add3A_170 = arith.addi %while3A_150, %add3A_169 : i32
          %select_n3A_171 = arith.constant true
          %select_n3A_172 = arith.select %select_n3A_171, %add3A_170, %while3A_150 : i32
          %eq3A_173 = arith.cmpi eq, %select_n3A_172, %select_n3A : i32
          %select_n3A_174 = arith.constant 0 : i32
          %select_n3A_175 = arith.select %eq3A_173, %select_n3A_174, %select_n3A_172 : i32
          %add3A_176 = arith.addi %select_n3A_175, %select_n3A_14 : i32
          %add3A_177 = arith.constant 1 : i32
          %add3A_178 = arith.addi %select_n3A_175, %add3A_177 : i32
          %select_n3A_179 = arith.constant true
          %select_n3A_180 = arith.select %select_n3A_179, %add3A_178, %select_n3A_175 : i32
          %eq3A_181 = arith.cmpi eq, %select_n3A_180, %select_n3A : i32
          %select_n3A_182 = arith.constant 0 : i32
          %select_n3A_183 = arith.select %eq3A_181, %select_n3A_182, %select_n3A_180 : i32
          %add3A_184 = arith.addi %select_n3A_183, %select_n3A_14 : i32
          %ne3A = arith.cmpi ne, %add3A_158, %add3A_176 : i32
          %or3A = arith.constant false
          %or3A_185 = arith.ori %or3A, %ne3A : i1
          %sub3A_186 = arith.constant 2 : i32
          %sub3A_187 = arith.subi %mul3A_152, %sub3A_186 : i32
          %add3A_188 = arith.constant 1 : i32
          %add3A_189 = arith.addi %sub3A_187, %add3A_188 : i32
          %ge3A = arith.cmpi sge, %while3A_145, %add3A_189 : i32
          %not3A = arith.constant true
          %not3A_190 = arith.xori %ge3A, %not3A : i1
          %and3A = arith.andi %or3A_185, %not3A_190 : i1
          %convert_element_type3A_191 = arith.extui %and3A : i1 to i32
          %cond3A_192 = arith.constant 0 : i32
          %cond3A_193 = arith.cmpi ne, %convert_element_type3A_191, %cond3A_192 : i32
          scf.if %cond3A_193 {
            "tpu.trace_start"() <{level = 10 : i32, message = "ep_copy_in"}> : () -> ()
            %rem3A_297 = arith.constant 2 : i32
            %rem3A_298 = arith.remui %while3A_146, %rem3A_297 : i32
            %mul3A_299 = arith.constant 128 : i32
            %mul3A_300 = arith.muli %mul3A_299, %add3A_176 : i32
            %dma_start3A_301 = arith.constant 0 : i32
            %dma_start3A_302 = arith.constant 0 : i32
            %dma_start3A_303 = tpu.memref_slice %run_scoped3A[%rem3A_298, %dma_start3A_301, %dma_start3A_302] : memref<2x1x128xi32, #tpu.memory_space<vmem>> -> memref<1x1x128xi32, #tpu.memory_space<vmem>>
            %dma_start3A_304 = tpu.memref_squeeze %dma_start3A_303 : memref<1x1x128xi32, #tpu.memory_space<vmem>> -> memref<1x128xi32, #tpu.memory_space<vmem>>
            %dma_start3A_305 = arith.constant 0 : i32
            %dma_start3A_306 = tpu.memref_slice %arg3[%dma_start3A_305, %mul3A_300] : memref<1x9216xi32, #tpu.memory_space<hbm>> -> memref<1x128xi32, #tpu.memory_space<hbm>>
            %dma_start3A_307 = tpu.memref_slice %run_scoped3A_20[%rem3A_298] : memref<2x!tpu.dma_semaphore, #tpu.memory_space<semaphore_mem>> -> memref<1x!tpu.dma_semaphore, #tpu.memory_space<semaphore_mem>>
            %dma_start3A_308 = tpu.memref_squeeze %dma_start3A_307 : memref<1x!tpu.dma_semaphore, #tpu.memory_space<semaphore_mem>> -> memref<!tpu.dma_semaphore, #tpu.memory_space<semaphore_mem>>
            %dma_start3A_309 = arith.constant 0 : i32
            %dma_start3A_310 = arith.constant 0 : i32
            %dma_start3A_311 = tpu.memref_slice %run_scoped3A[%rem3A_298, %dma_start3A_309, %dma_start3A_310] : memref<2x1x128xi32, #tpu.memory_space<vmem>> -> memref<1x1x128xi32, #tpu.memory_space<vmem>>
            %dma_start3A_312 = tpu.memref_squeeze %dma_start3A_311 : memref<1x1x128xi32, #tpu.memory_space<vmem>> -> memref<1x128xi32, #tpu.memory_space<vmem>>
            %dma_start3A_313 = arith.constant 0 : i32
            %dma_start3A_314 = tpu.memref_slice %arg3[%dma_start3A_313, %mul3A_300] : memref<1x9216xi32, #tpu.memory_space<hbm>> -> memref<1x128xi32, #tpu.memory_space<hbm>>
            tpu.enqueue_dma source(%dma_start3A_314 : memref<1x128xi32, #tpu.memory_space<hbm>>) target(%dma_start3A_312 : memref<1x128xi32, #tpu.memory_space<vmem>>) target_semaphore(%dma_start3A_308 : memref<!tpu.dma_semaphore, #tpu.memory_space<semaphore_mem>>)
            "tpu.trace_stop"() : () -> ()
          } else {
          }
          %and3A_194 = arith.constant true
          %and3A_195 = arith.andi %and3A, %and3A_194 : i1
          %add3A_196 = arith.constant 1 : i32
          %add3A_197 = arith.addi %while3A_146, %add3A_196 : i32
          %select_n3A_198 = arith.select %and3A_195, %add3A_197, %while3A_146 : i32
          %ne3A_199 = arith.cmpi ne, %add3A_158, %add3A_176 : i32
          %or3A_200 = arith.constant false
          %or3A_201 = arith.ori %or3A_200, %ne3A_199 : i1
          %or3A_202 = arith.constant false
          %or3A_203 = arith.ori %or3A_201, %or3A_202 : i1
          %sub3A_204 = arith.constant 2 : i32
          %sub3A_205 = arith.subi %mul3A_152, %sub3A_204 : i32
          %add3A_206 = arith.constant 1 : i32
          %add3A_207 = arith.addi %sub3A_205, %add3A_206 : i32
          %ge3A_208 = arith.cmpi sge, %while3A_145, %add3A_207 : i32
          %not3A_209 = arith.constant true
          %not3A_210 = arith.xori %ge3A_208, %not3A_209 : i1
          %and3A_211 = arith.andi %or3A_203, %not3A_210 : i1
          %ne3A_212 = arith.cmpi ne, %add3A_158, %add3A_168 : i32
          %or3A_213 = arith.constant false
          %or3A_214 = arith.ori %or3A_213, %ne3A_212 : i1
          %or3A_215 = arith.ori %or3A_214, %eq3A_154 : i1
          %convert_element_type3A_216 = arith.extui %or3A_215 : i1 to i32
          %cond3A_217 = arith.constant 0 : i32
          %cond3A_218 = arith.cmpi ne, %convert_element_type3A_216, %cond3A_217 : i32
          scf.if %cond3A_218 {
            "tpu.trace_start"() <{level = 10 : i32, message = "ep_wait_in"}> : () -> ()
            %mul3A_297 = arith.constant 128 : i32
            %mul3A_298 = arith.muli %mul3A_297, %add3A_158 : i32
            %rem3A_299 = arith.constant 2 : i32
            %rem3A_300 = arith.remui %while3A_147, %rem3A_299 : i32
            %dma_wait3A = arith.constant 0 : i32
            %dma_wait3A_301 = arith.constant 0 : i32
            %dma_wait3A_302 = tpu.memref_slice %run_scoped3A[%rem3A_300, %dma_wait3A, %dma_wait3A_301] : memref<2x1x128xi32, #tpu.memory_space<vmem>> -> memref<1x1x128xi32, #tpu.memory_space<vmem>>
            %dma_wait3A_303 = tpu.memref_squeeze %dma_wait3A_302 : memref<1x1x128xi32, #tpu.memory_space<vmem>> -> memref<1x128xi32, #tpu.memory_space<vmem>>
            %dma_wait3A_304 = arith.constant 0 : i32
            %dma_wait3A_305 = tpu.memref_slice %arg3[%dma_wait3A_304, %mul3A_298] : memref<1x9216xi32, #tpu.memory_space<hbm>> -> memref<1x128xi32, #tpu.memory_space<hbm>>
            %dma_wait3A_306 = tpu.memref_slice %run_scoped3A_20[%rem3A_300] : memref<2x!tpu.dma_semaphore, #tpu.memory_space<semaphore_mem>> -> memref<1x!tpu.dma_semaphore, #tpu.memory_space<semaphore_mem>>
            %dma_wait3A_307 = tpu.memref_squeeze %dma_wait3A_306 : memref<1x!tpu.dma_semaphore, #tpu.memory_space<semaphore_mem>> -> memref<!tpu.dma_semaphore, #tpu.memory_space<semaphore_mem>>
            %dma_wait3A_308 = arith.constant 0 : i32
            %dma_wait3A_309 = arith.constant 0 : i32
            %dma_wait3A_310 = tpu.memref_slice %run_scoped3A[%rem3A_300, %dma_wait3A_308, %dma_wait3A_309] : memref<2x1x128xi32, #tpu.memory_space<vmem>> -> memref<1x1x128xi32, #tpu.memory_space<vmem>>
            %dma_wait3A_311 = tpu.memref_squeeze %dma_wait3A_310 : memref<1x1x128xi32, #tpu.memory_space<vmem>> -> memref<1x128xi32, #tpu.memory_space<vmem>>
            %dma_wait3A_312 = arith.constant 0 : i32
            %dma_wait3A_313 = tpu.memref_slice %arg3[%dma_wait3A_312, %mul3A_298] : memref<1x9216xi32, #tpu.memory_space<hbm>> -> memref<1x128xi32, #tpu.memory_space<hbm>>
            tpu.wait_dma2 semaphore(%dma_wait3A_307 : memref<!tpu.dma_semaphore, #tpu.memory_space<semaphore_mem>>) src(%dma_wait3A_313 : memref<1x128xi32, #tpu.memory_space<hbm>>) dst(%dma_wait3A_311 : memref<1x128xi32, #tpu.memory_space<vmem>>)
            "tpu.trace_stop"() : () -> ()
          } else {
          }
          %ne3A_219 = arith.cmpi ne, %add3A_158, %add3A_168 : i32
          %or3A_220 = arith.constant false
          %or3A_221 = arith.ori %or3A_220, %ne3A_219 : i1
          %or3A_222 = arith.constant false
          %or3A_223 = arith.ori %or3A_221, %or3A_222 : i1
          %or3A_224 = arith.ori %or3A_223, %eq3A_154 : i1
          %convert_element_type3A_225 = arith.extui %or3A_224 : i1 to i32
          %cond3A_226 = arith.constant 0 : i32
          %cond3A_227 = arith.cmpi ne, %convert_element_type3A_225, %cond3A_226 : i32
          scf.if %cond3A_227 {
          } else {
          }
          %rem3A_228 = arith.constant 2 : i32
          %rem3A_229 = arith.remui %while3A_147, %rem3A_228 : i32
          %rem3A_230 = arith.constant 2 : i32
          %rem3A_231 = arith.remui %while3A_148, %rem3A_230 : i32
          %run_scoped3A_232 = arith.constant 0 : i32
          "tpu.trace_start"() <{level = 10 : i32, message = "ep_run_kernel"}> : () -> ()
          "tpu.region"() ({
            %run_scoped3A_297 = tpu.sem_alloc : memref<!tpu.dma_semaphore, #tpu.memory_space<semaphore_mem>>
            %dma_start3A_298 = arith.constant 0 : i32
            %dma_start3A_299 = arith.constant 0 : i32
            %dma_start3A_300 = tpu.memref_slice %run_scoped3A_21[%rem3A_231, %dma_start3A_298, %dma_start3A_299] : memref<2x128x256xf32, #tpu.memory_space<vmem>> -> memref<1x128x256xf32, #tpu.memory_space<vmem>>
            %dma_start3A_301 = tpu.memref_squeeze %dma_start3A_300 : memref<1x128x256xf32, #tpu.memory_space<vmem>> -> memref<128x256xf32, #tpu.memory_space<vmem>>
            %dma_start3A_302 = arith.constant 0 : i32
            %dma_start3A_303 = arith.constant 0 : i32
            %dma_start3A_304 = tpu.memref_slice %run_scoped3A[%rem3A_229, %dma_start3A_302, %dma_start3A_303] : memref<2x1x128xi32, #tpu.memory_space<vmem>> -> memref<1x1x128xi32, #tpu.memory_space<vmem>>
            %dma_start3A_305 = tpu.memref_squeeze %dma_start3A_304 : memref<1x1x128xi32, #tpu.memory_space<vmem>> -> memref<1x128xi32, #tpu.memory_space<vmem>>
            %dma_start3A_306 = arith.constant 0 : i32
            %dma_start3A_307 = tpu.memref_slice %dma_start3A_305[%run_scoped3A_232, %dma_start3A_306] : memref<1x128xi32, #tpu.memory_space<vmem>> -> memref<1x128xi32, #tpu.memory_space<vmem>>
            %dma_start3A_308 = tpu.memref_squeeze %dma_start3A_307 : memref<1x128xi32, #tpu.memory_space<vmem>> -> memref<128xi32, #tpu.memory_space<vmem>>
            %dma_start3A_309 = arith.constant 0 : i32
            %dma_start3A_310 = arith.constant 0 : i32
            %dma_start3A_311 = tpu.memref_slice %arg2[%dma_start3A_309, %dma_start3A_310] : memref<8192x256xf32, #tpu.memory_space<hbm>> -> memref<8192x256xf32, #tpu.memory_space<hbm>>
            tpu.enqueue_indirect_dma source(%dma_start3A_311 : memref<8192x256xf32, #tpu.memory_space<hbm>>) target(%dma_start3A_301 : memref<128x256xf32, #tpu.memory_space<vmem>>) offsets(%dma_start3A_308 : memref<128xi32, #tpu.memory_space<vmem>>) semaphore(%run_scoped3A_297 : memref<!tpu.dma_semaphore, #tpu.memory_space<semaphore_mem>>)
            %dma_wait3A = arith.constant 0 : i32
            %dma_wait3A_312 = arith.constant 0 : i32
            %dma_wait3A_313 = tpu.memref_slice %run_scoped3A_21[%rem3A_231, %dma_wait3A, %dma_wait3A_312] : memref<2x128x256xf32, #tpu.memory_space<vmem>> -> memref<1x128x256xf32, #tpu.memory_space<vmem>>
            %dma_wait3A_314 = tpu.memref_squeeze %dma_wait3A_313 : memref<1x128x256xf32, #tpu.memory_space<vmem>> -> memref<128x256xf32, #tpu.memory_space<vmem>>
            %dma_wait3A_315 = arith.constant 0 : i32
            %dma_wait3A_316 = arith.constant 0 : i32
            %dma_wait3A_317 = tpu.memref_slice %run_scoped3A[%rem3A_229, %dma_wait3A_315, %dma_wait3A_316] : memref<2x1x128xi32, #tpu.memory_space<vmem>> -> memref<1x1x128xi32, #tpu.memory_space<vmem>>
            %dma_wait3A_318 = tpu.memref_squeeze %dma_wait3A_317 : memref<1x1x128xi32, #tpu.memory_space<vmem>> -> memref<1x128xi32, #tpu.memory_space<vmem>>
            %dma_wait3A_319 = arith.constant 0 : i32
            %dma_wait3A_320 = tpu.memref_slice %dma_wait3A_318[%run_scoped3A_232, %dma_wait3A_319] : memref<1x128xi32, #tpu.memory_space<vmem>> -> memref<1x128xi32, #tpu.memory_space<vmem>>
            %dma_wait3A_321 = tpu.memref_squeeze %dma_wait3A_320 : memref<1x128xi32, #tpu.memory_space<vmem>> -> memref<128xi32, #tpu.memory_space<vmem>>
            %dma_wait3A_322 = arith.constant 0 : i32
            %dma_wait3A_323 = arith.constant 0 : i32
            %dma_wait3A_324 = tpu.memref_slice %arg2[%dma_wait3A_322, %dma_wait3A_323] : memref<8192x256xf32, #tpu.memory_space<hbm>> -> memref<8192x256xf32, #tpu.memory_space<hbm>>
            tpu.wait_indirect_dma semaphore(%run_scoped3A_297 : memref<!tpu.dma_semaphore, #tpu.memory_space<semaphore_mem>>) src(%dma_wait3A_324 : memref<8192x256xf32, #tpu.memory_space<hbm>>) dst(%dma_wait3A_314 : memref<128x256xf32, #tpu.memory_space<vmem>>)
            tpu.yield
          }) : () -> ()
          "tpu.trace_stop"() : () -> ()
          %ne3A_233 = arith.cmpi ne, %add3A_158, %add3A_176 : i32
          %or3A_234 = arith.constant false
          %or3A_235 = arith.ori %or3A_234, %ne3A_233 : i1
          %or3A_236 = arith.ori %or3A_235, %eq3A_157 : i1
          %convert_element_type3A_237 = arith.extui %or3A_236 : i1 to i32
          %cond3A_238 = arith.constant 0 : i32
          %cond3A_239 = arith.cmpi ne, %convert_element_type3A_237, %cond3A_238 : i32
          scf.if %cond3A_239 {
          } else {
          }
          %and3A_240 = arith.constant false
          %and3A_241 = arith.andi %or3A_236, %and3A_240 : i1
          %ne3A_242 = arith.cmpi ne, %add3A_158, %add3A_176 : i32
          %or3A_243 = arith.constant false
          %or3A_244 = arith.ori %or3A_243, %ne3A_242 : i1
          %or3A_245 = arith.constant false
          %or3A_246 = arith.ori %or3A_244, %or3A_245 : i1
          %or3A_247 = arith.ori %or3A_246, %eq3A_157 : i1
          %convert_element_type3A_248 = arith.extui %or3A_247 : i1 to i32
          %cond3A_249 = arith.constant 0 : i32
          %cond3A_250 = arith.cmpi ne, %convert_element_type3A_248, %cond3A_249 : i32
          scf.if %cond3A_250 {
            "tpu.trace_start"() <{level = 10 : i32, message = "ep_copy_out"}> : () -> ()
            %rem3A_297 = arith.constant 2 : i32
            %rem3A_298 = arith.remui %while3A_148, %rem3A_297 : i32
            %mul3A_299 = arith.constant 128 : i32
            %mul3A_300 = arith.muli %mul3A_299, %add3A_158 : i32
            %dma_start3A_301 = arith.constant 0 : i32
            %dma_start3A_302 = arith.constant 0 : i32
            %dma_start3A_303 = tpu.memref_slice %run_scoped3A_21[%rem3A_298, %dma_start3A_301, %dma_start3A_302] : memref<2x128x256xf32, #tpu.memory_space<vmem>> -> memref<1x128x256xf32, #tpu.memory_space<vmem>>
            %dma_start3A_304 = tpu.memref_squeeze %dma_start3A_303 : memref<1x128x256xf32, #tpu.memory_space<vmem>> -> memref<128x256xf32, #tpu.memory_space<vmem>>
            %dma_start3A_305 = arith.constant 0 : i32
            %dma_start3A_306 = tpu.memref_slice %arg5[%mul3A_300, %dma_start3A_305] : memref<9216x256xf32, #tpu.memory_space<hbm>> -> memref<128x256xf32, #tpu.memory_space<hbm>>
            %dma_start3A_307 = tpu.memref_slice %run_scoped3A_22[%rem3A_298] : memref<2x!tpu.dma_semaphore, #tpu.memory_space<semaphore_mem>> -> memref<1x!tpu.dma_semaphore, #tpu.memory_space<semaphore_mem>>
            %dma_start3A_308 = tpu.memref_squeeze %dma_start3A_307 : memref<1x!tpu.dma_semaphore, #tpu.memory_space<semaphore_mem>> -> memref<!tpu.dma_semaphore, #tpu.memory_space<semaphore_mem>>
            %dma_start3A_309 = arith.constant 0 : i32
            %dma_start3A_310 = tpu.memref_slice %arg5[%mul3A_300, %dma_start3A_309] : memref<9216x256xf32, #tpu.memory_space<hbm>> -> memref<128x256xf32, #tpu.memory_space<hbm>>
            %dma_start3A_311 = arith.constant 0 : i32
            %dma_start3A_312 = arith.constant 0 : i32
            %dma_start3A_313 = tpu.memref_slice %run_scoped3A_21[%rem3A_298, %dma_start3A_311, %dma_start3A_312] : memref<2x128x256xf32, #tpu.memory_space<vmem>> -> memref<1x128x256xf32, #tpu.memory_space<vmem>>
            %dma_start3A_314 = tpu.memref_squeeze %dma_start3A_313 : memref<1x128x256xf32, #tpu.memory_space<vmem>> -> memref<128x256xf32, #tpu.memory_space<vmem>>
            tpu.enqueue_dma source(%dma_start3A_314 : memref<128x256xf32, #tpu.memory_space<vmem>>) target(%dma_start3A_310 : memref<128x256xf32, #tpu.memory_space<hbm>>) target_semaphore(%dma_start3A_308 : memref<!tpu.dma_semaphore, #tpu.memory_space<semaphore_mem>>)
            "tpu.trace_stop"() : () -> ()
          } else {
          }
          %and3A_251 = arith.constant true
          %and3A_252 = arith.andi %or3A_247, %and3A_251 : i1
          %add3A_253 = arith.constant 1 : i32
          %add3A_254 = arith.addi %while3A_148, %add3A_253 : i32
          %select_n3A_255 = arith.select %and3A_252, %add3A_254, %while3A_148 : i32
          %ne3A_256 = arith.cmpi ne, %add3A_158, %add3A_168 : i32
          %or3A_257 = arith.constant false
          %or3A_258 = arith.ori %or3A_257, %ne3A_256 : i1
          %not3A_259 = arith.constant true
          %not3A_260 = arith.xori %eq3A_154, %not3A_259 : i1
          %and3A_261 = arith.andi %or3A_258, %not3A_260 : i1
          %convert_element_type3A_262 = arith.extui %and3A_261 : i1 to i32
          %cond3A_263 = arith.constant 0 : i32
          %cond3A_264 = arith.cmpi ne, %convert_element_type3A_262, %cond3A_263 : i32
          scf.if %cond3A_264 {
          } else {
          }
          %and3A_265 = arith.constant false
          %and3A_266 = arith.andi %and3A_261, %and3A_265 : i1
          %ne3A_267 = arith.cmpi ne, %add3A_158, %add3A_168 : i32
          %or3A_268 = arith.constant false
          %or3A_269 = arith.ori %or3A_268, %ne3A_267 : i1
          %or3A_270 = arith.constant false
          %or3A_271 = arith.ori %or3A_269, %or3A_270 : i1
          %not3A_272 = arith.constant true
          %not3A_273 = arith.xori %eq3A_154, %not3A_272 : i1
          %and3A_274 = arith.andi %or3A_271, %not3A_273 : i1
          %convert_element_type3A_275 = arith.extui %and3A_274 : i1 to i32
          %cond3A_276 = arith.constant 0 : i32
          %cond3A_277 = arith.cmpi ne, %convert_element_type3A_275, %cond3A_276 : i32
          scf.if %cond3A_277 {
            "tpu.trace_start"() <{level = 10 : i32, message = "ep_wait_out"}> : () -> ()
            %rem3A_297 = arith.constant 2 : i32
            %rem3A_298 = arith.remui %while3A_149, %rem3A_297 : i32
            %mul3A_299 = arith.constant 128 : i32
            %mul3A_300 = arith.muli %mul3A_299, %add3A_168 : i32
            %dma_wait3A = arith.constant 0 : i32
            %dma_wait3A_301 = arith.constant 0 : i32
            %dma_wait3A_302 = tpu.memref_slice %run_scoped3A_21[%rem3A_298, %dma_wait3A, %dma_wait3A_301] : memref<2x128x256xf32, #tpu.memory_space<vmem>> -> memref<1x128x256xf32, #tpu.memory_space<vmem>>
            %dma_wait3A_303 = tpu.memref_squeeze %dma_wait3A_302 : memref<1x128x256xf32, #tpu.memory_space<vmem>> -> memref<128x256xf32, #tpu.memory_space<vmem>>
            %dma_wait3A_304 = arith.constant 0 : i32
            %dma_wait3A_305 = tpu.memref_slice %arg5[%mul3A_300, %dma_wait3A_304] : memref<9216x256xf32, #tpu.memory_space<hbm>> -> memref<128x256xf32, #tpu.memory_space<hbm>>
            %dma_wait3A_306 = tpu.memref_slice %run_scoped3A_22[%rem3A_298] : memref<2x!tpu.dma_semaphore, #tpu.memory_space<semaphore_mem>> -> memref<1x!tpu.dma_semaphore, #tpu.memory_space<semaphore_mem>>
            %dma_wait3A_307 = tpu.memref_squeeze %dma_wait3A_306 : memref<1x!tpu.dma_semaphore, #tpu.memory_space<semaphore_mem>> -> memref<!tpu.dma_semaphore, #tpu.memory_space<semaphore_mem>>
            %dma_wait3A_308 = arith.constant 0 : i32
            %dma_wait3A_309 = tpu.memref_slice %arg5[%mul3A_300, %dma_wait3A_308] : memref<9216x256xf32, #tpu.memory_space<hbm>> -> memref<128x256xf32, #tpu.memory_space<hbm>>
            %dma_wait3A_310 = arith.constant 0 : i32
            %dma_wait3A_311 = arith.constant 0 : i32
            %dma_wait3A_312 = tpu.memref_slice %run_scoped3A_21[%rem3A_298, %dma_wait3A_310, %dma_wait3A_311] : memref<2x128x256xf32, #tpu.memory_space<vmem>> -> memref<1x128x256xf32, #tpu.memory_space<vmem>>
            %dma_wait3A_313 = tpu.memref_squeeze %dma_wait3A_312 : memref<1x128x256xf32, #tpu.memory_space<vmem>> -> memref<128x256xf32, #tpu.memory_space<vmem>>
            tpu.wait_dma2 semaphore(%dma_wait3A_307 : memref<!tpu.dma_semaphore, #tpu.memory_space<semaphore_mem>>) src(%dma_wait3A_313 : memref<128x256xf32, #tpu.memory_space<vmem>>) dst(%dma_wait3A_309 : memref<128x256xf32, #tpu.memory_space<hbm>>)
            "tpu.trace_stop"() : () -> ()
          } else {
          }
          %and3A_278 = arith.constant true
          %and3A_279 = arith.andi %and3A_274, %and3A_278 : i1
          %add3A_280 = arith.constant 1 : i32
          %add3A_281 = arith.addi %while3A_149, %add3A_280 : i32
          %select_n3A_282 = arith.select %and3A_279, %add3A_281, %while3A_149 : i32
          %ne3A_283 = arith.cmpi ne, %add3A_158, %add3A_176 : i32
          %or3A_284 = arith.constant false
          %or3A_285 = arith.ori %or3A_284, %ne3A_283 : i1
          %or3A_286 = arith.ori %or3A_285, %eq3A_157 : i1
          %add3A_287 = arith.constant 1 : i32
          %add3A_288 = arith.addi %while3A_147, %add3A_287 : i32
          %select_n3A_289 = arith.select %or3A_286, %add3A_288, %while3A_147 : i32
          %add3A_290 = arith.constant 1 : i32
          %add3A_291 = arith.addi %while3A_150, %add3A_290 : i32
          %select_n3A_292 = arith.constant true
          %select_n3A_293 = arith.select %select_n3A_292, %add3A_291, %while3A_150 : i32
          %eq3A_294 = arith.cmpi eq, %select_n3A_293, %select_n3A : i32
          %select_n3A_295 = arith.constant 0 : i32
          %select_n3A_296 = arith.select %eq3A_294, %select_n3A_295, %select_n3A_293 : i32
          scf.yield %select_n3A_198, %select_n3A_289, %select_n3A_255, %select_n3A_282, %select_n3A_296 : i32, i32, i32, i32, i32
        }
        %sub3A_94 = arith.constant 1 : i32
        %sub3A_95 = arith.subi %while3A_93#4, %sub3A_94 : i32
        %select_n3A_96 = arith.constant true
        %select_n3A_97 = arith.select %select_n3A_96, %sub3A_95, %while3A_93#4 : i32
        %eq3A_98 = arith.constant -1 : i32
        %eq3A_99 = arith.cmpi eq, %select_n3A_97, %eq3A_98 : i32
        %sub3A_100 = arith.constant 1 : i32
        %sub3A_101 = arith.subi %select_n3A, %sub3A_100 : i32
        %select_n3A_102 = arith.select %eq3A_99, %sub3A_101, %select_n3A_97 : i32
        %sub3A_103 = arith.constant 1 : i32
        %sub3A_104 = arith.subi %mul3A_16, %sub3A_103 : i32
        %mul3A_105 = arith.constant 1 : i32
        %mul3A_106 = arith.muli %mul3A_105, %select_n3A : i32
        %eq3A_107 = arith.constant 0 : i32
        %eq3A_108 = arith.cmpi eq, %sub3A_104, %eq3A_107 : i32
        %sub3A_109 = arith.constant 1 : i32
        %sub3A_110 = arith.subi %mul3A_106, %sub3A_109 : i32
        %eq3A_111 = arith.cmpi eq, %sub3A_104, %sub3A_110 : i32
        %add3A_112 = arith.addi %select_n3A_102, %select_n3A_14 : i32
        %sub3A_113 = arith.constant 1 : i32
        %sub3A_114 = arith.subi %select_n3A_102, %sub3A_113 : i32
        %select_n3A_115 = arith.constant true
        %select_n3A_116 = arith.select %select_n3A_115, %sub3A_114, %select_n3A_102 : i32
        %eq3A_117 = arith.constant -1 : i32
        %eq3A_118 = arith.cmpi eq, %select_n3A_116, %eq3A_117 : i32
        %sub3A_119 = arith.constant 1 : i32
        %sub3A_120 = arith.subi %select_n3A, %sub3A_119 : i32
        %select_n3A_121 = arith.select %eq3A_118, %sub3A_120, %select_n3A_116 : i32
        %add3A_122 = arith.addi %select_n3A_121, %select_n3A_14 : i32
        %add3A_123 = arith.constant 1 : i32
        %add3A_124 = arith.addi %select_n3A_102, %add3A_123 : i32
        %select_n3A_125 = arith.constant true
        %select_n3A_126 = arith.select %select_n3A_125, %add3A_124, %select_n3A_102 : i32
        %eq3A_127 = arith.cmpi eq, %select_n3A_126, %select_n3A : i32
        %select_n3A_128 = arith.constant 0 : i32
        %select_n3A_129 = arith.select %eq3A_127, %select_n3A_128, %select_n3A_126 : i32
        %add3A_130 = arith.addi %select_n3A_129, %select_n3A_14 : i32
        %add3A_131 = arith.constant 1 : i32
        %add3A_132 = arith.addi %select_n3A_129, %add3A_131 : i32
        %select_n3A_133 = arith.constant true
        %select_n3A_134 = arith.select %select_n3A_133, %add3A_132, %select_n3A_129 : i32
        %eq3A_135 = arith.cmpi eq, %select_n3A_134, %select_n3A : i32
        %select_n3A_136 = arith.constant 0 : i32
        %select_n3A_137 = arith.select %eq3A_135, %select_n3A_136, %select_n3A_134 : i32
        %add3A_138 = arith.addi %select_n3A_137, %select_n3A_14 : i32
        %convert_element_type3A_139 = arith.extui %eq3A_111 : i1 to i32
        %cond3A_140 = arith.constant 0 : i32
        %cond3A_141 = arith.cmpi ne, %convert_element_type3A_139, %cond3A_140 : i32
        scf.if %cond3A_141 {
        } else {
        }
        %convert_element_type3A_142 = arith.extui %eq3A_111 : i1 to i32
        %cond3A_143 = arith.constant 0 : i32
        %cond3A_144 = arith.cmpi ne, %convert_element_type3A_142, %cond3A_143 : i32
        scf.if %cond3A_144 {
          "tpu.trace_start"() <{level = 10 : i32, message = "ep_finalize"}> : () -> ()
          %rem3A_145 = arith.constant 2 : i32
          %rem3A_146 = arith.remui %while3A_93#3, %rem3A_145 : i32
          %mul3A_147 = arith.constant 128 : i32
          %mul3A_148 = arith.muli %mul3A_147, %add3A_112 : i32
          %dma_wait3A = arith.constant 0 : i32
          %dma_wait3A_149 = arith.constant 0 : i32
          %dma_wait3A_150 = tpu.memref_slice %run_scoped3A_21[%rem3A_146, %dma_wait3A, %dma_wait3A_149] : memref<2x128x256xf32, #tpu.memory_space<vmem>> -> memref<1x128x256xf32, #tpu.memory_space<vmem>>
          %dma_wait3A_151 = tpu.memref_squeeze %dma_wait3A_150 : memref<1x128x256xf32, #tpu.memory_space<vmem>> -> memref<128x256xf32, #tpu.memory_space<vmem>>
          %dma_wait3A_152 = arith.constant 0 : i32
          %dma_wait3A_153 = tpu.memref_slice %arg5[%mul3A_148, %dma_wait3A_152] : memref<9216x256xf32, #tpu.memory_space<hbm>> -> memref<128x256xf32, #tpu.memory_space<hbm>>
          %dma_wait3A_154 = tpu.memref_slice %run_scoped3A_22[%rem3A_146] : memref<2x!tpu.dma_semaphore, #tpu.memory_space<semaphore_mem>> -> memref<1x!tpu.dma_semaphore, #tpu.memory_space<semaphore_mem>>
          %dma_wait3A_155 = tpu.memref_squeeze %dma_wait3A_154 : memref<1x!tpu.dma_semaphore, #tpu.memory_space<semaphore_mem>> -> memref<!tpu.dma_semaphore, #tpu.memory_space<semaphore_mem>>
          %dma_wait3A_156 = arith.constant 0 : i32
          %dma_wait3A_157 = tpu.memref_slice %arg5[%mul3A_148, %dma_wait3A_156] : memref<9216x256xf32, #tpu.memory_space<hbm>> -> memref<128x256xf32, #tpu.memory_space<hbm>>
          %dma_wait3A_158 = arith.constant 0 : i32
          %dma_wait3A_159 = arith.constant 0 : i32
          %dma_wait3A_160 = tpu.memref_slice %run_scoped3A_21[%rem3A_146, %dma_wait3A_158, %dma_wait3A_159] : memref<2x128x256xf32, #tpu.memory_space<vmem>> -> memref<1x128x256xf32, #tpu.memory_space<vmem>>
          %dma_wait3A_161 = tpu.memref_squeeze %dma_wait3A_160 : memref<1x128x256xf32, #tpu.memory_space<vmem>> -> memref<128x256xf32, #tpu.memory_space<vmem>>
          tpu.wait_dma2 semaphore(%dma_wait3A_155 : memref<!tpu.dma_semaphore, #tpu.memory_space<semaphore_mem>>) src(%dma_wait3A_161 : memref<128x256xf32, #tpu.memory_space<vmem>>) dst(%dma_wait3A_157 : memref<128x256xf32, #tpu.memory_space<hbm>>)
          "tpu.trace_stop"() : () -> ()
        } else {
        }
      } else {
      }
      tpu.yield
    }) : () -> ()
    %mul3A_17 = arith.constant 16 : i32
    %mul3A_18 = arith.muli %arg0, %mul3A_17 : i32
    %add3A_19 = arith.addi %mul3A_18, %arg1 : i32
    "tpu.region"() ({
      %run_scoped3A = memref.alloca() : memref<8208xi32, #tpu.memory_space<vmem>>
      %run_scoped3A_20 = memref.alloca() : memref<128xi32, #tpu.memory_space<vmem>>
      %run_scoped3A_21 = memref.alloca() : memref<16xi32, #tpu.memory_space<vmem>>
      %run_scoped3A_22 = tpu.sem_alloc : memref<!tpu.dma_semaphore, #tpu.memory_space<semaphore_mem>>
      %dma_start3A = arith.constant 0 : i32
      %dma_start3A_23 = arith.constant 0 : i32
      %dma_start3A_24 = tpu.memref_slice %arg4[%dma_start3A, %dma_start3A_23] : memref<1x16xi32, #tpu.memory_space<hbm>> -> memref<1x16xi32, #tpu.memory_space<hbm>>
      %dma_start3A_25 = tpu.memref_squeeze %dma_start3A_24 : memref<1x16xi32, #tpu.memory_space<hbm>> -> memref<16xi32, #tpu.memory_space<hbm>>
      %dma_start3A_26 = arith.constant 0 : i32
      %dma_start3A_27 = tpu.memref_slice %arg4[%dma_start3A, %dma_start3A_26] : memref<1x16xi32, #tpu.memory_space<hbm>> -> memref<1x16xi32, #tpu.memory_space<hbm>>
      %dma_start3A_28 = tpu.memref_squeeze %dma_start3A_27 : memref<1x16xi32, #tpu.memory_space<hbm>> -> memref<16xi32, #tpu.memory_space<hbm>>
      tpu.enqueue_dma source(%dma_start3A_28 : memref<16xi32, #tpu.memory_space<hbm>>) target(%run_scoped3A_21 : memref<16xi32, #tpu.memory_space<vmem>>) target_semaphore(%run_scoped3A_22 : memref<!tpu.dma_semaphore, #tpu.memory_space<semaphore_mem>>)
      %dma_wait3A = arith.constant 0 : i32
      %dma_wait3A_29 = arith.constant 0 : i32
      %dma_wait3A_30 = tpu.memref_slice %arg4[%dma_wait3A, %dma_wait3A_29] : memref<1x16xi32, #tpu.memory_space<hbm>> -> memref<1x16xi32, #tpu.memory_space<hbm>>
      %dma_wait3A_31 = tpu.memref_squeeze %dma_wait3A_30 : memref<1x16xi32, #tpu.memory_space<hbm>> -> memref<16xi32, #tpu.memory_space<hbm>>
      %dma_wait3A_32 = arith.constant 0 : i32
      %dma_wait3A_33 = tpu.memref_slice %arg4[%dma_wait3A, %dma_wait3A_32] : memref<1x16xi32, #tpu.memory_space<hbm>> -> memref<1x16xi32, #tpu.memory_space<hbm>>
      %dma_wait3A_34 = tpu.memref_squeeze %dma_wait3A_33 : memref<1x16xi32, #tpu.memory_space<hbm>> -> memref<16xi32, #tpu.memory_space<hbm>>
      tpu.wait_dma2 semaphore(%run_scoped3A_22 : memref<!tpu.dma_semaphore, #tpu.memory_space<semaphore_mem>>) src(%dma_wait3A_34 : memref<16xi32, #tpu.memory_space<hbm>>) dst(%run_scoped3A_21 : memref<16xi32, #tpu.memory_space<vmem>>)
      %get3A = arith.constant 0 : index
      %get3A_35 = tpu.vector_load %run_scoped3A_21[%get3A] {strides = array<i32>} : memref<16xi32, #tpu.memory_space<vmem>>, vector<16xi32>,
      %get3A_36 = vector.shape_cast %get3A_35 : vector<16xi32> to vector<16xi32>
      %scan3A = arith.constant 0 : i32
      %scan3A_37 = arith.constant 513 : i32
      %scan3A_38 = arith.addi %scan3A, %scan3A_37 : i32
      %scan3A_39 = arith.constant 1 : i32
      scf.for %scan3A_80 = %scan3A to %scan3A_38 step %scan3A_39  : i32 {
        %mul3A_81 = arith.constant 1 : i32
        %mul3A_82 = arith.muli %scan3A_80, %mul3A_81 : i32
        %add3A_83 = arith.constant 0 : i32
        %add3A_84 = arith.addi %add3A_83, %mul3A_82 : i32
        %broadcast_in_dim3A = arith.constant 0 : i32
        %broadcast_in_dim3A_85 = vector.broadcast %broadcast_in_dim3A : i32 to vector<16xi32>
        %mul3A_86 = arith.constant 16 : i32
        %mul3A_87 = arith.muli %add3A_84, %mul3A_86 : i32
        %swap3A = arith.index_cast %mul3A_87 : i32 to index
        %swap3A_88 = tpu.vector_load %run_scoped3A[%swap3A] {strides = array<i32>} : memref<8208xi32, #tpu.memory_space<vmem>>, vector<16xi32>,
        %swap3A_89 = vector.shape_cast %swap3A_88 : vector<16xi32> to vector<16xi32>
        %swap3A_90 = vector.shape_cast %broadcast_in_dim3A_85 : vector<16xi32> to vector<16xi32>
        tpu.vector_store %run_scoped3A[%swap3A], %swap3A_90 {strides = array<i32>} : memref<8208xi32, #tpu.memory_space<vmem>>, vector<16xi32>,
      }
      %scan3A_40 = arith.constant 513 : i32
      %add3A_41 = arith.constant 0 : i32
      %add3A_42 = arith.addi %add3A_19, %add3A_41 : i32
      %lt3A_43 = arith.constant 72 : i32
      %lt3A_44 = arith.cmpi slt, %add3A_42, %lt3A_43 : i32
      %convert_element_type3A = arith.extui %lt3A_44 : i1 to i32
      %cond3A = arith.constant 0 : i32
      %cond3A_45 = arith.cmpi ne, %convert_element_type3A, %cond3A : i32
      scf.if %cond3A_45 {
        %mul3A_80 = arith.constant 128 : i32
        %mul3A_81 = arith.muli %add3A_42, %mul3A_80 : i32
        %multiple_of3A = tpu.assume_multiple %mul3A_81, 128 : i32
        %dma_start3A_82 = arith.constant 0 : i32
        %dma_start3A_83 = tpu.memref_slice %arg3[%dma_start3A_82, %multiple_of3A] : memref<1x9216xi32, #tpu.memory_space<hbm>> -> memref<1x128xi32, #tpu.memory_space<hbm>>
        %dma_start3A_84 = tpu.memref_squeeze %dma_start3A_83 : memref<1x128xi32, #tpu.memory_space<hbm>> -> memref<128xi32, #tpu.memory_space<hbm>>
        %dma_start3A_85 = tpu.memref_slice %arg3[%dma_start3A_82, %multiple_of3A] : memref<1x9216xi32, #tpu.memory_space<hbm>> -> memref<1x128xi32, #tpu.memory_space<hbm>>
        %dma_start3A_86 = tpu.memref_squeeze %dma_start3A_85 : memref<1x128xi32, #tpu.memory_space<hbm>> -> memref<128xi32, #tpu.memory_space<hbm>>
        tpu.enqueue_dma source(%dma_start3A_86 : memref<128xi32, #tpu.memory_space<hbm>>) target(%run_scoped3A_20 : memref<128xi32, #tpu.memory_space<vmem>>) target_semaphore(%run_scoped3A_22 : memref<!tpu.dma_semaphore, #tpu.memory_space<semaphore_mem>>)
        %dma_wait3A_87 = arith.constant 0 : i32
        %dma_wait3A_88 = tpu.memref_slice %arg3[%dma_wait3A_87, %multiple_of3A] : memref<1x9216xi32, #tpu.memory_space<hbm>> -> memref<1x128xi32, #tpu.memory_space<hbm>>
        %dma_wait3A_89 = tpu.memref_squeeze %dma_wait3A_88 : memref<1x128xi32, #tpu.memory_space<hbm>> -> memref<128xi32, #tpu.memory_space<hbm>>
        %dma_wait3A_90 = tpu.memref_slice %arg3[%dma_wait3A_87, %multiple_of3A] : memref<1x9216xi32, #tpu.memory_space<hbm>> -> memref<1x128xi32, #tpu.memory_space<hbm>>
        %dma_wait3A_91 = tpu.memref_squeeze %dma_wait3A_90 : memref<1x128xi32, #tpu.memory_space<hbm>> -> memref<128xi32, #tpu.memory_space<hbm>>
        tpu.wait_dma2 semaphore(%run_scoped3A_22 : memref<!tpu.dma_semaphore, #tpu.memory_space<semaphore_mem>>) src(%dma_wait3A_91 : memref<128xi32, #tpu.memory_space<hbm>>) dst(%run_scoped3A_20 : memref<128xi32, #tpu.memory_space<vmem>>)
        %scan3A_92 = arith.constant 0 : i32
        %scan3A_93 = arith.constant 8 : i32
        %scan3A_94 = arith.addi %scan3A_92, %scan3A_93 : i32
        %scan3A_95 = arith.constant 1 : i32
        scf.for %scan3A_97 = %scan3A_92 to %scan3A_94 step %scan3A_95  : i32 {
          %mul3A_98 = arith.constant 1 : i32
          %mul3A_99 = arith.muli %scan3A_97, %mul3A_98 : i32
          %add3A_100 = arith.constant 0 : i32
          %add3A_101 = arith.addi %add3A_100, %mul3A_99 : i32
          %mul3A_102 = arith.constant 16 : i32
          %mul3A_103 = arith.muli %add3A_101, %mul3A_102 : i32
          %get3A_104 = arith.index_cast %mul3A_103 : i32 to index
          %get3A_105 = tpu.vector_load %run_scoped3A_20[%get3A_104] {strides = array<i32>} : memref<128xi32, #tpu.memory_space<vmem>>, vector<16xi32>,
          %get3A_106 = vector.shape_cast %get3A_105 : vector<16xi32> to vector<16xi32>
          %slice3A = vector.extract_strided_slice %get3A_106 {offsets = [0], sizes = [1], strides = [1]} : vector<16xi32> to vector<1xi32>
          %squeeze3A = vector.extract %slice3A[0] : i32 from vector<1xi32>
          %get3A_107 = arith.index_cast %squeeze3A : i32 to index
          %get3A_108 = tpu.vector_load %run_scoped3A[%get3A_107] {strides = array<i32>} : memref<8208xi32, #tpu.memory_space<vmem>>, vector<16xi32>,
          %get3A_109 = vector.shape_cast %get3A_108 : vector<16xi32> to vector<16xi32>
          %add3A_110 = arith.addi %get3A_109, %get3A_36 : vector<16xi32>
          %swap3A = arith.index_cast %squeeze3A : i32 to index
          %swap3A_111 = tpu.vector_load %run_scoped3A[%swap3A] {strides = array<i32>} : memref<8208xi32, #tpu.memory_space<vmem>>, vector<16xi32>,
          %swap3A_112 = vector.shape_cast %swap3A_111 : vector<16xi32> to vector<16xi32>
          %swap3A_113 = vector.shape_cast %add3A_110 : vector<16xi32> to vector<16xi32>
          tpu.vector_store %run_scoped3A[%swap3A], %swap3A_113 {strides = array<i32>} : memref<8208xi32, #tpu.memory_space<vmem>>, vector<16xi32>,
          %slice3A_114 = vector.extract_strided_slice %get3A_106 {offsets = [1], sizes = [1], strides = [1]} : vector<16xi32> to vector<1xi32>
          %squeeze3A_115 = vector.extract %slice3A_114[0] : i32 from vector<1xi32>
          %get3A_116 = arith.index_cast %squeeze3A_115 : i32 to index
          %get3A_117 = tpu.vector_load %run_scoped3A[%get3A_116] {strides = array<i32>} : memref<8208xi32, #tpu.memory_space<vmem>>, vector<16xi32>,
          %get3A_118 = vector.shape_cast %get3A_117 : vector<16xi32> to vector<16xi32>
          %add3A_119 = arith.addi %get3A_118, %get3A_36 : vector<16xi32>
          %swap3A_120 = arith.index_cast %squeeze3A_115 : i32 to index
          %swap3A_121 = tpu.vector_load %run_scoped3A[%swap3A_120] {strides = array<i32>} : memref<8208xi32, #tpu.memory_space<vmem>>, vector<16xi32>,
          %swap3A_122 = vector.shape_cast %swap3A_121 : vector<16xi32> to vector<16xi32>
          %swap3A_123 = vector.shape_cast %add3A_119 : vector<16xi32> to vector<16xi32>
          tpu.vector_store %run_scoped3A[%swap3A_120], %swap3A_123 {strides = array<i32>} : memref<8208xi32, #tpu.memory_space<vmem>>, vector<16xi32>,
          %slice3A_124 = vector.extract_strided_slice %get3A_106 {offsets = [2], sizes = [1], strides = [1]} : vector<16xi32> to vector<1xi32>
          %squeeze3A_125 = vector.extract %slice3A_124[0] : i32 from vector<1xi32>
          %get3A_126 = arith.index_cast %squeeze3A_125 : i32 to index
          %get3A_127 = tpu.vector_load %run_scoped3A[%get3A_126] {strides = array<i32>} : memref<8208xi32, #tpu.memory_space<vmem>>, vector<16xi32>,
          %get3A_128 = vector.shape_cast %get3A_127 : vector<16xi32> to vector<16xi32>
          %add3A_129 = arith.addi %get3A_128, %get3A_36 : vector<16xi32>
          %swap3A_130 = arith.index_cast %squeeze3A_125 : i32 to index
          %swap3A_131 = tpu.vector_load %run_scoped3A[%swap3A_130] {strides = array<i32>} : memref<8208xi32, #tpu.memory_space<vmem>>, vector<16xi32>,
          %swap3A_132 = vector.shape_cast %swap3A_131 : vector<16xi32> to vector<16xi32>
          %swap3A_133 = vector.shape_cast %add3A_129 : vector<16xi32> to vector<16xi32>
          tpu.vector_store %run_scoped3A[%swap3A_130], %swap3A_133 {strides = array<i32>} : memref<8208xi32, #tpu.memory_space<vmem>>, vector<16xi32>,
          %slice3A_134 = vector.extract_strided_slice %get3A_106 {offsets = [3], sizes = [1], strides = [1]} : vector<16xi32> to vector<1xi32>
          %squeeze3A_135 = vector.extract %slice3A_134[0] : i32 from vector<1xi32>
          %get3A_136 = arith.index_cast %squeeze3A_135 : i32 to index
          %get3A_137 = tpu.vector_load %run_scoped3A[%get3A_136] {strides = array<i32>} : memref<8208xi32, #tpu.memory_space<vmem>>, vector<16xi32>,
          %get3A_138 = vector.shape_cast %get3A_137 : vector<16xi32> to vector<16xi32>
          %add3A_139 = arith.addi %get3A_138, %get3A_36 : vector<16xi32>
          %swap3A_140 = arith.index_cast %squeeze3A_135 : i32 to index
          %swap3A_141 = tpu.vector_load %run_scoped3A[%swap3A_140] {strides = array<i32>} : memref<8208xi32, #tpu.memory_space<vmem>>, vector<16xi32>,
          %swap3A_142 = vector.shape_cast %swap3A_141 : vector<16xi32> to vector<16xi32>
          %swap3A_143 = vector.shape_cast %add3A_139 : vector<16xi32> to vector<16xi32>
          tpu.vector_store %run_scoped3A[%swap3A_140], %swap3A_143 {strides = array<i32>} : memref<8208xi32, #tpu.memory_space<vmem>>, vector<16xi32>,
          %slice3A_144 = vector.extract_strided_slice %get3A_106 {offsets = [4], sizes = [1], strides = [1]} : vector<16xi32> to vector<1xi32>
          %squeeze3A_145 = vector.extract %slice3A_144[0] : i32 from vector<1xi32>
          %get3A_146 = arith.index_cast %squeeze3A_145 : i32 to index
          %get3A_147 = tpu.vector_load %run_scoped3A[%get3A_146] {strides = array<i32>} : memref<8208xi32, #tpu.memory_space<vmem>>, vector<16xi32>,
          %get3A_148 = vector.shape_cast %get3A_147 : vector<16xi32> to vector<16xi32>
          %add3A_149 = arith.addi %get3A_148, %get3A_36 : vector<16xi32>
          %swap3A_150 = arith.index_cast %squeeze3A_145 : i32 to index
          %swap3A_151 = tpu.vector_load %run_scoped3A[%swap3A_150] {strides = array<i32>} : memref<8208xi32, #tpu.memory_space<vmem>>, vector<16xi32>,
          %swap3A_152 = vector.shape_cast %swap3A_151 : vector<16xi32> to vector<16xi32>
          %swap3A_153 = vector.shape_cast %add3A_149 : vector<16xi32> to vector<16xi32>
          tpu.vector_store %run_scoped3A[%swap3A_150], %swap3A_153 {strides = array<i32>} : memref<8208xi32, #tpu.memory_space<vmem>>, vector<16xi32>,
          %slice3A_154 = vector.extract_strided_slice %get3A_106 {offsets = [5], sizes = [1], strides = [1]} : vector<16xi32> to vector<1xi32>
          %squeeze3A_155 = vector.extract %slice3A_154[0] : i32 from vector<1xi32>
          %get3A_156 = arith.index_cast %squeeze3A_155 : i32 to index
          %get3A_157 = tpu.vector_load %run_scoped3A[%get3A_156] {strides = array<i32>} : memref<8208xi32, #tpu.memory_space<vmem>>, vector<16xi32>,
          %get3A_158 = vector.shape_cast %get3A_157 : vector<16xi32> to vector<16xi32>
          %add3A_159 = arith.addi %get3A_158, %get3A_36 : vector<16xi32>
          %swap3A_160 = arith.index_cast %squeeze3A_155 : i32 to index
          %swap3A_161 = tpu.vector_load %run_scoped3A[%swap3A_160] {strides = array<i32>} : memref<8208xi32, #tpu.memory_space<vmem>>, vector<16xi32>,
          %swap3A_162 = vector.shape_cast %swap3A_161 : vector<16xi32> to vector<16xi32>
          %swap3A_163 = vector.shape_cast %add3A_159 : vector<16xi32> to vector<16xi32>
          tpu.vector_store %run_scoped3A[%swap3A_160], %swap3A_163 {strides = array<i32>} : memref<8208xi32, #tpu.memory_space<vmem>>, vector<16xi32>,
          %slice3A_164 = vector.extract_strided_slice %get3A_106 {offsets = [6], sizes = [1], strides = [1]} : vector<16xi32> to vector<1xi32>
          %squeeze3A_165 = vector.extract %slice3A_164[0] : i32 from vector<1xi32>
          %get3A_166 = arith.index_cast %squeeze3A_165 : i32 to index
          %get3A_167 = tpu.vector_load %run_scoped3A[%get3A_166] {strides = array<i32>} : memref<8208xi32, #tpu.memory_space<vmem>>, vector<16xi32>,
          %get3A_168 = vector.shape_cast %get3A_167 : vector<16xi32> to vector<16xi32>
          %add3A_169 = arith.addi %get3A_168, %get3A_36 : vector<16xi32>
          %swap3A_170 = arith.index_cast %squeeze3A_165 : i32 to index
          %swap3A_171 = tpu.vector_load %run_scoped3A[%swap3A_170] {strides = array<i32>} : memref<8208xi32, #tpu.memory_space<vmem>>, vector<16xi32>,
          %swap3A_172 = vector.shape_cast %swap3A_171 : vector<16xi32> to vector<16xi32>
          %swap3A_173 = vector.shape_cast %add3A_169 : vector<16xi32> to vector<16xi32>
          tpu.vector_store %run_scoped3A[%swap3A_170], %swap3A_173 {strides = array<i32>} : memref<8208xi32, #tpu.memory_space<vmem>>, vector<16xi32>,
          %slice3A_174 = vector.extract_strided_slice %get3A_106 {offsets = [7], sizes = [1], strides = [1]} : vector<16xi32> to vector<1xi32>
          %squeeze3A_175 = vector.extract %slice3A_174[0] : i32 from vector<1xi32>
          %get3A_176 = arith.index_cast %squeeze3A_175 : i32 to index
          %get3A_177 = tpu.vector_load %run_scoped3A[%get3A_176] {strides = array<i32>} : memref<8208xi32, #tpu.memory_space<vmem>>, vector<16xi32>,
          %get3A_178 = vector.shape_cast %get3A_177 : vector<16xi32> to vector<16xi32>
          %add3A_179 = arith.addi %get3A_178, %get3A_36 : vector<16xi32>
          %swap3A_180 = arith.index_cast %squeeze3A_175 : i32 to index
          %swap3A_181 = tpu.vector_load %run_scoped3A[%swap3A_180] {strides = array<i32>} : memref<8208xi32, #tpu.memory_space<vmem>>, vector<16xi32>,
          %swap3A_182 = vector.shape_cast %swap3A_181 : vector<16xi32> to vector<16xi32>
          %swap3A_183 = vector.shape_cast %add3A_179 : vector<16xi32> to vector<16xi32>
          tpu.vector_store %run_scoped3A[%swap3A_180], %swap3A_183 {strides = array<i32>} : memref<8208xi32, #tpu.memory_space<vmem>>, vector<16xi32>,
          %slice3A_184 = vector.extract_strided_slice %get3A_106 {offsets = [8], sizes = [1], strides = [1]} : vector<16xi32> to vector<1xi32>
          %squeeze3A_185 = vector.extract %slice3A_184[0] : i32 from vector<1xi32>
          %get3A_186 = arith.index_cast %squeeze3A_185 : i32 to index
          %get3A_187 = tpu.vector_load %run_scoped3A[%get3A_186] {strides = array<i32>} : memref<8208xi32, #tpu.memory_space<vmem>>, vector<16xi32>,
          %get3A_188 = vector.shape_cast %get3A_187 : vector<16xi32> to vector<16xi32>
          %add3A_189 = arith.addi %get3A_188, %get3A_36 : vector<16xi32>
          %swap3A_190 = arith.index_cast %squeeze3A_185 : i32 to index
          %swap3A_191 = tpu.vector_load %run_scoped3A[%swap3A_190] {strides = array<i32>} : memref<8208xi32, #tpu.memory_space<vmem>>, vector<16xi32>,
          %swap3A_192 = vector.shape_cast %swap3A_191 : vector<16xi32> to vector<16xi32>
          %swap3A_193 = vector.shape_cast %add3A_189 : vector<16xi32> to vector<16xi32>
          tpu.vector_store %run_scoped3A[%swap3A_190], %swap3A_193 {strides = array<i32>} : memref<8208xi32, #tpu.memory_space<vmem>>, vector<16xi32>,
          %slice3A_194 = vector.extract_strided_slice %get3A_106 {offsets = [9], sizes = [1], strides = [1]} : vector<16xi32> to vector<1xi32>
          %squeeze3A_195 = vector.extract %slice3A_194[0] : i32 from vector<1xi32>
          %get3A_196 = arith.index_cast %squeeze3A_195 : i32 to index
          %get3A_197 = tpu.vector_load %run_scoped3A[%get3A_196] {strides = array<i32>} : memref<8208xi32, #tpu.memory_space<vmem>>, vector<16xi32>,
          %get3A_198 = vector.shape_cast %get3A_197 : vector<16xi32> to vector<16xi32>
          %add3A_199 = arith.addi %get3A_198, %get3A_36 : vector<16xi32>
          %swap3A_200 = arith.index_cast %squeeze3A_195 : i32 to index
          %swap3A_201 = tpu.vector_load %run_scoped3A[%swap3A_200] {strides = array<i32>} : memref<8208xi32, #tpu.memory_space<vmem>>, vector<16xi32>,
          %swap3A_202 = vector.shape_cast %swap3A_201 : vector<16xi32> to vector<16xi32>
          %swap3A_203 = vector.shape_cast %add3A_199 : vector<16xi32> to vector<16xi32>
          tpu.vector_store %run_scoped3A[%swap3A_200], %swap3A_203 {strides = array<i32>} : memref<8208xi32, #tpu.memory_space<vmem>>, vector<16xi32>,
          %slice3A_204 = vector.extract_strided_slice %get3A_106 {offsets = [10], sizes = [1], strides = [1]} : vector<16xi32> to vector<1xi32>
          %squeeze3A_205 = vector.extract %slice3A_204[0] : i32 from vector<1xi32>
          %get3A_206 = arith.index_cast %squeeze3A_205 : i32 to index
          %get3A_207 = tpu.vector_load %run_scoped3A[%get3A_206] {strides = array<i32>} : memref<8208xi32, #tpu.memory_space<vmem>>, vector<16xi32>,
          %get3A_208 = vector.shape_cast %get3A_207 : vector<16xi32> to vector<16xi32>
          %add3A_209 = arith.addi %get3A_208, %get3A_36 : vector<16xi32>
          %swap3A_210 = arith.index_cast %squeeze3A_205 : i32 to index
          %swap3A_211 = tpu.vector_load %run_scoped3A[%swap3A_210] {strides = array<i32>} : memref<8208xi32, #tpu.memory_space<vmem>>, vector<16xi32>,
          %swap3A_212 = vector.shape_cast %swap3A_211 : vector<16xi32> to vector<16xi32>
          %swap3A_213 = vector.shape_cast %add3A_209 : vector<16xi32> to vector<16xi32>
          tpu.vector_store %run_scoped3A[%swap3A_210], %swap3A_213 {strides = array<i32>} : memref<8208xi32, #tpu.memory_space<vmem>>, vector<16xi32>,
          %slice3A_214 = vector.extract_strided_slice %get3A_106 {offsets = [11], sizes = [1], strides = [1]} : vector<16xi32> to vector<1xi32>
          %squeeze3A_215 = vector.extract %slice3A_214[0] : i32 from vector<1xi32>
          %get3A_216 = arith.index_cast %squeeze3A_215 : i32 to index
          %get3A_217 = tpu.vector_load %run_scoped3A[%get3A_216] {strides = array<i32>} : memref<8208xi32, #tpu.memory_space<vmem>>, vector<16xi32>,
          %get3A_218 = vector.shape_cast %get3A_217 : vector<16xi32> to vector<16xi32>
          %add3A_219 = arith.addi %get3A_218, %get3A_36 : vector<16xi32>
          %swap3A_220 = arith.index_cast %squeeze3A_215 : i32 to index
          %swap3A_221 = tpu.vector_load %run_scoped3A[%swap3A_220] {strides = array<i32>} : memref<8208xi32, #tpu.memory_space<vmem>>, vector<16xi32>,
          %swap3A_222 = vector.shape_cast %swap3A_221 : vector<16xi32> to vector<16xi32>
          %swap3A_223 = vector.shape_cast %add3A_219 : vector<16xi32> to vector<16xi32>
          tpu.vector_store %run_scoped3A[%swap3A_220], %swap3A_223 {strides = array<i32>} : memref<8208xi32, #tpu.memory_space<vmem>>, vector<16xi32>,
          %slice3A_224 = vector.extract_strided_slice %get3A_106 {offsets = [12], sizes = [1], strides = [1]} : vector<16xi32> to vector<1xi32>
          %squeeze3A_225 = vector.extract %slice3A_224[0] : i32 from vector<1xi32>
          %get3A_226 = arith.index_cast %squeeze3A_225 : i32 to index
          %get3A_227 = tpu.vector_load %run_scoped3A[%get3A_226] {strides = array<i32>} : memref<8208xi32, #tpu.memory_space<vmem>>, vector<16xi32>,
          %get3A_228 = vector.shape_cast %get3A_227 : vector<16xi32> to vector<16xi32>
          %add3A_229 = arith.addi %get3A_228, %get3A_36 : vector<16xi32>
          %swap3A_230 = arith.index_cast %squeeze3A_225 : i32 to index
          %swap3A_231 = tpu.vector_load %run_scoped3A[%swap3A_230] {strides = array<i32>} : memref<8208xi32, #tpu.memory_space<vmem>>, vector<16xi32>,
          %swap3A_232 = vector.shape_cast %swap3A_231 : vector<16xi32> to vector<16xi32>
          %swap3A_233 = vector.shape_cast %add3A_229 : vector<16xi32> to vector<16xi32>
          tpu.vector_store %run_scoped3A[%swap3A_230], %swap3A_233 {strides = array<i32>} : memref<8208xi32, #tpu.memory_space<vmem>>, vector<16xi32>,
          %slice3A_234 = vector.extract_strided_slice %get3A_106 {offsets = [13], sizes = [1], strides = [1]} : vector<16xi32> to vector<1xi32>
          %squeeze3A_235 = vector.extract %slice3A_234[0] : i32 from vector<1xi32>
          %get3A_236 = arith.index_cast %squeeze3A_235 : i32 to index
          %get3A_237 = tpu.vector_load %run_scoped3A[%get3A_236] {strides = array<i32>} : memref<8208xi32, #tpu.memory_space<vmem>>, vector<16xi32>,
          %get3A_238 = vector.shape_cast %get3A_237 : vector<16xi32> to vector<16xi32>
          %add3A_239 = arith.addi %get3A_238, %get3A_36 : vector<16xi32>
          %swap3A_240 = arith.index_cast %squeeze3A_235 : i32 to index
          %swap3A_241 = tpu.vector_load %run_scoped3A[%swap3A_240] {strides = array<i32>} : memref<8208xi32, #tpu.memory_space<vmem>>, vector<16xi32>,
          %swap3A_242 = vector.shape_cast %swap3A_241 : vector<16xi32> to vector<16xi32>
          %swap3A_243 = vector.shape_cast %add3A_239 : vector<16xi32> to vector<16xi32>
          tpu.vector_store %run_scoped3A[%swap3A_240], %swap3A_243 {strides = array<i32>} : memref<8208xi32, #tpu.memory_space<vmem>>, vector<16xi32>,
          %slice3A_244 = vector.extract_strided_slice %get3A_106 {offsets = [14], sizes = [1], strides = [1]} : vector<16xi32> to vector<1xi32>
          %squeeze3A_245 = vector.extract %slice3A_244[0] : i32 from vector<1xi32>
          %get3A_246 = arith.index_cast %squeeze3A_245 : i32 to index
          %get3A_247 = tpu.vector_load %run_scoped3A[%get3A_246] {strides = array<i32>} : memref<8208xi32, #tpu.memory_space<vmem>>, vector<16xi32>,
          %get3A_248 = vector.shape_cast %get3A_247 : vector<16xi32> to vector<16xi32>
          %add3A_249 = arith.addi %get3A_248, %get3A_36 : vector<16xi32>
          %swap3A_250 = arith.index_cast %squeeze3A_245 : i32 to index
          %swap3A_251 = tpu.vector_load %run_scoped3A[%swap3A_250] {strides = array<i32>} : memref<8208xi32, #tpu.memory_space<vmem>>, vector<16xi32>,
          %swap3A_252 = vector.shape_cast %swap3A_251 : vector<16xi32> to vector<16xi32>
          %swap3A_253 = vector.shape_cast %add3A_249 : vector<16xi32> to vector<16xi32>
          tpu.vector_store %run_scoped3A[%swap3A_250], %swap3A_253 {strides = array<i32>} : memref<8208xi32, #tpu.memory_space<vmem>>, vector<16xi32>,
          %slice3A_254 = vector.extract_strided_slice %get3A_106 {offsets = [15], sizes = [1], strides = [1]} : vector<16xi32> to vector<1xi32>
          %squeeze3A_255 = vector.extract %slice3A_254[0] : i32 from vector<1xi32>
          %get3A_256 = arith.index_cast %squeeze3A_255 : i32 to index
          %get3A_257 = tpu.vector_load %run_scoped3A[%get3A_256] {strides = array<i32>} : memref<8208xi32, #tpu.memory_space<vmem>>, vector<16xi32>,
          %get3A_258 = vector.shape_cast %get3A_257 : vector<16xi32> to vector<16xi32>
          %add3A_259 = arith.addi %get3A_258, %get3A_36 : vector<16xi32>
          %swap3A_260 = arith.index_cast %squeeze3A_255 : i32 to index
          %swap3A_261 = tpu.vector_load %run_scoped3A[%swap3A_260] {strides = array<i32>} : memref<8208xi32, #tpu.memory_space<vmem>>, vector<16xi32>,
          %swap3A_262 = vector.shape_cast %swap3A_261 : vector<16xi32> to vector<16xi32>
          %swap3A_263 = vector.shape_cast %add3A_259 : vector<16xi32> to vector<16xi32>
          tpu.vector_store %run_scoped3A[%swap3A_260], %swap3A_263 {strides = array<i32>} : memref<8208xi32, #tpu.memory_space<vmem>>, vector<16xi32>,
        }
        %scan3A_96 = arith.constant 8 : i32
      } else {
      }
      %add3A_46 = arith.constant 32 : i32
      %add3A_47 = arith.addi %add3A_19, %add3A_46 : i32
      %lt3A_48 = arith.constant 72 : i32
      %lt3A_49 = arith.cmpi slt, %add3A_47, %lt3A_48 : i32
      %convert_element_type3A_50 = arith.extui %lt3A_49 : i1 to i32
      %cond3A_51 = arith.constant 0 : i32
      %cond3A_52 = arith.cmpi ne, %convert_element_type3A_50, %cond3A_51 : i32
      scf.if %cond3A_52 {
        %mul3A_80 = arith.constant 128 : i32
        %mul3A_81 = arith.muli %add3A_47, %mul3A_80 : i32
        %multiple_of3A = tpu.assume_multiple %mul3A_81, 128 : i32
        %dma_start3A_82 = arith.constant 0 : i32
        %dma_start3A_83 = tpu.memref_slice %arg3[%dma_start3A_82, %multiple_of3A] : memref<1x9216xi32, #tpu.memory_space<hbm>> -> memref<1x128xi32, #tpu.memory_space<hbm>>
        %dma_start3A_84 = tpu.memref_squeeze %dma_start3A_83 : memref<1x128xi32, #tpu.memory_space<hbm>> -> memref<128xi32, #tpu.memory_space<hbm>>
        %dma_start3A_85 = tpu.memref_slice %arg3[%dma_start3A_82, %multiple_of3A] : memref<1x9216xi32, #tpu.memory_space<hbm>> -> memref<1x128xi32, #tpu.memory_space<hbm>>
        %dma_start3A_86 = tpu.memref_squeeze %dma_start3A_85 : memref<1x128xi32, #tpu.memory_space<hbm>> -> memref<128xi32, #tpu.memory_space<hbm>>
        tpu.enqueue_dma source(%dma_start3A_86 : memref<128xi32, #tpu.memory_space<hbm>>) target(%run_scoped3A_20 : memref<128xi32, #tpu.memory_space<vmem>>) target_semaphore(%run_scoped3A_22 : memref<!tpu.dma_semaphore, #tpu.memory_space<semaphore_mem>>)
        %dma_wait3A_87 = arith.constant 0 : i32
        %dma_wait3A_88 = tpu.memref_slice %arg3[%dma_wait3A_87, %multiple_of3A] : memref<1x9216xi32, #tpu.memory_space<hbm>> -> memref<1x128xi32, #tpu.memory_space<hbm>>
        %dma_wait3A_89 = tpu.memref_squeeze %dma_wait3A_88 : memref<1x128xi32, #tpu.memory_space<hbm>> -> memref<128xi32, #tpu.memory_space<hbm>>
        %dma_wait3A_90 = tpu.memref_slice %arg3[%dma_wait3A_87, %multiple_of3A] : memref<1x9216xi32, #tpu.memory_space<hbm>> -> memref<1x128xi32, #tpu.memory_space<hbm>>
        %dma_wait3A_91 = tpu.memref_squeeze %dma_wait3A_90 : memref<1x128xi32, #tpu.memory_space<hbm>> -> memref<128xi32, #tpu.memory_space<hbm>>
        tpu.wait_dma2 semaphore(%run_scoped3A_22 : memref<!tpu.dma_semaphore, #tpu.memory_space<semaphore_mem>>) src(%dma_wait3A_91 : memref<128xi32, #tpu.memory_space<hbm>>) dst(%run_scoped3A_20 : memref<128xi32, #tpu.memory_space<vmem>>)
        %scan3A_92 = arith.constant 0 : i32
        %scan3A_93 = arith.constant 8 : i32
        %scan3A_94 = arith.addi %scan3A_92, %scan3A_93 : i32
        %scan3A_95 = arith.constant 1 : i32
        scf.for %scan3A_97 = %scan3A_92 to %scan3A_94 step %scan3A_95  : i32 {
          %mul3A_98 = arith.constant 1 : i32
          %mul3A_99 = arith.muli %scan3A_97, %mul3A_98 : i32
          %add3A_100 = arith.constant 0 : i32
          %add3A_101 = arith.addi %add3A_100, %mul3A_99 : i32
          %mul3A_102 = arith.constant 16 : i32
          %mul3A_103 = arith.muli %add3A_101, %mul3A_102 : i32
          %get3A_104 = arith.index_cast %mul3A_103 : i32 to index
          %get3A_105 = tpu.vector_load %run_scoped3A_20[%get3A_104] {strides = array<i32>} : memref<128xi32, #tpu.memory_space<vmem>>, vector<16xi32>,
          %get3A_106 = vector.shape_cast %get3A_105 : vector<16xi32> to vector<16xi32>
          %slice3A = vector.extract_strided_slice %get3A_106 {offsets = [0], sizes = [1], strides = [1]} : vector<16xi32> to vector<1xi32>
          %squeeze3A = vector.extract %slice3A[0] : i32 from vector<1xi32>
          %get3A_107 = arith.index_cast %squeeze3A : i32 to index
          %get3A_108 = tpu.vector_load %run_scoped3A[%get3A_107] {strides = array<i32>} : memref<8208xi32, #tpu.memory_space<vmem>>, vector<16xi32>,
          %get3A_109 = vector.shape_cast %get3A_108 : vector<16xi32> to vector<16xi32>
          %add3A_110 = arith.addi %get3A_109, %get3A_36 : vector<16xi32>
          %swap3A = arith.index_cast %squeeze3A : i32 to index
          %swap3A_111 = tpu.vector_load %run_scoped3A[%swap3A] {strides = array<i32>} : memref<8208xi32, #tpu.memory_space<vmem>>, vector<16xi32>,
          %swap3A_112 = vector.shape_cast %swap3A_111 : vector<16xi32> to vector<16xi32>
          %swap3A_113 = vector.shape_cast %add3A_110 : vector<16xi32> to vector<16xi32>
          tpu.vector_store %run_scoped3A[%swap3A], %swap3A_113 {strides = array<i32>} : memref<8208xi32, #tpu.memory_space<vmem>>, vector<16xi32>,
          %slice3A_114 = vector.extract_strided_slice %get3A_106 {offsets = [1], sizes = [1], strides = [1]} : vector<16xi32> to vector<1xi32>
          %squeeze3A_115 = vector.extract %slice3A_114[0] : i32 from vector<1xi32>
          %get3A_116 = arith.index_cast %squeeze3A_115 : i32 to index
          %get3A_117 = tpu.vector_load %run_scoped3A[%get3A_116] {strides = array<i32>} : memref<8208xi32, #tpu.memory_space<vmem>>, vector<16xi32>,
          %get3A_118 = vector.shape_cast %get3A_117 : vector<16xi32> to vector<16xi32>
          %add3A_119 = arith.addi %get3A_118, %get3A_36 : vector<16xi32>
          %swap3A_120 = arith.index_cast %squeeze3A_115 : i32 to index
          %swap3A_121 = tpu.vector_load %run_scoped3A[%swap3A_120] {strides = array<i32>} : memref<8208xi32, #tpu.memory_space<vmem>>, vector<16xi32>,
          %swap3A_122 = vector.shape_cast %swap3A_121 : vector<16xi32> to vector<16xi32>
          %swap3A_123 = vector.shape_cast %add3A_119 : vector<16xi32> to vector<16xi32>
          tpu.vector_store %run_scoped3A[%swap3A_120], %swap3A_123 {strides = array<i32>} : memref<8208xi32, #tpu.memory_space<vmem>>, vector<16xi32>,
          %slice3A_124 = vector.extract_strided_slice %get3A_106 {offsets = [2], sizes = [1], strides = [1]} : vector<16xi32> to vector<1xi32>
          %squeeze3A_125 = vector.extract %slice3A_124[0] : i32 from vector<1xi32>
          %get3A_126 = arith.index_cast %squeeze3A_125 : i32 to index
          %get3A_127 = tpu.vector_load %run_scoped3A[%get3A_126] {strides = array<i32>} : memref<8208xi32, #tpu.memory_space<vmem>>, vector<16xi32>,
          %get3A_128 = vector.shape_cast %get3A_127 : vector<16xi32> to vector<16xi32>
          %add3A_129 = arith.addi %get3A_128, %get3A_36 : vector<16xi32>
          %swap3A_130 = arith.index_cast %squeeze3A_125 : i32 to index
          %swap3A_131 = tpu.vector_load %run_scoped3A[%swap3A_130] {strides = array<i32>} : memref<8208xi32, #tpu.memory_space<vmem>>, vector<16xi32>,
          %swap3A_132 = vector.shape_cast %swap3A_131 : vector<16xi32> to vector<16xi32>
          %swap3A_133 = vector.shape_cast %add3A_129 : vector<16xi32> to vector<16xi32>
          tpu.vector_store %run_scoped3A[%swap3A_130], %swap3A_133 {strides = array<i32>} : memref<8208xi32, #tpu.memory_space<vmem>>, vector<16xi32>,
          %slice3A_134 = vector.extract_strided_slice %get3A_106 {offsets = [3], sizes = [1], strides = [1]} : vector<16xi32> to vector<1xi32>
          %squeeze3A_135 = vector.extract %slice3A_134[0] : i32 from vector<1xi32>
          %get3A_136 = arith.index_cast %squeeze3A_135 : i32 to index
          %get3A_137 = tpu.vector_load %run_scoped3A[%get3A_136] {strides = array<i32>} : memref<8208xi32, #tpu.memory_space<vmem>>, vector<16xi32>,
          %get3A_138 = vector.shape_cast %get3A_137 : vector<16xi32> to vector<16xi32>
          %add3A_139 = arith.addi %get3A_138, %get3A_36 : vector<16xi32>
          %swap3A_140 = arith.index_cast %squeeze3A_135 : i32 to index
          %swap3A_141 = tpu.vector_load %run_scoped3A[%swap3A_140] {strides = array<i32>} : memref<8208xi32, #tpu.memory_space<vmem>>, vector<16xi32>,
          %swap3A_142 = vector.shape_cast %swap3A_141 : vector<16xi32> to vector<16xi32>
          %swap3A_143 = vector.shape_cast %add3A_139 : vector<16xi32> to vector<16xi32>
          tpu.vector_store %run_scoped3A[%swap3A_140], %swap3A_143 {strides = array<i32>} : memref<8208xi32, #tpu.memory_space<vmem>>, vector<16xi32>,
          %slice3A_144 = vector.extract_strided_slice %get3A_106 {offsets = [4], sizes = [1], strides = [1]} : vector<16xi32> to vector<1xi32>
          %squeeze3A_145 = vector.extract %slice3A_144[0] : i32 from vector<1xi32>
          %get3A_146 = arith.index_cast %squeeze3A_145 : i32 to index
          %get3A_147 = tpu.vector_load %run_scoped3A[%get3A_146] {strides = array<i32>} : memref<8208xi32, #tpu.memory_space<vmem>>, vector<16xi32>,
          %get3A_148 = vector.shape_cast %get3A_147 : vector<16xi32> to vector<16xi32>
          %add3A_149 = arith.addi %get3A_148, %get3A_36 : vector<16xi32>
          %swap3A_150 = arith.index_cast %squeeze3A_145 : i32 to index
          %swap3A_151 = tpu.vector_load %run_scoped3A[%swap3A_150] {strides = array<i32>} : memref<8208xi32, #tpu.memory_space<vmem>>, vector<16xi32>,
          %swap3A_152 = vector.shape_cast %swap3A_151 : vector<16xi32> to vector<16xi32>
          %swap3A_153 = vector.shape_cast %add3A_149 : vector<16xi32> to vector<16xi32>
          tpu.vector_store %run_scoped3A[%swap3A_150], %swap3A_153 {strides = array<i32>} : memref<8208xi32, #tpu.memory_space<vmem>>, vector<16xi32>,
          %slice3A_154 = vector.extract_strided_slice %get3A_106 {offsets = [5], sizes = [1], strides = [1]} : vector<16xi32> to vector<1xi32>
          %squeeze3A_155 = vector.extract %slice3A_154[0] : i32 from vector<1xi32>
          %get3A_156 = arith.index_cast %squeeze3A_155 : i32 to index
          %get3A_157 = tpu.vector_load %run_scoped3A[%get3A_156] {strides = array<i32>} : memref<8208xi32, #tpu.memory_space<vmem>>, vector<16xi32>,
          %get3A_158 = vector.shape_cast %get3A_157 : vector<16xi32> to vector<16xi32>
          %add3A_159 = arith.addi %get3A_158, %get3A_36 : vector<16xi32>
          %swap3A_160 = arith.index_cast %squeeze3A_155 : i32 to index
          %swap3A_161 = tpu.vector_load %run_scoped3A[%swap3A_160] {strides = array<i32>} : memref<8208xi32, #tpu.memory_space<vmem>>, vector<16xi32>,
          %swap3A_162 = vector.shape_cast %swap3A_161 : vector<16xi32> to vector<16xi32>
          %swap3A_163 = vector.shape_cast %add3A_159 : vector<16xi32> to vector<16xi32>
          tpu.vector_store %run_scoped3A[%swap3A_160], %swap3A_163 {strides = array<i32>} : memref<8208xi32, #tpu.memory_space<vmem>>, vector<16xi32>,
          %slice3A_164 = vector.extract_strided_slice %get3A_106 {offsets = [6], sizes = [1], strides = [1]} : vector<16xi32> to vector<1xi32>
          %squeeze3A_165 = vector.extract %slice3A_164[0] : i32 from vector<1xi32>
          %get3A_166 = arith.index_cast %squeeze3A_165 : i32 to index
          %get3A_167 = tpu.vector_load %run_scoped3A[%get3A_166] {strides = array<i32>} : memref<8208xi32, #tpu.memory_space<vmem>>, vector<16xi32>,
          %get3A_168 = vector.shape_cast %get3A_167 : vector<16xi32> to vector<16xi32>
          %add3A_169 = arith.addi %get3A_168, %get3A_36 : vector<16xi32>
          %swap3A_170 = arith.index_cast %squeeze3A_165 : i32 to index
          %swap3A_171 = tpu.vector_load %run_scoped3A[%swap3A_170] {strides = array<i32>} : memref<8208xi32, #tpu.memory_space<vmem>>, vector<16xi32>,
          %swap3A_172 = vector.shape_cast %swap3A_171 : vector<16xi32> to vector<16xi32>
          %swap3A_173 = vector.shape_cast %add3A_169 : vector<16xi32> to vector<16xi32>
          tpu.vector_store %run_scoped3A[%swap3A_170], %swap3A_173 {strides = array<i32>} : memref<8208xi32, #tpu.memory_space<vmem>>, vector<16xi32>,
          %slice3A_174 = vector.extract_strided_slice %get3A_106 {offsets = [7], sizes = [1], strides = [1]} : vector<16xi32> to vector<1xi32>
          %squeeze3A_175 = vector.extract %slice3A_174[0] : i32 from vector<1xi32>
          %get3A_176 = arith.index_cast %squeeze3A_175 : i32 to index
          %get3A_177 = tpu.vector_load %run_scoped3A[%get3A_176] {strides = array<i32>} : memref<8208xi32, #tpu.memory_space<vmem>>, vector<16xi32>,
          %get3A_178 = vector.shape_cast %get3A_177 : vector<16xi32> to vector<16xi32>
          %add3A_179 = arith.addi %get3A_178, %get3A_36 : vector<16xi32>
          %swap3A_180 = arith.index_cast %squeeze3A_175 : i32 to index
          %swap3A_181 = tpu.vector_load %run_scoped3A[%swap3A_180] {strides = array<i32>} : memref<8208xi32, #tpu.memory_space<vmem>>, vector<16xi32>,
          %swap3A_182 = vector.shape_cast %swap3A_181 : vector<16xi32> to vector<16xi32>
          %swap3A_183 = vector.shape_cast %add3A_179 : vector<16xi32> to vector<16xi32>
          tpu.vector_store %run_scoped3A[%swap3A_180], %swap3A_183 {strides = array<i32>} : memref<8208xi32, #tpu.memory_space<vmem>>, vector<16xi32>,
          %slice3A_184 = vector.extract_strided_slice %get3A_106 {offsets = [8], sizes = [1], strides = [1]} : vector<16xi32> to vector<1xi32>
          %squeeze3A_185 = vector.extract %slice3A_184[0] : i32 from vector<1xi32>
          %get3A_186 = arith.index_cast %squeeze3A_185 : i32 to index
          %get3A_187 = tpu.vector_load %run_scoped3A[%get3A_186] {strides = array<i32>} : memref<8208xi32, #tpu.memory_space<vmem>>, vector<16xi32>,
          %get3A_188 = vector.shape_cast %get3A_187 : vector<16xi32> to vector<16xi32>
          %add3A_189 = arith.addi %get3A_188, %get3A_36 : vector<16xi32>
          %swap3A_190 = arith.index_cast %squeeze3A_185 : i32 to index
          %swap3A_191 = tpu.vector_load %run_scoped3A[%swap3A_190] {strides = array<i32>} : memref<8208xi32, #tpu.memory_space<vmem>>, vector<16xi32>,
          %swap3A_192 = vector.shape_cast %swap3A_191 : vector<16xi32> to vector<16xi32>
          %swap3A_193 = vector.shape_cast %add3A_189 : vector<16xi32> to vector<16xi32>
          tpu.vector_store %run_scoped3A[%swap3A_190], %swap3A_193 {strides = array<i32>} : memref<8208xi32, #tpu.memory_space<vmem>>, vector<16xi32>,
          %slice3A_194 = vector.extract_strided_slice %get3A_106 {offsets = [9], sizes = [1], strides = [1]} : vector<16xi32> to vector<1xi32>
          %squeeze3A_195 = vector.extract %slice3A_194[0] : i32 from vector<1xi32>
          %get3A_196 = arith.index_cast %squeeze3A_195 : i32 to index
          %get3A_197 = tpu.vector_load %run_scoped3A[%get3A_196] {strides = array<i32>} : memref<8208xi32, #tpu.memory_space<vmem>>, vector<16xi32>,
          %get3A_198 = vector.shape_cast %get3A_197 : vector<16xi32> to vector<16xi32>
          %add3A_199 = arith.addi %get3A_198, %get3A_36 : vector<16xi32>
          %swap3A_200 = arith.index_cast %squeeze3A_195 : i32 to index
          %swap3A_201 = tpu.vector_load %run_scoped3A[%swap3A_200] {strides = array<i32>} : memref<8208xi32, #tpu.memory_space<vmem>>, vector<16xi32>,
          %swap3A_202 = vector.shape_cast %swap3A_201 : vector<16xi32> to vector<16xi32>
          %swap3A_203 = vector.shape_cast %add3A_199 : vector<16xi32> to vector<16xi32>
          tpu.vector_store %run_scoped3A[%swap3A_200], %swap3A_203 {strides = array<i32>} : memref<8208xi32, #tpu.memory_space<vmem>>, vector<16xi32>,
          %slice3A_204 = vector.extract_strided_slice %get3A_106 {offsets = [10], sizes = [1], strides = [1]} : vector<16xi32> to vector<1xi32>
          %squeeze3A_205 = vector.extract %slice3A_204[0] : i32 from vector<1xi32>
          %get3A_206 = arith.index_cast %squeeze3A_205 : i32 to index
          %get3A_207 = tpu.vector_load %run_scoped3A[%get3A_206] {strides = array<i32>} : memref<8208xi32, #tpu.memory_space<vmem>>, vector<16xi32>,
          %get3A_208 = vector.shape_cast %get3A_207 : vector<16xi32> to vector<16xi32>
          %add3A_209 = arith.addi %get3A_208, %get3A_36 : vector<16xi32>
          %swap3A_210 = arith.index_cast %squeeze3A_205 : i32 to index
          %swap3A_211 = tpu.vector_load %run_scoped3A[%swap3A_210] {strides = array<i32>} : memref<8208xi32, #tpu.memory_space<vmem>>, vector<16xi32>,
          %swap3A_212 = vector.shape_cast %swap3A_211 : vector<16xi32> to vector<16xi32>
          %swap3A_213 = vector.shape_cast %add3A_209 : vector<16xi32> to vector<16xi32>
          tpu.vector_store %run_scoped3A[%swap3A_210], %swap3A_213 {strides = array<i32>} : memref<8208xi32, #tpu.memory_space<vmem>>, vector<16xi32>,
          %slice3A_214 = vector.extract_strided_slice %get3A_106 {offsets = [11], sizes = [1], strides = [1]} : vector<16xi32> to vector<1xi32>
          %squeeze3A_215 = vector.extract %slice3A_214[0] : i32 from vector<1xi32>
          %get3A_216 = arith.index_cast %squeeze3A_215 : i32 to index
          %get3A_217 = tpu.vector_load %run_scoped3A[%get3A_216] {strides = array<i32>} : memref<8208xi32, #tpu.memory_space<vmem>>, vector<16xi32>,
          %get3A_218 = vector.shape_cast %get3A_217 : vector<16xi32> to vector<16xi32>
          %add3A_219 = arith.addi %get3A_218, %get3A_36 : vector<16xi32>
          %swap3A_220 = arith.index_cast %squeeze3A_215 : i32 to index
          %swap3A_221 = tpu.vector_load %run_scoped3A[%swap3A_220] {strides = array<i32>} : memref<8208xi32, #tpu.memory_space<vmem>>, vector<16xi32>,
          %swap3A_222 = vector.shape_cast %swap3A_221 : vector<16xi32> to vector<16xi32>
          %swap3A_223 = vector.shape_cast %add3A_219 : vector<16xi32> to vector<16xi32>
          tpu.vector_store %run_scoped3A[%swap3A_220], %swap3A_223 {strides = array<i32>} : memref<8208xi32, #tpu.memory_space<vmem>>, vector<16xi32>,
          %slice3A_224 = vector.extract_strided_slice %get3A_106 {offsets = [12], sizes = [1], strides = [1]} : vector<16xi32> to vector<1xi32>
          %squeeze3A_225 = vector.extract %slice3A_224[0] : i32 from vector<1xi32>
          %get3A_226 = arith.index_cast %squeeze3A_225 : i32 to index
          %get3A_227 = tpu.vector_load %run_scoped3A[%get3A_226] {strides = array<i32>} : memref<8208xi32, #tpu.memory_space<vmem>>, vector<16xi32>,
          %get3A_228 = vector.shape_cast %get3A_227 : vector<16xi32> to vector<16xi32>
          %add3A_229 = arith.addi %get3A_228, %get3A_36 : vector<16xi32>
          %swap3A_230 = arith.index_cast %squeeze3A_225 : i32 to index
          %swap3A_231 = tpu.vector_load %run_scoped3A[%swap3A_230] {strides = array<i32>} : memref<8208xi32, #tpu.memory_space<vmem>>, vector<16xi32>,
          %swap3A_232 = vector.shape_cast %swap3A_231 : vector<16xi32> to vector<16xi32>
          %swap3A_233 = vector.shape_cast %add3A_229 : vector<16xi32> to vector<16xi32>
          tpu.vector_store %run_scoped3A[%swap3A_230], %swap3A_233 {strides = array<i32>} : memref<8208xi32, #tpu.memory_space<vmem>>, vector<16xi32>,
          %slice3A_234 = vector.extract_strided_slice %get3A_106 {offsets = [13], sizes = [1], strides = [1]} : vector<16xi32> to vector<1xi32>
          %squeeze3A_235 = vector.extract %slice3A_234[0] : i32 from vector<1xi32>
          %get3A_236 = arith.index_cast %squeeze3A_235 : i32 to index
          %get3A_237 = tpu.vector_load %run_scoped3A[%get3A_236] {strides = array<i32>} : memref<8208xi32, #tpu.memory_space<vmem>>, vector<16xi32>,
          %get3A_238 = vector.shape_cast %get3A_237 : vector<16xi32> to vector<16xi32>
          %add3A_239 = arith.addi %get3A_238, %get3A_36 : vector<16xi32>
          %swap3A_240 = arith.index_cast %squeeze3A_235 : i32 to index
          %swap3A_241 = tpu.vector_load %run_scoped3A[%swap3A_240] {strides = array<i32>} : memref<8208xi32, #tpu.memory_space<vmem>>, vector<16xi32>,
          %swap3A_242 = vector.shape_cast %swap3A_241 : vector<16xi32> to vector<16xi32>
          %swap3A_243 = vector.shape_cast %add3A_239 : vector<16xi32> to vector<16xi32>
          tpu.vector_store %run_scoped3A[%swap3A_240], %swap3A_243 {strides = array<i32>} : memref<8208xi32, #tpu.memory_space<vmem>>, vector<16xi32>,
          %slice3A_244 = vector.extract_strided_slice %get3A_106 {offsets = [14], sizes = [1], strides = [1]} : vector<16xi32> to vector<1xi32>
          %squeeze3A_245 = vector.extract %slice3A_244[0] : i32 from vector<1xi32>
          %get3A_246 = arith.index_cast %squeeze3A_245 : i32 to index
          %get3A_247 = tpu.vector_load %run_scoped3A[%get3A_246] {strides = array<i32>} : memref<8208xi32, #tpu.memory_space<vmem>>, vector<16xi32>,
          %get3A_248 = vector.shape_cast %get3A_247 : vector<16xi32> to vector<16xi32>
          %add3A_249 = arith.addi %get3A_248, %get3A_36 : vector<16xi32>
          %swap3A_250 = arith.index_cast %squeeze3A_245 : i32 to index
          %swap3A_251 = tpu.vector_load %run_scoped3A[%swap3A_250] {strides = array<i32>} : memref<8208xi32, #tpu.memory_space<vmem>>, vector<16xi32>,
          %swap3A_252 = vector.shape_cast %swap3A_251 : vector<16xi32> to vector<16xi32>
          %swap3A_253 = vector.shape_cast %add3A_249 : vector<16xi32> to vector<16xi32>
          tpu.vector_store %run_scoped3A[%swap3A_250], %swap3A_253 {strides = array<i32>} : memref<8208xi32, #tpu.memory_space<vmem>>, vector<16xi32>,
          %slice3A_254 = vector.extract_strided_slice %get3A_106 {offsets = [15], sizes = [1], strides = [1]} : vector<16xi32> to vector<1xi32>
          %squeeze3A_255 = vector.extract %slice3A_254[0] : i32 from vector<1xi32>
          %get3A_256 = arith.index_cast %squeeze3A_255 : i32 to index
          %get3A_257 = tpu.vector_load %run_scoped3A[%get3A_256] {strides = array<i32>} : memref<8208xi32, #tpu.memory_space<vmem>>, vector<16xi32>,
          %get3A_258 = vector.shape_cast %get3A_257 : vector<16xi32> to vector<16xi32>
          %add3A_259 = arith.addi %get3A_258, %get3A_36 : vector<16xi32>
          %swap3A_260 = arith.index_cast %squeeze3A_255 : i32 to index
          %swap3A_261 = tpu.vector_load %run_scoped3A[%swap3A_260] {strides = array<i32>} : memref<8208xi32, #tpu.memory_space<vmem>>, vector<16xi32>,
          %swap3A_262 = vector.shape_cast %swap3A_261 : vector<16xi32> to vector<16xi32>
          %swap3A_263 = vector.shape_cast %add3A_259 : vector<16xi32> to vector<16xi32>
          tpu.vector_store %run_scoped3A[%swap3A_260], %swap3A_263 {strides = array<i32>} : memref<8208xi32, #tpu.memory_space<vmem>>, vector<16xi32>,
        }
        %scan3A_96 = arith.constant 8 : i32
      } else {
      }
      %add3A_53 = arith.constant 64 : i32
      %add3A_54 = arith.addi %add3A_19, %add3A_53 : i32
      %lt3A_55 = arith.constant 72 : i32
      %lt3A_56 = arith.cmpi slt, %add3A_54, %lt3A_55 : i32
      %convert_element_type3A_57 = arith.extui %lt3A_56 : i1 to i32
      %cond3A_58 = arith.constant 0 : i32
      %cond3A_59 = arith.cmpi ne, %convert_element_type3A_57, %cond3A_58 : i32
      scf.if %cond3A_59 {
        %mul3A_80 = arith.constant 128 : i32
        %mul3A_81 = arith.muli %add3A_54, %mul3A_80 : i32
        %multiple_of3A = tpu.assume_multiple %mul3A_81, 128 : i32
        %dma_start3A_82 = arith.constant 0 : i32
        %dma_start3A_83 = tpu.memref_slice %arg3[%dma_start3A_82, %multiple_of3A] : memref<1x9216xi32, #tpu.memory_space<hbm>> -> memref<1x128xi32, #tpu.memory_space<hbm>>
        %dma_start3A_84 = tpu.memref_squeeze %dma_start3A_83 : memref<1x128xi32, #tpu.memory_space<hbm>> -> memref<128xi32, #tpu.memory_space<hbm>>
        %dma_start3A_85 = tpu.memref_slice %arg3[%dma_start3A_82, %multiple_of3A] : memref<1x9216xi32, #tpu.memory_space<hbm>> -> memref<1x128xi32, #tpu.memory_space<hbm>>
        %dma_start3A_86 = tpu.memref_squeeze %dma_start3A_85 : memref<1x128xi32, #tpu.memory_space<hbm>> -> memref<128xi32, #tpu.memory_space<hbm>>
        tpu.enqueue_dma source(%dma_start3A_86 : memref<128xi32, #tpu.memory_space<hbm>>) target(%run_scoped3A_20 : memref<128xi32, #tpu.memory_space<vmem>>) target_semaphore(%run_scoped3A_22 : memref<!tpu.dma_semaphore, #tpu.memory_space<semaphore_mem>>)
        %dma_wait3A_87 = arith.constant 0 : i32
        %dma_wait3A_88 = tpu.memref_slice %arg3[%dma_wait3A_87, %multiple_of3A] : memref<1x9216xi32, #tpu.memory_space<hbm>> -> memref<1x128xi32, #tpu.memory_space<hbm>>
        %dma_wait3A_89 = tpu.memref_squeeze %dma_wait3A_88 : memref<1x128xi32, #tpu.memory_space<hbm>> -> memref<128xi32, #tpu.memory_space<hbm>>
        %dma_wait3A_90 = tpu.memref_slice %arg3[%dma_wait3A_87, %multiple_of3A] : memref<1x9216xi32, #tpu.memory_space<hbm>> -> memref<1x128xi32, #tpu.memory_space<hbm>>
        %dma_wait3A_91 = tpu.memref_squeeze %dma_wait3A_90 : memref<1x128xi32, #tpu.memory_space<hbm>> -> memref<128xi32, #tpu.memory_space<hbm>>
        tpu.wait_dma2 semaphore(%run_scoped3A_22 : memref<!tpu.dma_semaphore, #tpu.memory_space<semaphore_mem>>) src(%dma_wait3A_91 : memref<128xi32, #tpu.memory_space<hbm>>) dst(%run_scoped3A_20 : memref<128xi32, #tpu.memory_space<vmem>>)
        %scan3A_92 = arith.constant 0 : i32
        %scan3A_93 = arith.constant 8 : i32
        %scan3A_94 = arith.addi %scan3A_92, %scan3A_93 : i32
        %scan3A_95 = arith.constant 1 : i32
        scf.for %scan3A_97 = %scan3A_92 to %scan3A_94 step %scan3A_95  : i32 {
          %mul3A_98 = arith.constant 1 : i32
          %mul3A_99 = arith.muli %scan3A_97, %mul3A_98 : i32
          %add3A_100 = arith.constant 0 : i32
          %add3A_101 = arith.addi %add3A_100, %mul3A_99 : i32
          %mul3A_102 = arith.constant 16 : i32
          %mul3A_103 = arith.muli %add3A_101, %mul3A_102 : i32
          %get3A_104 = arith.index_cast %mul3A_103 : i32 to index
          %get3A_105 = tpu.vector_load %run_scoped3A_20[%get3A_104] {strides = array<i32>} : memref<128xi32, #tpu.memory_space<vmem>>, vector<16xi32>,
          %get3A_106 = vector.shape_cast %get3A_105 : vector<16xi32> to vector<16xi32>
          %slice3A = vector.extract_strided_slice %get3A_106 {offsets = [0], sizes = [1], strides = [1]} : vector<16xi32> to vector<1xi32>
          %squeeze3A = vector.extract %slice3A[0] : i32 from vector<1xi32>
          %get3A_107 = arith.index_cast %squeeze3A : i32 to index
          %get3A_108 = tpu.vector_load %run_scoped3A[%get3A_107] {strides = array<i32>} : memref<8208xi32, #tpu.memory_space<vmem>>, vector<16xi32>,
          %get3A_109 = vector.shape_cast %get3A_108 : vector<16xi32> to vector<16xi32>
          %add3A_110 = arith.addi %get3A_109, %get3A_36 : vector<16xi32>
          %swap3A = arith.index_cast %squeeze3A : i32 to index
          %swap3A_111 = tpu.vector_load %run_scoped3A[%swap3A] {strides = array<i32>} : memref<8208xi32, #tpu.memory_space<vmem>>, vector<16xi32>,
          %swap3A_112 = vector.shape_cast %swap3A_111 : vector<16xi32> to vector<16xi32>
          %swap3A_113 = vector.shape_cast %add3A_110 : vector<16xi32> to vector<16xi32>
          tpu.vector_store %run_scoped3A[%swap3A], %swap3A_113 {strides = array<i32>} : memref<8208xi32, #tpu.memory_space<vmem>>, vector<16xi32>,
          %slice3A_114 = vector.extract_strided_slice %get3A_106 {offsets = [1], sizes = [1], strides = [1]} : vector<16xi32> to vector<1xi32>
          %squeeze3A_115 = vector.extract %slice3A_114[0] : i32 from vector<1xi32>
          %get3A_116 = arith.index_cast %squeeze3A_115 : i32 to index
          %get3A_117 = tpu.vector_load %run_scoped3A[%get3A_116] {strides = array<i32>} : memref<8208xi32, #tpu.memory_space<vmem>>, vector<16xi32>,
          %get3A_118 = vector.shape_cast %get3A_117 : vector<16xi32> to vector<16xi32>
          %add3A_119 = arith.addi %get3A_118, %get3A_36 : vector<16xi32>
          %swap3A_120 = arith.index_cast %squeeze3A_115 : i32 to index
          %swap3A_121 = tpu.vector_load %run_scoped3A[%swap3A_120] {strides = array<i32>} : memref<8208xi32, #tpu.memory_space<vmem>>, vector<16xi32>,
          %swap3A_122 = vector.shape_cast %swap3A_121 : vector<16xi32> to vector<16xi32>
          %swap3A_123 = vector.shape_cast %add3A_119 : vector<16xi32> to vector<16xi32>
          tpu.vector_store %run_scoped3A[%swap3A_120], %swap3A_123 {strides = array<i32>} : memref<8208xi32, #tpu.memory_space<vmem>>, vector<16xi32>,
          %slice3A_124 = vector.extract_strided_slice %get3A_106 {offsets = [2], sizes = [1], strides = [1]} : vector<16xi32> to vector<1xi32>
          %squeeze3A_125 = vector.extract %slice3A_124[0] : i32 from vector<1xi32>
          %get3A_126 = arith.index_cast %squeeze3A_125 : i32 to index
          %get3A_127 = tpu.vector_load %run_scoped3A[%get3A_126] {strides = array<i32>} : memref<8208xi32, #tpu.memory_space<vmem>>, vector<16xi32>,
          %get3A_128 = vector.shape_cast %get3A_127 : vector<16xi32> to vector<16xi32>
          %add3A_129 = arith.addi %get3A_128, %get3A_36 : vector<16xi32>
          %swap3A_130 = arith.index_cast %squeeze3A_125 : i32 to index
          %swap3A_131 = tpu.vector_load %run_scoped3A[%swap3A_130] {strides = array<i32>} : memref<8208xi32, #tpu.memory_space<vmem>>, vector<16xi32>,
          %swap3A_132 = vector.shape_cast %swap3A_131 : vector<16xi32> to vector<16xi32>
          %swap3A_133 = vector.shape_cast %add3A_129 : vector<16xi32> to vector<16xi32>
          tpu.vector_store %run_scoped3A[%swap3A_130], %swap3A_133 {strides = array<i32>} : memref<8208xi32, #tpu.memory_space<vmem>>, vector<16xi32>,
          %slice3A_134 = vector.extract_strided_slice %get3A_106 {offsets = [3], sizes = [1], strides = [1]} : vector<16xi32> to vector<1xi32>
          %squeeze3A_135 = vector.extract %slice3A_134[0] : i32 from vector<1xi32>
          %get3A_136 = arith.index_cast %squeeze3A_135 : i32 to index
          %get3A_137 = tpu.vector_load %run_scoped3A[%get3A_136] {strides = array<i32>} : memref<8208xi32, #tpu.memory_space<vmem>>, vector<16xi32>,
          %get3A_138 = vector.shape_cast %get3A_137 : vector<16xi32> to vector<16xi32>
          %add3A_139 = arith.addi %get3A_138, %get3A_36 : vector<16xi32>
          %swap3A_140 = arith.index_cast %squeeze3A_135 : i32 to index
          %swap3A_141 = tpu.vector_load %run_scoped3A[%swap3A_140] {strides = array<i32>} : memref<8208xi32, #tpu.memory_space<vmem>>, vector<16xi32>,
          %swap3A_142 = vector.shape_cast %swap3A_141 : vector<16xi32> to vector<16xi32>
          %swap3A_143 = vector.shape_cast %add3A_139 : vector<16xi32> to vector<16xi32>
          tpu.vector_store %run_scoped3A[%swap3A_140], %swap3A_143 {strides = array<i32>} : memref<8208xi32, #tpu.memory_space<vmem>>, vector<16xi32>,
          %slice3A_144 = vector.extract_strided_slice %get3A_106 {offsets = [4], sizes = [1], strides = [1]} : vector<16xi32> to vector<1xi32>
          %squeeze3A_145 = vector.extract %slice3A_144[0] : i32 from vector<1xi32>
          %get3A_146 = arith.index_cast %squeeze3A_145 : i32 to index
          %get3A_147 = tpu.vector_load %run_scoped3A[%get3A_146] {strides = array<i32>} : memref<8208xi32, #tpu.memory_space<vmem>>, vector<16xi32>,
          %get3A_148 = vector.shape_cast %get3A_147 : vector<16xi32> to vector<16xi32>
          %add3A_149 = arith.addi %get3A_148, %get3A_36 : vector<16xi32>
          %swap3A_150 = arith.index_cast %squeeze3A_145 : i32 to index
          %swap3A_151 = tpu.vector_load %run_scoped3A[%swap3A_150] {strides = array<i32>} : memref<8208xi32, #tpu.memory_space<vmem>>, vector<16xi32>,
          %swap3A_152 = vector.shape_cast %swap3A_151 : vector<16xi32> to vector<16xi32>
          %swap3A_153 = vector.shape_cast %add3A_149 : vector<16xi32> to vector<16xi32>
          tpu.vector_store %run_scoped3A[%swap3A_150], %swap3A_153 {strides = array<i32>} : memref<8208xi32, #tpu.memory_space<vmem>>, vector<16xi32>,
          %slice3A_154 = vector.extract_strided_slice %get3A_106 {offsets = [5], sizes = [1], strides = [1]} : vector<16xi32> to vector<1xi32>
          %squeeze3A_155 = vector.extract %slice3A_154[0] : i32 from vector<1xi32>
          %get3A_156 = arith.index_cast %squeeze3A_155 : i32 to index
          %get3A_157 = tpu.vector_load %run_scoped3A[%get3A_156] {strides = array<i32>} : memref<8208xi32, #tpu.memory_space<vmem>>, vector<16xi32>,
          %get3A_158 = vector.shape_cast %get3A_157 : vector<16xi32> to vector<16xi32>
          %add3A_159 = arith.addi %get3A_158, %get3A_36 : vector<16xi32>
          %swap3A_160 = arith.index_cast %squeeze3A_155 : i32 to index
          %swap3A_161 = tpu.vector_load %run_scoped3A[%swap3A_160] {strides = array<i32>} : memref<8208xi32, #tpu.memory_space<vmem>>, vector<16xi32>,
          %swap3A_162 = vector.shape_cast %swap3A_161 : vector<16xi32> to vector<16xi32>
          %swap3A_163 = vector.shape_cast %add3A_159 : vector<16xi32> to vector<16xi32>
          tpu.vector_store %run_scoped3A[%swap3A_160], %swap3A_163 {strides = array<i32>} : memref<8208xi32, #tpu.memory_space<vmem>>, vector<16xi32>,
          %slice3A_164 = vector.extract_strided_slice %get3A_106 {offsets = [6], sizes = [1], strides = [1]} : vector<16xi32> to vector<1xi32>
          %squeeze3A_165 = vector.extract %slice3A_164[0] : i32 from vector<1xi32>
          %get3A_166 = arith.index_cast %squeeze3A_165 : i32 to index
          %get3A_167 = tpu.vector_load %run_scoped3A[%get3A_166] {strides = array<i32>} : memref<8208xi32, #tpu.memory_space<vmem>>, vector<16xi32>,
          %get3A_168 = vector.shape_cast %get3A_167 : vector<16xi32> to vector<16xi32>
          %add3A_169 = arith.addi %get3A_168, %get3A_36 : vector<16xi32>
          %swap3A_170 = arith.index_cast %squeeze3A_165 : i32 to index
          %swap3A_171 = tpu.vector_load %run_scoped3A[%swap3A_170] {strides = array<i32>} : memref<8208xi32, #tpu.memory_space<vmem>>, vector<16xi32>,
          %swap3A_172 = vector.shape_cast %swap3A_171 : vector<16xi32> to vector<16xi32>
          %swap3A_173 = vector.shape_cast %add3A_169 : vector<16xi32> to vector<16xi32>
          tpu.vector_store %run_scoped3A[%swap3A_170], %swap3A_173 {strides = array<i32>} : memref<8208xi32, #tpu.memory_space<vmem>>, vector<16xi32>,
          %slice3A_174 = vector.extract_strided_slice %get3A_106 {offsets = [7], sizes = [1], strides = [1]} : vector<16xi32> to vector<1xi32>
          %squeeze3A_175 = vector.extract %slice3A_174[0] : i32 from vector<1xi32>
          %get3A_176 = arith.index_cast %squeeze3A_175 : i32 to index
          %get3A_177 = tpu.vector_load %run_scoped3A[%get3A_176] {strides = array<i32>} : memref<8208xi32, #tpu.memory_space<vmem>>, vector<16xi32>,
          %get3A_178 = vector.shape_cast %get3A_177 : vector<16xi32> to vector<16xi32>
          %add3A_179 = arith.addi %get3A_178, %get3A_36 : vector<16xi32>
          %swap3A_180 = arith.index_cast %squeeze3A_175 : i32 to index
          %swap3A_181 = tpu.vector_load %run_scoped3A[%swap3A_180] {strides = array<i32>} : memref<8208xi32, #tpu.memory_space<vmem>>, vector<16xi32>,
          %swap3A_182 = vector.shape_cast %swap3A_181 : vector<16xi32> to vector<16xi32>
          %swap3A_183 = vector.shape_cast %add3A_179 : vector<16xi32> to vector<16xi32>
          tpu.vector_store %run_scoped3A[%swap3A_180], %swap3A_183 {strides = array<i32>} : memref<8208xi32, #tpu.memory_space<vmem>>, vector<16xi32>,
          %slice3A_184 = vector.extract_strided_slice %get3A_106 {offsets = [8], sizes = [1], strides = [1]} : vector<16xi32> to vector<1xi32>
          %squeeze3A_185 = vector.extract %slice3A_184[0] : i32 from vector<1xi32>
          %get3A_186 = arith.index_cast %squeeze3A_185 : i32 to index
          %get3A_187 = tpu.vector_load %run_scoped3A[%get3A_186] {strides = array<i32>} : memref<8208xi32, #tpu.memory_space<vmem>>, vector<16xi32>,
          %get3A_188 = vector.shape_cast %get3A_187 : vector<16xi32> to vector<16xi32>
          %add3A_189 = arith.addi %get3A_188, %get3A_36 : vector<16xi32>
          %swap3A_190 = arith.index_cast %squeeze3A_185 : i32 to index
          %swap3A_191 = tpu.vector_load %run_scoped3A[%swap3A_190] {strides = array<i32>} : memref<8208xi32, #tpu.memory_space<vmem>>, vector<16xi32>,
          %swap3A_192 = vector.shape_cast %swap3A_191 : vector<16xi32> to vector<16xi32>
          %swap3A_193 = vector.shape_cast %add3A_189 : vector<16xi32> to vector<16xi32>
          tpu.vector_store %run_scoped3A[%swap3A_190], %swap3A_193 {strides = array<i32>} : memref<8208xi32, #tpu.memory_space<vmem>>, vector<16xi32>,
          %slice3A_194 = vector.extract_strided_slice %get3A_106 {offsets = [9], sizes = [1], strides = [1]} : vector<16xi32> to vector<1xi32>
          %squeeze3A_195 = vector.extract %slice3A_194[0] : i32 from vector<1xi32>
          %get3A_196 = arith.index_cast %squeeze3A_195 : i32 to index
          %get3A_197 = tpu.vector_load %run_scoped3A[%get3A_196] {strides = array<i32>} : memref<8208xi32, #tpu.memory_space<vmem>>, vector<16xi32>,
          %get3A_198 = vector.shape_cast %get3A_197 : vector<16xi32> to vector<16xi32>
          %add3A_199 = arith.addi %get3A_198, %get3A_36 : vector<16xi32>
          %swap3A_200 = arith.index_cast %squeeze3A_195 : i32 to index
          %swap3A_201 = tpu.vector_load %run_scoped3A[%swap3A_200] {strides = array<i32>} : memref<8208xi32, #tpu.memory_space<vmem>>, vector<16xi32>,
          %swap3A_202 = vector.shape_cast %swap3A_201 : vector<16xi32> to vector<16xi32>
          %swap3A_203 = vector.shape_cast %add3A_199 : vector<16xi32> to vector<16xi32>
          tpu.vector_store %run_scoped3A[%swap3A_200], %swap3A_203 {strides = array<i32>} : memref<8208xi32, #tpu.memory_space<vmem>>, vector<16xi32>,
          %slice3A_204 = vector.extract_strided_slice %get3A_106 {offsets = [10], sizes = [1], strides = [1]} : vector<16xi32> to vector<1xi32>
          %squeeze3A_205 = vector.extract %slice3A_204[0] : i32 from vector<1xi32>
          %get3A_206 = arith.index_cast %squeeze3A_205 : i32 to index
          %get3A_207 = tpu.vector_load %run_scoped3A[%get3A_206] {strides = array<i32>} : memref<8208xi32, #tpu.memory_space<vmem>>, vector<16xi32>,
          %get3A_208 = vector.shape_cast %get3A_207 : vector<16xi32> to vector<16xi32>
          %add3A_209 = arith.addi %get3A_208, %get3A_36 : vector<16xi32>
          %swap3A_210 = arith.index_cast %squeeze3A_205 : i32 to index
          %swap3A_211 = tpu.vector_load %run_scoped3A[%swap3A_210] {strides = array<i32>} : memref<8208xi32, #tpu.memory_space<vmem>>, vector<16xi32>,
          %swap3A_212 = vector.shape_cast %swap3A_211 : vector<16xi32> to vector<16xi32>
          %swap3A_213 = vector.shape_cast %add3A_209 : vector<16xi32> to vector<16xi32>
          tpu.vector_store %run_scoped3A[%swap3A_210], %swap3A_213 {strides = array<i32>} : memref<8208xi32, #tpu.memory_space<vmem>>, vector<16xi32>,
          %slice3A_214 = vector.extract_strided_slice %get3A_106 {offsets = [11], sizes = [1], strides = [1]} : vector<16xi32> to vector<1xi32>
          %squeeze3A_215 = vector.extract %slice3A_214[0] : i32 from vector<1xi32>
          %get3A_216 = arith.index_cast %squeeze3A_215 : i32 to index
          %get3A_217 = tpu.vector_load %run_scoped3A[%get3A_216] {strides = array<i32>} : memref<8208xi32, #tpu.memory_space<vmem>>, vector<16xi32>,
          %get3A_218 = vector.shape_cast %get3A_217 : vector<16xi32> to vector<16xi32>
          %add3A_219 = arith.addi %get3A_218, %get3A_36 : vector<16xi32>
          %swap3A_220 = arith.index_cast %squeeze3A_215 : i32 to index
          %swap3A_221 = tpu.vector_load %run_scoped3A[%swap3A_220] {strides = array<i32>} : memref<8208xi32, #tpu.memory_space<vmem>>, vector<16xi32>,
          %swap3A_222 = vector.shape_cast %swap3A_221 : vector<16xi32> to vector<16xi32>
          %swap3A_223 = vector.shape_cast %add3A_219 : vector<16xi32> to vector<16xi32>
          tpu.vector_store %run_scoped3A[%swap3A_220], %swap3A_223 {strides = array<i32>} : memref<8208xi32, #tpu.memory_space<vmem>>, vector<16xi32>,
          %slice3A_224 = vector.extract_strided_slice %get3A_106 {offsets = [12], sizes = [1], strides = [1]} : vector<16xi32> to vector<1xi32>
          %squeeze3A_225 = vector.extract %slice3A_224[0] : i32 from vector<1xi32>
          %get3A_226 = arith.index_cast %squeeze3A_225 : i32 to index
          %get3A_227 = tpu.vector_load %run_scoped3A[%get3A_226] {strides = array<i32>} : memref<8208xi32, #tpu.memory_space<vmem>>, vector<16xi32>,
          %get3A_228 = vector.shape_cast %get3A_227 : vector<16xi32> to vector<16xi32>
          %add3A_229 = arith.addi %get3A_228, %get3A_36 : vector<16xi32>
          %swap3A_230 = arith.index_cast %squeeze3A_225 : i32 to index
          %swap3A_231 = tpu.vector_load %run_scoped3A[%swap3A_230] {strides = array<i32>} : memref<8208xi32, #tpu.memory_space<vmem>>, vector<16xi32>,
          %swap3A_232 = vector.shape_cast %swap3A_231 : vector<16xi32> to vector<16xi32>
          %swap3A_233 = vector.shape_cast %add3A_229 : vector<16xi32> to vector<16xi32>
          tpu.vector_store %run_scoped3A[%swap3A_230], %swap3A_233 {strides = array<i32>} : memref<8208xi32, #tpu.memory_space<vmem>>, vector<16xi32>,
          %slice3A_234 = vector.extract_strided_slice %get3A_106 {offsets = [13], sizes = [1], strides = [1]} : vector<16xi32> to vector<1xi32>
          %squeeze3A_235 = vector.extract %slice3A_234[0] : i32 from vector<1xi32>
          %get3A_236 = arith.index_cast %squeeze3A_235 : i32 to index
          %get3A_237 = tpu.vector_load %run_scoped3A[%get3A_236] {strides = array<i32>} : memref<8208xi32, #tpu.memory_space<vmem>>, vector<16xi32>,
          %get3A_238 = vector.shape_cast %get3A_237 : vector<16xi32> to vector<16xi32>
          %add3A_239 = arith.addi %get3A_238, %get3A_36 : vector<16xi32>
          %swap3A_240 = arith.index_cast %squeeze3A_235 : i32 to index
          %swap3A_241 = tpu.vector_load %run_scoped3A[%swap3A_240] {strides = array<i32>} : memref<8208xi32, #tpu.memory_space<vmem>>, vector<16xi32>,
          %swap3A_242 = vector.shape_cast %swap3A_241 : vector<16xi32> to vector<16xi32>
          %swap3A_243 = vector.shape_cast %add3A_239 : vector<16xi32> to vector<16xi32>
          tpu.vector_store %run_scoped3A[%swap3A_240], %swap3A_243 {strides = array<i32>} : memref<8208xi32, #tpu.memory_space<vmem>>, vector<16xi32>,
          %slice3A_244 = vector.extract_strided_slice %get3A_106 {offsets = [14], sizes = [1], strides = [1]} : vector<16xi32> to vector<1xi32>
          %squeeze3A_245 = vector.extract %slice3A_244[0] : i32 from vector<1xi32>
          %get3A_246 = arith.index_cast %squeeze3A_245 : i32 to index
          %get3A_247 = tpu.vector_load %run_scoped3A[%get3A_246] {strides = array<i32>} : memref<8208xi32, #tpu.memory_space<vmem>>, vector<16xi32>,
          %get3A_248 = vector.shape_cast %get3A_247 : vector<16xi32> to vector<16xi32>
          %add3A_249 = arith.addi %get3A_248, %get3A_36 : vector<16xi32>
          %swap3A_250 = arith.index_cast %squeeze3A_245 : i32 to index
          %swap3A_251 = tpu.vector_load %run_scoped3A[%swap3A_250] {strides = array<i32>} : memref<8208xi32, #tpu.memory_space<vmem>>, vector<16xi32>,
          %swap3A_252 = vector.shape_cast %swap3A_251 : vector<16xi32> to vector<16xi32>
          %swap3A_253 = vector.shape_cast %add3A_249 : vector<16xi32> to vector<16xi32>
          tpu.vector_store %run_scoped3A[%swap3A_250], %swap3A_253 {strides = array<i32>} : memref<8208xi32, #tpu.memory_space<vmem>>, vector<16xi32>,
          %slice3A_254 = vector.extract_strided_slice %get3A_106 {offsets = [15], sizes = [1], strides = [1]} : vector<16xi32> to vector<1xi32>
          %squeeze3A_255 = vector.extract %slice3A_254[0] : i32 from vector<1xi32>
          %get3A_256 = arith.index_cast %squeeze3A_255 : i32 to index
          %get3A_257 = tpu.vector_load %run_scoped3A[%get3A_256] {strides = array<i32>} : memref<8208xi32, #tpu.memory_space<vmem>>, vector<16xi32>,
          %get3A_258 = vector.shape_cast %get3A_257 : vector<16xi32> to vector<16xi32>
          %add3A_259 = arith.addi %get3A_258, %get3A_36 : vector<16xi32>
          %swap3A_260 = arith.index_cast %squeeze3A_255 : i32 to index
          %swap3A_261 = tpu.vector_load %run_scoped3A[%swap3A_260] {strides = array<i32>} : memref<8208xi32, #tpu.memory_space<vmem>>, vector<16xi32>,
          %swap3A_262 = vector.shape_cast %swap3A_261 : vector<16xi32> to vector<16xi32>
          %swap3A_263 = vector.shape_cast %add3A_259 : vector<16xi32> to vector<16xi32>
          tpu.vector_store %run_scoped3A[%swap3A_260], %swap3A_263 {strides = array<i32>} : memref<8208xi32, #tpu.memory_space<vmem>>, vector<16xi32>,
        }
        %scan3A_96 = arith.constant 8 : i32
      } else {
      }
      %dma_start3A_60 = arith.constant 0 : i32
      %dma_start3A_61 = tpu.memref_slice %run_scoped3A[%dma_start3A_60] : memref<8208xi32, #tpu.memory_space<vmem>> -> memref<8192xi32, #tpu.memory_space<vmem>>
      %dma_start3A_62 = arith.constant 0 : i32
      %dma_start3A_63 = tpu.memref_slice %arg6[%add3A_19, %dma_start3A_62] : memref<32x8192xi32, #tpu.memory_space<hbm>> -> memref<1x8192xi32, #tpu.memory_space<hbm>>
      %dma_start3A_64 = tpu.memref_squeeze %dma_start3A_63 : memref<1x8192xi32, #tpu.memory_space<hbm>> -> memref<8192xi32, #tpu.memory_space<hbm>>
      %dma_start3A_65 = arith.constant 0 : i32
      %dma_start3A_66 = tpu.memref_slice %arg6[%add3A_19, %dma_start3A_65] : memref<32x8192xi32, #tpu.memory_space<hbm>> -> memref<1x8192xi32, #tpu.memory_space<hbm>>
      %dma_start3A_67 = tpu.memref_squeeze %dma_start3A_66 : memref<1x8192xi32, #tpu.memory_space<hbm>> -> memref<8192xi32, #tpu.memory_space<hbm>>
      %dma_start3A_68 = arith.constant 0 : i32
      %dma_start3A_69 = tpu.memref_slice %run_scoped3A[%dma_start3A_68] : memref<8208xi32, #tpu.memory_space<vmem>> -> memref<8192xi32, #tpu.memory_space<vmem>>
      tpu.enqueue_dma source(%dma_start3A_69 : memref<8192xi32, #tpu.memory_space<vmem>>) target(%dma_start3A_67 : memref<8192xi32, #tpu.memory_space<hbm>>) target_semaphore(%run_scoped3A_22 : memref<!tpu.dma_semaphore, #tpu.memory_space<semaphore_mem>>)
      %dma_wait3A_70 = arith.constant 0 : i32
      %dma_wait3A_71 = tpu.memref_slice %run_scoped3A[%dma_wait3A_70] : memref<8208xi32, #tpu.memory_space<vmem>> -> memref<8192xi32, #tpu.memory_space<vmem>>
      %dma_wait3A_72 = arith.constant 0 : i32
      %dma_wait3A_73 = tpu.memref_slice %arg6[%add3A_19, %dma_wait3A_72] : memref<32x8192xi32, #tpu.memory_space<hbm>> -> memref<1x8192xi32, #tpu.memory_space<hbm>>
      %dma_wait3A_74 = tpu.memref_squeeze %dma_wait3A_73 : memref<1x8192xi32, #tpu.memory_space<hbm>> -> memref<8192xi32, #tpu.memory_space<hbm>>
      %dma_wait3A_75 = arith.constant 0 : i32
      %dma_wait3A_76 = tpu.memref_slice %arg6[%add3A_19, %dma_wait3A_75] : memref<32x8192xi32, #tpu.memory_space<hbm>> -> memref<1x8192xi32, #tpu.memory_space<hbm>>
      %dma_wait3A_77 = tpu.memref_squeeze %dma_wait3A_76 : memref<1x8192xi32, #tpu.memory_space<hbm>> -> memref<8192xi32, #tpu.memory_space<hbm>>
      %dma_wait3A_78 = arith.constant 0 : i32
      %dma_wait3A_79 = tpu.memref_slice %run_scoped3A[%dma_wait3A_78] : memref<8208xi32, #tpu.memory_space<vmem>> -> memref<8192xi32, #tpu.memory_space<vmem>>
      tpu.wait_dma2 semaphore(%run_scoped3A_22 : memref<!tpu.dma_semaphore, #tpu.memory_space<semaphore_mem>>) src(%dma_wait3A_79 : memref<8192xi32, #tpu.memory_space<vmem>>) dst(%dma_wait3A_77 : memref<8192xi32, #tpu.memory_space<hbm>>)
      tpu.yield
    }) : () -> ()
    return
  }
}

module attributes {stable_mosaic.version = 14 : i64} {
  func.func @_vq_tc_kernel(%arg0: i32, %arg1: memref<768x256xf32, #tpu.memory_space<vmem>>, %arg2: memref<8192x256xf32, #tpu.memory_space<vmem>>, %arg3: memref<768x1xf32, #tpu.memory_space<vmem>>, %arg4: memref<1x8192xf32, #tpu.memory_space<vmem>>, %arg5: memref<1x1x768xi32, #tpu.memory_space<vmem>>) attributes {dimension_semantics = [#tpu.dimension_semantics<arbitrary>], iteration_bounds = array<i64: 12>, scalar_prefetch = 0 : i64, scratch_operands = 0 : i64, tpu.core_type = #tpu.core_type<tc>, window_params = [{transform_indices = @transform_0, window_bounds = array<i64: 768, 256>}, {pipeline_mode = #tpu.pipeline_mode<synchronous>, transform_indices = @transform_1, window_bounds = array<i64: 8192, 256>}, {transform_indices = @transform_2, window_bounds = array<i64: 768, 1>}, {pipeline_mode = #tpu.pipeline_mode<synchronous>, transform_indices = @transform_3, window_bounds = array<i64: 1, 8192>}, {transform_indices = @transform_4, window_bounds = array<i64: 1, 1, 768>}]} {
    %get3A = arith.constant 0 : index
    %get3A_0 = arith.constant 0 : index
    %get3A_1 = vector.load %arg1[%get3A, %get3A_0] : memref<768x256xf32, #tpu.memory_space<vmem>>, vector<768x256xf32>
    %mul3A = arith.constant 2.000000e+00 : f32
    %mul3A_2 = vector.broadcast %mul3A : f32 to vector<768x256xf32>
    %mul3A_3 = arith.mulf %get3A_1, %mul3A_2 : vector<768x256xf32>
    %get3A_4 = arith.constant 0 : index
    %get3A_5 = arith.constant 0 : index
    %get3A_6 = vector.load %arg2[%get3A_4, %get3A_5] : memref<8192x256xf32, #tpu.memory_space<vmem>>, vector<8192x256xf32>
    %dot_general3A = arith.constant dense<0.000000e+00> : vector<768x8192xf32>
    %dot_general3A_7 = tpu.matmul %mul3A_3, %get3A_6, %dot_general3A {dimension_numbers = #tpu.dot_dimension_numbers<[1], [1], [0], [0], [0, 0, 1, 0], [], []>, transpose_lhs_hint = false} : vector<768x256xf32>, vector<8192x256xf32>, vector<768x8192xf32> -> vector<768x8192xf32>
    %get3A_8 = arith.constant 0 : index
    %get3A_9 = arith.constant 0 : index
    %get3A_10 = vector.load %arg3[%get3A_8, %get3A_9] : memref<768x1xf32, #tpu.memory_space<vmem>>, vector<768x1xf32>
    %get3A_11 = arith.constant 0 : index
    %get3A_12 = arith.constant 0 : index
    %get3A_13 = vector.load %arg4[%get3A_11, %get3A_12] : memref<1x8192xf32, #tpu.memory_space<vmem>>, vector<1x8192xf32>
    %add3A = vector.broadcast %get3A_10 : vector<768x1xf32> to vector<768x8192xf32>
    %add3A_14 = vector.broadcast %get3A_13 : vector<1x8192xf32> to vector<768x8192xf32>
    %add3A_15 = arith.addf %add3A, %add3A_14 : vector<768x8192xf32>
    %sub3A = arith.subf %add3A_15, %dot_general3A_7 : vector<768x8192xf32>
    %iota3A = tpu.iota {dimensions = array<i32: 1>} : vector<768x128xi32>
    %slice3A = vector.extract_strided_slice %sub3A {offsets = [0, 0], sizes = [768, 128], strides = [1, 1]} : vector<768x8192xf32> to vector<768x128xf32>
    %slice3A_16 = vector.extract_strided_slice %sub3A {offsets = [0, 128], sizes = [768, 128], strides = [1, 1]} : vector<768x8192xf32> to vector<768x128xf32>
    %lt3A = arith.cmpf olt, %slice3A_16, %slice3A : vector<768x128xf32>
    %select_n3A = arith.select %lt3A, %slice3A_16, %slice3A : vector<768x128xi1>, vector<768x128xf32>
    %add3A_17 = arith.constant 128 : i32
    %add3A_18 = vector.broadcast %add3A_17 : i32 to vector<768x128xi32>
    %add3A_19 = arith.addi %iota3A, %add3A_18 : vector<768x128xi32>
    %select_n3A_20 = arith.select %lt3A, %add3A_19, %iota3A : vector<768x128xi1>, vector<768x128xi32>
    %slice3A_21 = vector.extract_strided_slice %sub3A {offsets = [0, 256], sizes = [768, 128], strides = [1, 1]} : vector<768x8192xf32> to vector<768x128xf32>
    %lt3A_22 = arith.cmpf olt, %slice3A_21, %select_n3A : vector<768x128xf32>
    %select_n3A_23 = arith.select %lt3A_22, %slice3A_21, %select_n3A : vector<768x128xi1>, vector<768x128xf32>
    %add3A_24 = arith.constant 256 : i32
    %add3A_25 = vector.broadcast %add3A_24 : i32 to vector<768x128xi32>
    %add3A_26 = arith.addi %iota3A, %add3A_25 : vector<768x128xi32>
    %select_n3A_27 = arith.select %lt3A_22, %add3A_26, %select_n3A_20 : vector<768x128xi1>, vector<768x128xi32>
    %slice3A_28 = vector.extract_strided_slice %sub3A {offsets = [0, 384], sizes = [768, 128], strides = [1, 1]} : vector<768x8192xf32> to vector<768x128xf32>
    %lt3A_29 = arith.cmpf olt, %slice3A_28, %select_n3A_23 : vector<768x128xf32>
    %select_n3A_30 = arith.select %lt3A_29, %slice3A_28, %select_n3A_23 : vector<768x128xi1>, vector<768x128xf32>
    %add3A_31 = arith.constant 384 : i32
    %add3A_32 = vector.broadcast %add3A_31 : i32 to vector<768x128xi32>
    %add3A_33 = arith.addi %iota3A, %add3A_32 : vector<768x128xi32>
    %select_n3A_34 = arith.select %lt3A_29, %add3A_33, %select_n3A_27 : vector<768x128xi1>, vector<768x128xi32>
    %slice3A_35 = vector.extract_strided_slice %sub3A {offsets = [0, 512], sizes = [768, 128], strides = [1, 1]} : vector<768x8192xf32> to vector<768x128xf32>
    %lt3A_36 = arith.cmpf olt, %slice3A_35, %select_n3A_30 : vector<768x128xf32>
    %select_n3A_37 = arith.select %lt3A_36, %slice3A_35, %select_n3A_30 : vector<768x128xi1>, vector<768x128xf32>
    %add3A_38 = arith.constant 512 : i32
    %add3A_39 = vector.broadcast %add3A_38 : i32 to vector<768x128xi32>
    %add3A_40 = arith.addi %iota3A, %add3A_39 : vector<768x128xi32>
    %select_n3A_41 = arith.select %lt3A_36, %add3A_40, %select_n3A_34 : vector<768x128xi1>, vector<768x128xi32>
    %slice3A_42 = vector.extract_strided_slice %sub3A {offsets = [0, 640], sizes = [768, 128], strides = [1, 1]} : vector<768x8192xf32> to vector<768x128xf32>
    %lt3A_43 = arith.cmpf olt, %slice3A_42, %select_n3A_37 : vector<768x128xf32>
    %select_n3A_44 = arith.select %lt3A_43, %slice3A_42, %select_n3A_37 : vector<768x128xi1>, vector<768x128xf32>
    %add3A_45 = arith.constant 640 : i32
    %add3A_46 = vector.broadcast %add3A_45 : i32 to vector<768x128xi32>
    %add3A_47 = arith.addi %iota3A, %add3A_46 : vector<768x128xi32>
    %select_n3A_48 = arith.select %lt3A_43, %add3A_47, %select_n3A_41 : vector<768x128xi1>, vector<768x128xi32>
    %slice3A_49 = vector.extract_strided_slice %sub3A {offsets = [0, 768], sizes = [768, 128], strides = [1, 1]} : vector<768x8192xf32> to vector<768x128xf32>
    %lt3A_50 = arith.cmpf olt, %slice3A_49, %select_n3A_44 : vector<768x128xf32>
    %select_n3A_51 = arith.select %lt3A_50, %slice3A_49, %select_n3A_44 : vector<768x128xi1>, vector<768x128xf32>
    %add3A_52 = arith.constant 768 : i32
    %add3A_53 = vector.broadcast %add3A_52 : i32 to vector<768x128xi32>
    %add3A_54 = arith.addi %iota3A, %add3A_53 : vector<768x128xi32>
    %select_n3A_55 = arith.select %lt3A_50, %add3A_54, %select_n3A_48 : vector<768x128xi1>, vector<768x128xi32>
    %slice3A_56 = vector.extract_strided_slice %sub3A {offsets = [0, 896], sizes = [768, 128], strides = [1, 1]} : vector<768x8192xf32> to vector<768x128xf32>
    %lt3A_57 = arith.cmpf olt, %slice3A_56, %select_n3A_51 : vector<768x128xf32>
    %select_n3A_58 = arith.select %lt3A_57, %slice3A_56, %select_n3A_51 : vector<768x128xi1>, vector<768x128xf32>
    %add3A_59 = arith.constant 896 : i32
    %add3A_60 = vector.broadcast %add3A_59 : i32 to vector<768x128xi32>
    %add3A_61 = arith.addi %iota3A, %add3A_60 : vector<768x128xi32>
    %select_n3A_62 = arith.select %lt3A_57, %add3A_61, %select_n3A_55 : vector<768x128xi1>, vector<768x128xi32>
    %slice3A_63 = vector.extract_strided_slice %sub3A {offsets = [0, 1024], sizes = [768, 128], strides = [1, 1]} : vector<768x8192xf32> to vector<768x128xf32>
    %lt3A_64 = arith.cmpf olt, %slice3A_63, %select_n3A_58 : vector<768x128xf32>
    %select_n3A_65 = arith.select %lt3A_64, %slice3A_63, %select_n3A_58 : vector<768x128xi1>, vector<768x128xf32>
    %add3A_66 = arith.constant 1024 : i32
    %add3A_67 = vector.broadcast %add3A_66 : i32 to vector<768x128xi32>
    %add3A_68 = arith.addi %iota3A, %add3A_67 : vector<768x128xi32>
    %select_n3A_69 = arith.select %lt3A_64, %add3A_68, %select_n3A_62 : vector<768x128xi1>, vector<768x128xi32>
    %slice3A_70 = vector.extract_strided_slice %sub3A {offsets = [0, 1152], sizes = [768, 128], strides = [1, 1]} : vector<768x8192xf32> to vector<768x128xf32>
    %lt3A_71 = arith.cmpf olt, %slice3A_70, %select_n3A_65 : vector<768x128xf32>
    %select_n3A_72 = arith.select %lt3A_71, %slice3A_70, %select_n3A_65 : vector<768x128xi1>, vector<768x128xf32>
    %add3A_73 = arith.constant 1152 : i32
    %add3A_74 = vector.broadcast %add3A_73 : i32 to vector<768x128xi32>
    %add3A_75 = arith.addi %iota3A, %add3A_74 : vector<768x128xi32>
    %select_n3A_76 = arith.select %lt3A_71, %add3A_75, %select_n3A_69 : vector<768x128xi1>, vector<768x128xi32>
    %slice3A_77 = vector.extract_strided_slice %sub3A {offsets = [0, 1280], sizes = [768, 128], strides = [1, 1]} : vector<768x8192xf32> to vector<768x128xf32>
    %lt3A_78 = arith.cmpf olt, %slice3A_77, %select_n3A_72 : vector<768x128xf32>
    %select_n3A_79 = arith.select %lt3A_78, %slice3A_77, %select_n3A_72 : vector<768x128xi1>, vector<768x128xf32>
    %add3A_80 = arith.constant 1280 : i32
    %add3A_81 = vector.broadcast %add3A_80 : i32 to vector<768x128xi32>
    %add3A_82 = arith.addi %iota3A, %add3A_81 : vector<768x128xi32>
    %select_n3A_83 = arith.select %lt3A_78, %add3A_82, %select_n3A_76 : vector<768x128xi1>, vector<768x128xi32>
    %slice3A_84 = vector.extract_strided_slice %sub3A {offsets = [0, 1408], sizes = [768, 128], strides = [1, 1]} : vector<768x8192xf32> to vector<768x128xf32>
    %lt3A_85 = arith.cmpf olt, %slice3A_84, %select_n3A_79 : vector<768x128xf32>
    %select_n3A_86 = arith.select %lt3A_85, %slice3A_84, %select_n3A_79 : vector<768x128xi1>, vector<768x128xf32>
    %add3A_87 = arith.constant 1408 : i32
    %add3A_88 = vector.broadcast %add3A_87 : i32 to vector<768x128xi32>
    %add3A_89 = arith.addi %iota3A, %add3A_88 : vector<768x128xi32>
    %select_n3A_90 = arith.select %lt3A_85, %add3A_89, %select_n3A_83 : vector<768x128xi1>, vector<768x128xi32>
    %slice3A_91 = vector.extract_strided_slice %sub3A {offsets = [0, 1536], sizes = [768, 128], strides = [1, 1]} : vector<768x8192xf32> to vector<768x128xf32>
    %lt3A_92 = arith.cmpf olt, %slice3A_91, %select_n3A_86 : vector<768x128xf32>
    %select_n3A_93 = arith.select %lt3A_92, %slice3A_91, %select_n3A_86 : vector<768x128xi1>, vector<768x128xf32>
    %add3A_94 = arith.constant 1536 : i32
    %add3A_95 = vector.broadcast %add3A_94 : i32 to vector<768x128xi32>
    %add3A_96 = arith.addi %iota3A, %add3A_95 : vector<768x128xi32>
    %select_n3A_97 = arith.select %lt3A_92, %add3A_96, %select_n3A_90 : vector<768x128xi1>, vector<768x128xi32>
    %slice3A_98 = vector.extract_strided_slice %sub3A {offsets = [0, 1664], sizes = [768, 128], strides = [1, 1]} : vector<768x8192xf32> to vector<768x128xf32>
    %lt3A_99 = arith.cmpf olt, %slice3A_98, %select_n3A_93 : vector<768x128xf32>
    %select_n3A_100 = arith.select %lt3A_99, %slice3A_98, %select_n3A_93 : vector<768x128xi1>, vector<768x128xf32>
    %add3A_101 = arith.constant 1664 : i32
    %add3A_102 = vector.broadcast %add3A_101 : i32 to vector<768x128xi32>
    %add3A_103 = arith.addi %iota3A, %add3A_102 : vector<768x128xi32>
    %select_n3A_104 = arith.select %lt3A_99, %add3A_103, %select_n3A_97 : vector<768x128xi1>, vector<768x128xi32>
    %slice3A_105 = vector.extract_strided_slice %sub3A {offsets = [0, 1792], sizes = [768, 128], strides = [1, 1]} : vector<768x8192xf32> to vector<768x128xf32>
    %lt3A_106 = arith.cmpf olt, %slice3A_105, %select_n3A_100 : vector<768x128xf32>
    %select_n3A_107 = arith.select %lt3A_106, %slice3A_105, %select_n3A_100 : vector<768x128xi1>, vector<768x128xf32>
    %add3A_108 = arith.constant 1792 : i32
    %add3A_109 = vector.broadcast %add3A_108 : i32 to vector<768x128xi32>
    %add3A_110 = arith.addi %iota3A, %add3A_109 : vector<768x128xi32>
    %select_n3A_111 = arith.select %lt3A_106, %add3A_110, %select_n3A_104 : vector<768x128xi1>, vector<768x128xi32>
    %slice3A_112 = vector.extract_strided_slice %sub3A {offsets = [0, 1920], sizes = [768, 128], strides = [1, 1]} : vector<768x8192xf32> to vector<768x128xf32>
    %lt3A_113 = arith.cmpf olt, %slice3A_112, %select_n3A_107 : vector<768x128xf32>
    %select_n3A_114 = arith.select %lt3A_113, %slice3A_112, %select_n3A_107 : vector<768x128xi1>, vector<768x128xf32>
    %add3A_115 = arith.constant 1920 : i32
    %add3A_116 = vector.broadcast %add3A_115 : i32 to vector<768x128xi32>
    %add3A_117 = arith.addi %iota3A, %add3A_116 : vector<768x128xi32>
    %select_n3A_118 = arith.select %lt3A_113, %add3A_117, %select_n3A_111 : vector<768x128xi1>, vector<768x128xi32>
    %slice3A_119 = vector.extract_strided_slice %sub3A {offsets = [0, 2048], sizes = [768, 128], strides = [1, 1]} : vector<768x8192xf32> to vector<768x128xf32>
    %lt3A_120 = arith.cmpf olt, %slice3A_119, %select_n3A_114 : vector<768x128xf32>
    %select_n3A_121 = arith.select %lt3A_120, %slice3A_119, %select_n3A_114 : vector<768x128xi1>, vector<768x128xf32>
    %add3A_122 = arith.constant 2048 : i32
    %add3A_123 = vector.broadcast %add3A_122 : i32 to vector<768x128xi32>
    %add3A_124 = arith.addi %iota3A, %add3A_123 : vector<768x128xi32>
    %select_n3A_125 = arith.select %lt3A_120, %add3A_124, %select_n3A_118 : vector<768x128xi1>, vector<768x128xi32>
    %slice3A_126 = vector.extract_strided_slice %sub3A {offsets = [0, 2176], sizes = [768, 128], strides = [1, 1]} : vector<768x8192xf32> to vector<768x128xf32>
    %lt3A_127 = arith.cmpf olt, %slice3A_126, %select_n3A_121 : vector<768x128xf32>
    %select_n3A_128 = arith.select %lt3A_127, %slice3A_126, %select_n3A_121 : vector<768x128xi1>, vector<768x128xf32>
    %add3A_129 = arith.constant 2176 : i32
    %add3A_130 = vector.broadcast %add3A_129 : i32 to vector<768x128xi32>
    %add3A_131 = arith.addi %iota3A, %add3A_130 : vector<768x128xi32>
    %select_n3A_132 = arith.select %lt3A_127, %add3A_131, %select_n3A_125 : vector<768x128xi1>, vector<768x128xi32>
    %slice3A_133 = vector.extract_strided_slice %sub3A {offsets = [0, 2304], sizes = [768, 128], strides = [1, 1]} : vector<768x8192xf32> to vector<768x128xf32>
    %lt3A_134 = arith.cmpf olt, %slice3A_133, %select_n3A_128 : vector<768x128xf32>
    %select_n3A_135 = arith.select %lt3A_134, %slice3A_133, %select_n3A_128 : vector<768x128xi1>, vector<768x128xf32>
    %add3A_136 = arith.constant 2304 : i32
    %add3A_137 = vector.broadcast %add3A_136 : i32 to vector<768x128xi32>
    %add3A_138 = arith.addi %iota3A, %add3A_137 : vector<768x128xi32>
    %select_n3A_139 = arith.select %lt3A_134, %add3A_138, %select_n3A_132 : vector<768x128xi1>, vector<768x128xi32>
    %slice3A_140 = vector.extract_strided_slice %sub3A {offsets = [0, 2432], sizes = [768, 128], strides = [1, 1]} : vector<768x8192xf32> to vector<768x128xf32>
    %lt3A_141 = arith.cmpf olt, %slice3A_140, %select_n3A_135 : vector<768x128xf32>
    %select_n3A_142 = arith.select %lt3A_141, %slice3A_140, %select_n3A_135 : vector<768x128xi1>, vector<768x128xf32>
    %add3A_143 = arith.constant 2432 : i32
    %add3A_144 = vector.broadcast %add3A_143 : i32 to vector<768x128xi32>
    %add3A_145 = arith.addi %iota3A, %add3A_144 : vector<768x128xi32>
    %select_n3A_146 = arith.select %lt3A_141, %add3A_145, %select_n3A_139 : vector<768x128xi1>, vector<768x128xi32>
    %slice3A_147 = vector.extract_strided_slice %sub3A {offsets = [0, 2560], sizes = [768, 128], strides = [1, 1]} : vector<768x8192xf32> to vector<768x128xf32>
    %lt3A_148 = arith.cmpf olt, %slice3A_147, %select_n3A_142 : vector<768x128xf32>
    %select_n3A_149 = arith.select %lt3A_148, %slice3A_147, %select_n3A_142 : vector<768x128xi1>, vector<768x128xf32>
    %add3A_150 = arith.constant 2560 : i32
    %add3A_151 = vector.broadcast %add3A_150 : i32 to vector<768x128xi32>
    %add3A_152 = arith.addi %iota3A, %add3A_151 : vector<768x128xi32>
    %select_n3A_153 = arith.select %lt3A_148, %add3A_152, %select_n3A_146 : vector<768x128xi1>, vector<768x128xi32>
    %slice3A_154 = vector.extract_strided_slice %sub3A {offsets = [0, 2688], sizes = [768, 128], strides = [1, 1]} : vector<768x8192xf32> to vector<768x128xf32>
    %lt3A_155 = arith.cmpf olt, %slice3A_154, %select_n3A_149 : vector<768x128xf32>
    %select_n3A_156 = arith.select %lt3A_155, %slice3A_154, %select_n3A_149 : vector<768x128xi1>, vector<768x128xf32>
    %add3A_157 = arith.constant 2688 : i32
    %add3A_158 = vector.broadcast %add3A_157 : i32 to vector<768x128xi32>
    %add3A_159 = arith.addi %iota3A, %add3A_158 : vector<768x128xi32>
    %select_n3A_160 = arith.select %lt3A_155, %add3A_159, %select_n3A_153 : vector<768x128xi1>, vector<768x128xi32>
    %slice3A_161 = vector.extract_strided_slice %sub3A {offsets = [0, 2816], sizes = [768, 128], strides = [1, 1]} : vector<768x8192xf32> to vector<768x128xf32>
    %lt3A_162 = arith.cmpf olt, %slice3A_161, %select_n3A_156 : vector<768x128xf32>
    %select_n3A_163 = arith.select %lt3A_162, %slice3A_161, %select_n3A_156 : vector<768x128xi1>, vector<768x128xf32>
    %add3A_164 = arith.constant 2816 : i32
    %add3A_165 = vector.broadcast %add3A_164 : i32 to vector<768x128xi32>
    %add3A_166 = arith.addi %iota3A, %add3A_165 : vector<768x128xi32>
    %select_n3A_167 = arith.select %lt3A_162, %add3A_166, %select_n3A_160 : vector<768x128xi1>, vector<768x128xi32>
    %slice3A_168 = vector.extract_strided_slice %sub3A {offsets = [0, 2944], sizes = [768, 128], strides = [1, 1]} : vector<768x8192xf32> to vector<768x128xf32>
    %lt3A_169 = arith.cmpf olt, %slice3A_168, %select_n3A_163 : vector<768x128xf32>
    %select_n3A_170 = arith.select %lt3A_169, %slice3A_168, %select_n3A_163 : vector<768x128xi1>, vector<768x128xf32>
    %add3A_171 = arith.constant 2944 : i32
    %add3A_172 = vector.broadcast %add3A_171 : i32 to vector<768x128xi32>
    %add3A_173 = arith.addi %iota3A, %add3A_172 : vector<768x128xi32>
    %select_n3A_174 = arith.select %lt3A_169, %add3A_173, %select_n3A_167 : vector<768x128xi1>, vector<768x128xi32>
    %slice3A_175 = vector.extract_strided_slice %sub3A {offsets = [0, 3072], sizes = [768, 128], strides = [1, 1]} : vector<768x8192xf32> to vector<768x128xf32>
    %lt3A_176 = arith.cmpf olt, %slice3A_175, %select_n3A_170 : vector<768x128xf32>
    %select_n3A_177 = arith.select %lt3A_176, %slice3A_175, %select_n3A_170 : vector<768x128xi1>, vector<768x128xf32>
    %add3A_178 = arith.constant 3072 : i32
    %add3A_179 = vector.broadcast %add3A_178 : i32 to vector<768x128xi32>
    %add3A_180 = arith.addi %iota3A, %add3A_179 : vector<768x128xi32>
    %select_n3A_181 = arith.select %lt3A_176, %add3A_180, %select_n3A_174 : vector<768x128xi1>, vector<768x128xi32>
    %slice3A_182 = vector.extract_strided_slice %sub3A {offsets = [0, 3200], sizes = [768, 128], strides = [1, 1]} : vector<768x8192xf32> to vector<768x128xf32>
    %lt3A_183 = arith.cmpf olt, %slice3A_182, %select_n3A_177 : vector<768x128xf32>
    %select_n3A_184 = arith.select %lt3A_183, %slice3A_182, %select_n3A_177 : vector<768x128xi1>, vector<768x128xf32>
    %add3A_185 = arith.constant 3200 : i32
    %add3A_186 = vector.broadcast %add3A_185 : i32 to vector<768x128xi32>
    %add3A_187 = arith.addi %iota3A, %add3A_186 : vector<768x128xi32>
    %select_n3A_188 = arith.select %lt3A_183, %add3A_187, %select_n3A_181 : vector<768x128xi1>, vector<768x128xi32>
    %slice3A_189 = vector.extract_strided_slice %sub3A {offsets = [0, 3328], sizes = [768, 128], strides = [1, 1]} : vector<768x8192xf32> to vector<768x128xf32>
    %lt3A_190 = arith.cmpf olt, %slice3A_189, %select_n3A_184 : vector<768x128xf32>
    %select_n3A_191 = arith.select %lt3A_190, %slice3A_189, %select_n3A_184 : vector<768x128xi1>, vector<768x128xf32>
    %add3A_192 = arith.constant 3328 : i32
    %add3A_193 = vector.broadcast %add3A_192 : i32 to vector<768x128xi32>
    %add3A_194 = arith.addi %iota3A, %add3A_193 : vector<768x128xi32>
    %select_n3A_195 = arith.select %lt3A_190, %add3A_194, %select_n3A_188 : vector<768x128xi1>, vector<768x128xi32>
    %slice3A_196 = vector.extract_strided_slice %sub3A {offsets = [0, 3456], sizes = [768, 128], strides = [1, 1]} : vector<768x8192xf32> to vector<768x128xf32>
    %lt3A_197 = arith.cmpf olt, %slice3A_196, %select_n3A_191 : vector<768x128xf32>
    %select_n3A_198 = arith.select %lt3A_197, %slice3A_196, %select_n3A_191 : vector<768x128xi1>, vector<768x128xf32>
    %add3A_199 = arith.constant 3456 : i32
    %add3A_200 = vector.broadcast %add3A_199 : i32 to vector<768x128xi32>
    %add3A_201 = arith.addi %iota3A, %add3A_200 : vector<768x128xi32>
    %select_n3A_202 = arith.select %lt3A_197, %add3A_201, %select_n3A_195 : vector<768x128xi1>, vector<768x128xi32>
    %slice3A_203 = vector.extract_strided_slice %sub3A {offsets = [0, 3584], sizes = [768, 128], strides = [1, 1]} : vector<768x8192xf32> to vector<768x128xf32>
    %lt3A_204 = arith.cmpf olt, %slice3A_203, %select_n3A_198 : vector<768x128xf32>
    %select_n3A_205 = arith.select %lt3A_204, %slice3A_203, %select_n3A_198 : vector<768x128xi1>, vector<768x128xf32>
    %add3A_206 = arith.constant 3584 : i32
    %add3A_207 = vector.broadcast %add3A_206 : i32 to vector<768x128xi32>
    %add3A_208 = arith.addi %iota3A, %add3A_207 : vector<768x128xi32>
    %select_n3A_209 = arith.select %lt3A_204, %add3A_208, %select_n3A_202 : vector<768x128xi1>, vector<768x128xi32>
    %slice3A_210 = vector.extract_strided_slice %sub3A {offsets = [0, 3712], sizes = [768, 128], strides = [1, 1]} : vector<768x8192xf32> to vector<768x128xf32>
    %lt3A_211 = arith.cmpf olt, %slice3A_210, %select_n3A_205 : vector<768x128xf32>
    %select_n3A_212 = arith.select %lt3A_211, %slice3A_210, %select_n3A_205 : vector<768x128xi1>, vector<768x128xf32>
    %add3A_213 = arith.constant 3712 : i32
    %add3A_214 = vector.broadcast %add3A_213 : i32 to vector<768x128xi32>
    %add3A_215 = arith.addi %iota3A, %add3A_214 : vector<768x128xi32>
    %select_n3A_216 = arith.select %lt3A_211, %add3A_215, %select_n3A_209 : vector<768x128xi1>, vector<768x128xi32>
    %slice3A_217 = vector.extract_strided_slice %sub3A {offsets = [0, 3840], sizes = [768, 128], strides = [1, 1]} : vector<768x8192xf32> to vector<768x128xf32>
    %lt3A_218 = arith.cmpf olt, %slice3A_217, %select_n3A_212 : vector<768x128xf32>
    %select_n3A_219 = arith.select %lt3A_218, %slice3A_217, %select_n3A_212 : vector<768x128xi1>, vector<768x128xf32>
    %add3A_220 = arith.constant 3840 : i32
    %add3A_221 = vector.broadcast %add3A_220 : i32 to vector<768x128xi32>
    %add3A_222 = arith.addi %iota3A, %add3A_221 : vector<768x128xi32>
    %select_n3A_223 = arith.select %lt3A_218, %add3A_222, %select_n3A_216 : vector<768x128xi1>, vector<768x128xi32>
    %slice3A_224 = vector.extract_strided_slice %sub3A {offsets = [0, 3968], sizes = [768, 128], strides = [1, 1]} : vector<768x8192xf32> to vector<768x128xf32>
    %lt3A_225 = arith.cmpf olt, %slice3A_224, %select_n3A_219 : vector<768x128xf32>
    %select_n3A_226 = arith.select %lt3A_225, %slice3A_224, %select_n3A_219 : vector<768x128xi1>, vector<768x128xf32>
    %add3A_227 = arith.constant 3968 : i32
    %add3A_228 = vector.broadcast %add3A_227 : i32 to vector<768x128xi32>
    %add3A_229 = arith.addi %iota3A, %add3A_228 : vector<768x128xi32>
    %select_n3A_230 = arith.select %lt3A_225, %add3A_229, %select_n3A_223 : vector<768x128xi1>, vector<768x128xi32>
    %slice3A_231 = vector.extract_strided_slice %sub3A {offsets = [0, 4096], sizes = [768, 128], strides = [1, 1]} : vector<768x8192xf32> to vector<768x128xf32>
    %lt3A_232 = arith.cmpf olt, %slice3A_231, %select_n3A_226 : vector<768x128xf32>
    %select_n3A_233 = arith.select %lt3A_232, %slice3A_231, %select_n3A_226 : vector<768x128xi1>, vector<768x128xf32>
    %add3A_234 = arith.constant 4096 : i32
    %add3A_235 = vector.broadcast %add3A_234 : i32 to vector<768x128xi32>
    %add3A_236 = arith.addi %iota3A, %add3A_235 : vector<768x128xi32>
    %select_n3A_237 = arith.select %lt3A_232, %add3A_236, %select_n3A_230 : vector<768x128xi1>, vector<768x128xi32>
    %slice3A_238 = vector.extract_strided_slice %sub3A {offsets = [0, 4224], sizes = [768, 128], strides = [1, 1]} : vector<768x8192xf32> to vector<768x128xf32>
    %lt3A_239 = arith.cmpf olt, %slice3A_238, %select_n3A_233 : vector<768x128xf32>
    %select_n3A_240 = arith.select %lt3A_239, %slice3A_238, %select_n3A_233 : vector<768x128xi1>, vector<768x128xf32>
    %add3A_241 = arith.constant 4224 : i32
    %add3A_242 = vector.broadcast %add3A_241 : i32 to vector<768x128xi32>
    %add3A_243 = arith.addi %iota3A, %add3A_242 : vector<768x128xi32>
    %select_n3A_244 = arith.select %lt3A_239, %add3A_243, %select_n3A_237 : vector<768x128xi1>, vector<768x128xi32>
    %slice3A_245 = vector.extract_strided_slice %sub3A {offsets = [0, 4352], sizes = [768, 128], strides = [1, 1]} : vector<768x8192xf32> to vector<768x128xf32>
    %lt3A_246 = arith.cmpf olt, %slice3A_245, %select_n3A_240 : vector<768x128xf32>
    %select_n3A_247 = arith.select %lt3A_246, %slice3A_245, %select_n3A_240 : vector<768x128xi1>, vector<768x128xf32>
    %add3A_248 = arith.constant 4352 : i32
    %add3A_249 = vector.broadcast %add3A_248 : i32 to vector<768x128xi32>
    %add3A_250 = arith.addi %iota3A, %add3A_249 : vector<768x128xi32>
    %select_n3A_251 = arith.select %lt3A_246, %add3A_250, %select_n3A_244 : vector<768x128xi1>, vector<768x128xi32>
    %slice3A_252 = vector.extract_strided_slice %sub3A {offsets = [0, 4480], sizes = [768, 128], strides = [1, 1]} : vector<768x8192xf32> to vector<768x128xf32>
    %lt3A_253 = arith.cmpf olt, %slice3A_252, %select_n3A_247 : vector<768x128xf32>
    %select_n3A_254 = arith.select %lt3A_253, %slice3A_252, %select_n3A_247 : vector<768x128xi1>, vector<768x128xf32>
    %add3A_255 = arith.constant 4480 : i32
    %add3A_256 = vector.broadcast %add3A_255 : i32 to vector<768x128xi32>
    %add3A_257 = arith.addi %iota3A, %add3A_256 : vector<768x128xi32>
    %select_n3A_258 = arith.select %lt3A_253, %add3A_257, %select_n3A_251 : vector<768x128xi1>, vector<768x128xi32>
    %slice3A_259 = vector.extract_strided_slice %sub3A {offsets = [0, 4608], sizes = [768, 128], strides = [1, 1]} : vector<768x8192xf32> to vector<768x128xf32>
    %lt3A_260 = arith.cmpf olt, %slice3A_259, %select_n3A_254 : vector<768x128xf32>
    %select_n3A_261 = arith.select %lt3A_260, %slice3A_259, %select_n3A_254 : vector<768x128xi1>, vector<768x128xf32>
    %add3A_262 = arith.constant 4608 : i32
    %add3A_263 = vector.broadcast %add3A_262 : i32 to vector<768x128xi32>
    %add3A_264 = arith.addi %iota3A, %add3A_263 : vector<768x128xi32>
    %select_n3A_265 = arith.select %lt3A_260, %add3A_264, %select_n3A_258 : vector<768x128xi1>, vector<768x128xi32>
    %slice3A_266 = vector.extract_strided_slice %sub3A {offsets = [0, 4736], sizes = [768, 128], strides = [1, 1]} : vector<768x8192xf32> to vector<768x128xf32>
    %lt3A_267 = arith.cmpf olt, %slice3A_266, %select_n3A_261 : vector<768x128xf32>
    %select_n3A_268 = arith.select %lt3A_267, %slice3A_266, %select_n3A_261 : vector<768x128xi1>, vector<768x128xf32>
    %add3A_269 = arith.constant 4736 : i32
    %add3A_270 = vector.broadcast %add3A_269 : i32 to vector<768x128xi32>
    %add3A_271 = arith.addi %iota3A, %add3A_270 : vector<768x128xi32>
    %select_n3A_272 = arith.select %lt3A_267, %add3A_271, %select_n3A_265 : vector<768x128xi1>, vector<768x128xi32>
    %slice3A_273 = vector.extract_strided_slice %sub3A {offsets = [0, 4864], sizes = [768, 128], strides = [1, 1]} : vector<768x8192xf32> to vector<768x128xf32>
    %lt3A_274 = arith.cmpf olt, %slice3A_273, %select_n3A_268 : vector<768x128xf32>
    %select_n3A_275 = arith.select %lt3A_274, %slice3A_273, %select_n3A_268 : vector<768x128xi1>, vector<768x128xf32>
    %add3A_276 = arith.constant 4864 : i32
    %add3A_277 = vector.broadcast %add3A_276 : i32 to vector<768x128xi32>
    %add3A_278 = arith.addi %iota3A, %add3A_277 : vector<768x128xi32>
    %select_n3A_279 = arith.select %lt3A_274, %add3A_278, %select_n3A_272 : vector<768x128xi1>, vector<768x128xi32>
    %slice3A_280 = vector.extract_strided_slice %sub3A {offsets = [0, 4992], sizes = [768, 128], strides = [1, 1]} : vector<768x8192xf32> to vector<768x128xf32>
    %lt3A_281 = arith.cmpf olt, %slice3A_280, %select_n3A_275 : vector<768x128xf32>
    %select_n3A_282 = arith.select %lt3A_281, %slice3A_280, %select_n3A_275 : vector<768x128xi1>, vector<768x128xf32>
    %add3A_283 = arith.constant 4992 : i32
    %add3A_284 = vector.broadcast %add3A_283 : i32 to vector<768x128xi32>
    %add3A_285 = arith.addi %iota3A, %add3A_284 : vector<768x128xi32>
    %select_n3A_286 = arith.select %lt3A_281, %add3A_285, %select_n3A_279 : vector<768x128xi1>, vector<768x128xi32>
    %slice3A_287 = vector.extract_strided_slice %sub3A {offsets = [0, 5120], sizes = [768, 128], strides = [1, 1]} : vector<768x8192xf32> to vector<768x128xf32>
    %lt3A_288 = arith.cmpf olt, %slice3A_287, %select_n3A_282 : vector<768x128xf32>
    %select_n3A_289 = arith.select %lt3A_288, %slice3A_287, %select_n3A_282 : vector<768x128xi1>, vector<768x128xf32>
    %add3A_290 = arith.constant 5120 : i32
    %add3A_291 = vector.broadcast %add3A_290 : i32 to vector<768x128xi32>
    %add3A_292 = arith.addi %iota3A, %add3A_291 : vector<768x128xi32>
    %select_n3A_293 = arith.select %lt3A_288, %add3A_292, %select_n3A_286 : vector<768x128xi1>, vector<768x128xi32>
    %slice3A_294 = vector.extract_strided_slice %sub3A {offsets = [0, 5248], sizes = [768, 128], strides = [1, 1]} : vector<768x8192xf32> to vector<768x128xf32>
    %lt3A_295 = arith.cmpf olt, %slice3A_294, %select_n3A_289 : vector<768x128xf32>
    %select_n3A_296 = arith.select %lt3A_295, %slice3A_294, %select_n3A_289 : vector<768x128xi1>, vector<768x128xf32>
    %add3A_297 = arith.constant 5248 : i32
    %add3A_298 = vector.broadcast %add3A_297 : i32 to vector<768x128xi32>
    %add3A_299 = arith.addi %iota3A, %add3A_298 : vector<768x128xi32>
    %select_n3A_300 = arith.select %lt3A_295, %add3A_299, %select_n3A_293 : vector<768x128xi1>, vector<768x128xi32>
    %slice3A_301 = vector.extract_strided_slice %sub3A {offsets = [0, 5376], sizes = [768, 128], strides = [1, 1]} : vector<768x8192xf32> to vector<768x128xf32>
    %lt3A_302 = arith.cmpf olt, %slice3A_301, %select_n3A_296 : vector<768x128xf32>
    %select_n3A_303 = arith.select %lt3A_302, %slice3A_301, %select_n3A_296 : vector<768x128xi1>, vector<768x128xf32>
    %add3A_304 = arith.constant 5376 : i32
    %add3A_305 = vector.broadcast %add3A_304 : i32 to vector<768x128xi32>
    %add3A_306 = arith.addi %iota3A, %add3A_305 : vector<768x128xi32>
    %select_n3A_307 = arith.select %lt3A_302, %add3A_306, %select_n3A_300 : vector<768x128xi1>, vector<768x128xi32>
    %slice3A_308 = vector.extract_strided_slice %sub3A {offsets = [0, 5504], sizes = [768, 128], strides = [1, 1]} : vector<768x8192xf32> to vector<768x128xf32>
    %lt3A_309 = arith.cmpf olt, %slice3A_308, %select_n3A_303 : vector<768x128xf32>
    %select_n3A_310 = arith.select %lt3A_309, %slice3A_308, %select_n3A_303 : vector<768x128xi1>, vector<768x128xf32>
    %add3A_311 = arith.constant 5504 : i32
    %add3A_312 = vector.broadcast %add3A_311 : i32 to vector<768x128xi32>
    %add3A_313 = arith.addi %iota3A, %add3A_312 : vector<768x128xi32>
    %select_n3A_314 = arith.select %lt3A_309, %add3A_313, %select_n3A_307 : vector<768x128xi1>, vector<768x128xi32>
    %slice3A_315 = vector.extract_strided_slice %sub3A {offsets = [0, 5632], sizes = [768, 128], strides = [1, 1]} : vector<768x8192xf32> to vector<768x128xf32>
    %lt3A_316 = arith.cmpf olt, %slice3A_315, %select_n3A_310 : vector<768x128xf32>
    %select_n3A_317 = arith.select %lt3A_316, %slice3A_315, %select_n3A_310 : vector<768x128xi1>, vector<768x128xf32>
    %add3A_318 = arith.constant 5632 : i32
    %add3A_319 = vector.broadcast %add3A_318 : i32 to vector<768x128xi32>
    %add3A_320 = arith.addi %iota3A, %add3A_319 : vector<768x128xi32>
    %select_n3A_321 = arith.select %lt3A_316, %add3A_320, %select_n3A_314 : vector<768x128xi1>, vector<768x128xi32>
    %slice3A_322 = vector.extract_strided_slice %sub3A {offsets = [0, 5760], sizes = [768, 128], strides = [1, 1]} : vector<768x8192xf32> to vector<768x128xf32>
    %lt3A_323 = arith.cmpf olt, %slice3A_322, %select_n3A_317 : vector<768x128xf32>
    %select_n3A_324 = arith.select %lt3A_323, %slice3A_322, %select_n3A_317 : vector<768x128xi1>, vector<768x128xf32>
    %add3A_325 = arith.constant 5760 : i32
    %add3A_326 = vector.broadcast %add3A_325 : i32 to vector<768x128xi32>
    %add3A_327 = arith.addi %iota3A, %add3A_326 : vector<768x128xi32>
    %select_n3A_328 = arith.select %lt3A_323, %add3A_327, %select_n3A_321 : vector<768x128xi1>, vector<768x128xi32>
    %slice3A_329 = vector.extract_strided_slice %sub3A {offsets = [0, 5888], sizes = [768, 128], strides = [1, 1]} : vector<768x8192xf32> to vector<768x128xf32>
    %lt3A_330 = arith.cmpf olt, %slice3A_329, %select_n3A_324 : vector<768x128xf32>
    %select_n3A_331 = arith.select %lt3A_330, %slice3A_329, %select_n3A_324 : vector<768x128xi1>, vector<768x128xf32>
    %add3A_332 = arith.constant 5888 : i32
    %add3A_333 = vector.broadcast %add3A_332 : i32 to vector<768x128xi32>
    %add3A_334 = arith.addi %iota3A, %add3A_333 : vector<768x128xi32>
    %select_n3A_335 = arith.select %lt3A_330, %add3A_334, %select_n3A_328 : vector<768x128xi1>, vector<768x128xi32>
    %slice3A_336 = vector.extract_strided_slice %sub3A {offsets = [0, 6016], sizes = [768, 128], strides = [1, 1]} : vector<768x8192xf32> to vector<768x128xf32>
    %lt3A_337 = arith.cmpf olt, %slice3A_336, %select_n3A_331 : vector<768x128xf32>
    %select_n3A_338 = arith.select %lt3A_337, %slice3A_336, %select_n3A_331 : vector<768x128xi1>, vector<768x128xf32>
    %add3A_339 = arith.constant 6016 : i32
    %add3A_340 = vector.broadcast %add3A_339 : i32 to vector<768x128xi32>
    %add3A_341 = arith.addi %iota3A, %add3A_340 : vector<768x128xi32>
    %select_n3A_342 = arith.select %lt3A_337, %add3A_341, %select_n3A_335 : vector<768x128xi1>, vector<768x128xi32>
    %slice3A_343 = vector.extract_strided_slice %sub3A {offsets = [0, 6144], sizes = [768, 128], strides = [1, 1]} : vector<768x8192xf32> to vector<768x128xf32>
    %lt3A_344 = arith.cmpf olt, %slice3A_343, %select_n3A_338 : vector<768x128xf32>
    %select_n3A_345 = arith.select %lt3A_344, %slice3A_343, %select_n3A_338 : vector<768x128xi1>, vector<768x128xf32>
    %add3A_346 = arith.constant 6144 : i32
    %add3A_347 = vector.broadcast %add3A_346 : i32 to vector<768x128xi32>
    %add3A_348 = arith.addi %iota3A, %add3A_347 : vector<768x128xi32>
    %select_n3A_349 = arith.select %lt3A_344, %add3A_348, %select_n3A_342 : vector<768x128xi1>, vector<768x128xi32>
    %slice3A_350 = vector.extract_strided_slice %sub3A {offsets = [0, 6272], sizes = [768, 128], strides = [1, 1]} : vector<768x8192xf32> to vector<768x128xf32>
    %lt3A_351 = arith.cmpf olt, %slice3A_350, %select_n3A_345 : vector<768x128xf32>
    %select_n3A_352 = arith.select %lt3A_351, %slice3A_350, %select_n3A_345 : vector<768x128xi1>, vector<768x128xf32>
    %add3A_353 = arith.constant 6272 : i32
    %add3A_354 = vector.broadcast %add3A_353 : i32 to vector<768x128xi32>
    %add3A_355 = arith.addi %iota3A, %add3A_354 : vector<768x128xi32>
    %select_n3A_356 = arith.select %lt3A_351, %add3A_355, %select_n3A_349 : vector<768x128xi1>, vector<768x128xi32>
    %slice3A_357 = vector.extract_strided_slice %sub3A {offsets = [0, 6400], sizes = [768, 128], strides = [1, 1]} : vector<768x8192xf32> to vector<768x128xf32>
    %lt3A_358 = arith.cmpf olt, %slice3A_357, %select_n3A_352 : vector<768x128xf32>
    %select_n3A_359 = arith.select %lt3A_358, %slice3A_357, %select_n3A_352 : vector<768x128xi1>, vector<768x128xf32>
    %add3A_360 = arith.constant 6400 : i32
    %add3A_361 = vector.broadcast %add3A_360 : i32 to vector<768x128xi32>
    %add3A_362 = arith.addi %iota3A, %add3A_361 : vector<768x128xi32>
    %select_n3A_363 = arith.select %lt3A_358, %add3A_362, %select_n3A_356 : vector<768x128xi1>, vector<768x128xi32>
    %slice3A_364 = vector.extract_strided_slice %sub3A {offsets = [0, 6528], sizes = [768, 128], strides = [1, 1]} : vector<768x8192xf32> to vector<768x128xf32>
    %lt3A_365 = arith.cmpf olt, %slice3A_364, %select_n3A_359 : vector<768x128xf32>
    %select_n3A_366 = arith.select %lt3A_365, %slice3A_364, %select_n3A_359 : vector<768x128xi1>, vector<768x128xf32>
    %add3A_367 = arith.constant 6528 : i32
    %add3A_368 = vector.broadcast %add3A_367 : i32 to vector<768x128xi32>
    %add3A_369 = arith.addi %iota3A, %add3A_368 : vector<768x128xi32>
    %select_n3A_370 = arith.select %lt3A_365, %add3A_369, %select_n3A_363 : vector<768x128xi1>, vector<768x128xi32>
    %slice3A_371 = vector.extract_strided_slice %sub3A {offsets = [0, 6656], sizes = [768, 128], strides = [1, 1]} : vector<768x8192xf32> to vector<768x128xf32>
    %lt3A_372 = arith.cmpf olt, %slice3A_371, %select_n3A_366 : vector<768x128xf32>
    %select_n3A_373 = arith.select %lt3A_372, %slice3A_371, %select_n3A_366 : vector<768x128xi1>, vector<768x128xf32>
    %add3A_374 = arith.constant 6656 : i32
    %add3A_375 = vector.broadcast %add3A_374 : i32 to vector<768x128xi32>
    %add3A_376 = arith.addi %iota3A, %add3A_375 : vector<768x128xi32>
    %select_n3A_377 = arith.select %lt3A_372, %add3A_376, %select_n3A_370 : vector<768x128xi1>, vector<768x128xi32>
    %slice3A_378 = vector.extract_strided_slice %sub3A {offsets = [0, 6784], sizes = [768, 128], strides = [1, 1]} : vector<768x8192xf32> to vector<768x128xf32>
    %lt3A_379 = arith.cmpf olt, %slice3A_378, %select_n3A_373 : vector<768x128xf32>
    %select_n3A_380 = arith.select %lt3A_379, %slice3A_378, %select_n3A_373 : vector<768x128xi1>, vector<768x128xf32>
    %add3A_381 = arith.constant 6784 : i32
    %add3A_382 = vector.broadcast %add3A_381 : i32 to vector<768x128xi32>
    %add3A_383 = arith.addi %iota3A, %add3A_382 : vector<768x128xi32>
    %select_n3A_384 = arith.select %lt3A_379, %add3A_383, %select_n3A_377 : vector<768x128xi1>, vector<768x128xi32>
    %slice3A_385 = vector.extract_strided_slice %sub3A {offsets = [0, 6912], sizes = [768, 128], strides = [1, 1]} : vector<768x8192xf32> to vector<768x128xf32>
    %lt3A_386 = arith.cmpf olt, %slice3A_385, %select_n3A_380 : vector<768x128xf32>
    %select_n3A_387 = arith.select %lt3A_386, %slice3A_385, %select_n3A_380 : vector<768x128xi1>, vector<768x128xf32>
    %add3A_388 = arith.constant 6912 : i32
    %add3A_389 = vector.broadcast %add3A_388 : i32 to vector<768x128xi32>
    %add3A_390 = arith.addi %iota3A, %add3A_389 : vector<768x128xi32>
    %select_n3A_391 = arith.select %lt3A_386, %add3A_390, %select_n3A_384 : vector<768x128xi1>, vector<768x128xi32>
    %slice3A_392 = vector.extract_strided_slice %sub3A {offsets = [0, 7040], sizes = [768, 128], strides = [1, 1]} : vector<768x8192xf32> to vector<768x128xf32>
    %lt3A_393 = arith.cmpf olt, %slice3A_392, %select_n3A_387 : vector<768x128xf32>
    %select_n3A_394 = arith.select %lt3A_393, %slice3A_392, %select_n3A_387 : vector<768x128xi1>, vector<768x128xf32>
    %add3A_395 = arith.constant 7040 : i32
    %add3A_396 = vector.broadcast %add3A_395 : i32 to vector<768x128xi32>
    %add3A_397 = arith.addi %iota3A, %add3A_396 : vector<768x128xi32>
    %select_n3A_398 = arith.select %lt3A_393, %add3A_397, %select_n3A_391 : vector<768x128xi1>, vector<768x128xi32>
    %slice3A_399 = vector.extract_strided_slice %sub3A {offsets = [0, 7168], sizes = [768, 128], strides = [1, 1]} : vector<768x8192xf32> to vector<768x128xf32>
    %lt3A_400 = arith.cmpf olt, %slice3A_399, %select_n3A_394 : vector<768x128xf32>
    %select_n3A_401 = arith.select %lt3A_400, %slice3A_399, %select_n3A_394 : vector<768x128xi1>, vector<768x128xf32>
    %add3A_402 = arith.constant 7168 : i32
    %add3A_403 = vector.broadcast %add3A_402 : i32 to vector<768x128xi32>
    %add3A_404 = arith.addi %iota3A, %add3A_403 : vector<768x128xi32>
    %select_n3A_405 = arith.select %lt3A_400, %add3A_404, %select_n3A_398 : vector<768x128xi1>, vector<768x128xi32>
    %slice3A_406 = vector.extract_strided_slice %sub3A {offsets = [0, 7296], sizes = [768, 128], strides = [1, 1]} : vector<768x8192xf32> to vector<768x128xf32>
    %lt3A_407 = arith.cmpf olt, %slice3A_406, %select_n3A_401 : vector<768x128xf32>
    %select_n3A_408 = arith.select %lt3A_407, %slice3A_406, %select_n3A_401 : vector<768x128xi1>, vector<768x128xf32>
    %add3A_409 = arith.constant 7296 : i32
    %add3A_410 = vector.broadcast %add3A_409 : i32 to vector<768x128xi32>
    %add3A_411 = arith.addi %iota3A, %add3A_410 : vector<768x128xi32>
    %select_n3A_412 = arith.select %lt3A_407, %add3A_411, %select_n3A_405 : vector<768x128xi1>, vector<768x128xi32>
    %slice3A_413 = vector.extract_strided_slice %sub3A {offsets = [0, 7424], sizes = [768, 128], strides = [1, 1]} : vector<768x8192xf32> to vector<768x128xf32>
    %lt3A_414 = arith.cmpf olt, %slice3A_413, %select_n3A_408 : vector<768x128xf32>
    %select_n3A_415 = arith.select %lt3A_414, %slice3A_413, %select_n3A_408 : vector<768x128xi1>, vector<768x128xf32>
    %add3A_416 = arith.constant 7424 : i32
    %add3A_417 = vector.broadcast %add3A_416 : i32 to vector<768x128xi32>
    %add3A_418 = arith.addi %iota3A, %add3A_417 : vector<768x128xi32>
    %select_n3A_419 = arith.select %lt3A_414, %add3A_418, %select_n3A_412 : vector<768x128xi1>, vector<768x128xi32>
    %slice3A_420 = vector.extract_strided_slice %sub3A {offsets = [0, 7552], sizes = [768, 128], strides = [1, 1]} : vector<768x8192xf32> to vector<768x128xf32>
    %lt3A_421 = arith.cmpf olt, %slice3A_420, %select_n3A_415 : vector<768x128xf32>
    %select_n3A_422 = arith.select %lt3A_421, %slice3A_420, %select_n3A_415 : vector<768x128xi1>, vector<768x128xf32>
    %add3A_423 = arith.constant 7552 : i32
    %add3A_424 = vector.broadcast %add3A_423 : i32 to vector<768x128xi32>
    %add3A_425 = arith.addi %iota3A, %add3A_424 : vector<768x128xi32>
    %select_n3A_426 = arith.select %lt3A_421, %add3A_425, %select_n3A_419 : vector<768x128xi1>, vector<768x128xi32>
    %slice3A_427 = vector.extract_strided_slice %sub3A {offsets = [0, 7680], sizes = [768, 128], strides = [1, 1]} : vector<768x8192xf32> to vector<768x128xf32>
    %lt3A_428 = arith.cmpf olt, %slice3A_427, %select_n3A_422 : vector<768x128xf32>
    %select_n3A_429 = arith.select %lt3A_428, %slice3A_427, %select_n3A_422 : vector<768x128xi1>, vector<768x128xf32>
    %add3A_430 = arith.constant 7680 : i32
    %add3A_431 = vector.broadcast %add3A_430 : i32 to vector<768x128xi32>
    %add3A_432 = arith.addi %iota3A, %add3A_431 : vector<768x128xi32>
    %select_n3A_433 = arith.select %lt3A_428, %add3A_432, %select_n3A_426 : vector<768x128xi1>, vector<768x128xi32>
    %slice3A_434 = vector.extract_strided_slice %sub3A {offsets = [0, 7808], sizes = [768, 128], strides = [1, 1]} : vector<768x8192xf32> to vector<768x128xf32>
    %lt3A_435 = arith.cmpf olt, %slice3A_434, %select_n3A_429 : vector<768x128xf32>
    %select_n3A_436 = arith.select %lt3A_435, %slice3A_434, %select_n3A_429 : vector<768x128xi1>, vector<768x128xf32>
    %add3A_437 = arith.constant 7808 : i32
    %add3A_438 = vector.broadcast %add3A_437 : i32 to vector<768x128xi32>
    %add3A_439 = arith.addi %iota3A, %add3A_438 : vector<768x128xi32>
    %select_n3A_440 = arith.select %lt3A_435, %add3A_439, %select_n3A_433 : vector<768x128xi1>, vector<768x128xi32>
    %slice3A_441 = vector.extract_strided_slice %sub3A {offsets = [0, 7936], sizes = [768, 128], strides = [1, 1]} : vector<768x8192xf32> to vector<768x128xf32>
    %lt3A_442 = arith.cmpf olt, %slice3A_441, %select_n3A_436 : vector<768x128xf32>
    %select_n3A_443 = arith.select %lt3A_442, %slice3A_441, %select_n3A_436 : vector<768x128xi1>, vector<768x128xf32>
    %add3A_444 = arith.constant 7936 : i32
    %add3A_445 = vector.broadcast %add3A_444 : i32 to vector<768x128xi32>
    %add3A_446 = arith.addi %iota3A, %add3A_445 : vector<768x128xi32>
    %select_n3A_447 = arith.select %lt3A_442, %add3A_446, %select_n3A_440 : vector<768x128xi1>, vector<768x128xi32>
    %slice3A_448 = vector.extract_strided_slice %sub3A {offsets = [0, 8064], sizes = [768, 128], strides = [1, 1]} : vector<768x8192xf32> to vector<768x128xf32>
    %lt3A_449 = arith.cmpf olt, %slice3A_448, %select_n3A_443 : vector<768x128xf32>
    %select_n3A_450 = arith.select %lt3A_449, %slice3A_448, %select_n3A_443 : vector<768x128xi1>, vector<768x128xf32>
    %add3A_451 = arith.constant 8064 : i32
    %add3A_452 = vector.broadcast %add3A_451 : i32 to vector<768x128xi32>
    %add3A_453 = arith.addi %iota3A, %add3A_452 : vector<768x128xi32>
    %select_n3A_454 = arith.select %lt3A_449, %add3A_453, %select_n3A_447 : vector<768x128xi1>, vector<768x128xi32>
    %reduce_min3A = arith.constant dense<0x7F800000> : vector<768xf32>
    %reduce_min3A_455 = vector.multi_reduction <minimumf>, %select_n3A_450, %reduce_min3A [1] : vector<768x128xf32> to vector<768xf32>
    %broadcast_in_dim3A = vector.shape_cast %reduce_min3A_455 : vector<768xf32> to vector<768x1xf32>
    %eq3A = vector.broadcast %broadcast_in_dim3A : vector<768x1xf32> to vector<768x128xf32>
    %eq3A_456 = arith.cmpf oeq, %select_n3A_450, %eq3A : vector<768x128xf32>
    %jit3A = arith.constant 8192 : i32
    %broadcast_in_dim3A_457 = vector.broadcast %jit3A : i32 to vector<768x128xi32>
    %select_n3A_458 = arith.select %eq3A_456, %select_n3A_454, %broadcast_in_dim3A_457 : vector<768x128xi1>, vector<768x128xi32>
    %reduce_min3A_459 = arith.constant dense<2147483647> : vector<768xi32>
    %reduce_min3A_460 = vector.multi_reduction <minsi>, %select_n3A_458, %reduce_min3A_459 [1] : vector<768x128xi32> to vector<768xi32>
    %broadcast_in_dim3A_461 = vector.shape_cast %reduce_min3A_460 : vector<768xi32> to vector<1x1x768xi32>
    %swap3A = arith.constant 0 : index
    %swap3A_462 = arith.constant 0 : index
    %swap3A_463 = arith.constant 0 : index
    %swap3A_464 = vector.load %arg5[%swap3A, %swap3A_462, %swap3A_463] : memref<1x1x768xi32, #tpu.memory_space<vmem>>, vector<1x1x768xi32>
    tpu.vector_store %arg5[%swap3A, %swap3A_462, %swap3A_463], %broadcast_in_dim3A_461 {strides = array<i32>} : memref<1x1x768xi32, #tpu.memory_space<vmem>>, vector<1x1x768xi32>,
    return
  }
  func.func @transform_0(%arg0: i32) -> (i32, i32) {
    %c0_i32 = arith.constant 0 : i32
    %c0_i32_0 = arith.constant 0 : i32
    return %arg0, %c0_i32 : i32, i32
  }
  func.func @transform_1(%arg0: i32) -> (i32, i32) {
    %c0_i32 = arith.constant 0 : i32
    %c0_i32_0 = arith.constant 0 : i32
    %c0_i32_1 = arith.constant 0 : i32
    return %c0_i32, %c0_i32_0 : i32, i32
  }
  func.func @transform_2(%arg0: i32) -> (i32, i32) {
    %c0_i32 = arith.constant 0 : i32
    %c0_i32_0 = arith.constant 0 : i32
    return %arg0, %c0_i32 : i32, i32
  }
  func.func @transform_3(%arg0: i32) -> (i32, i32) {
    %c0_i32 = arith.constant 0 : i32
    %c0_i32_0 = arith.constant 0 : i32
    %c0_i32_1 = arith.constant 0 : i32
    return %c0_i32, %c0_i32_0 : i32, i32
  }
  func.func @transform_4(%arg0: i32) -> (i32, i32, i32) {
    %c0_i32 = arith.constant 0 : i32
    %c0_i32_0 = arith.constant 0 : i32
    %c0_i32_1 = arith.constant 0 : i32
    return %arg0, %c0_i32, %c0_i32_0 : i32, i32, i32
  }
}

</mosaic_0001>

<sc_bundles>
// kernel: kernel.4.cloned.1.call-start
scs
__scs_entry_jumppad:
0x0: {  	(pc) =	sbr.rel $0x88, $3  }
0x1: {  	(tag) =	ssettag $0x0;
	lr =	simm.s32 $0x1  }
0x2: {  	[smem:$0x3F9F] =	sst lr;
	_ =	strace $0xD0000000  }
0x3: {  	_ = 	snop  }
0x4: {  	_ = 	snop  }
0x5: {  	_ = 	snop  }
0x6: {  	_ = 	snop  }
0x7: {  	_ = 	snop  }
__scs_overlays_trampoline_lowered:
0x8: {  	[smem:$0x3FAE] =	sst s0  }
0x9: {  	[smem:$0x3FAF] =	sst s1  }
0xa: {  	[smem:$0x3FB0] =	sst s2  }
0xb: {  	[smem:$0x3FB1] =	sst s3  }
0xc: {  	[smem:$0x3FB2] =	sst s4  }
0xd: {  	[smem:$0x3FB3] =	sst s5  }
0xe: {  	[smem:$0x3FB4] =	sst s6  }
0xf: {  	[smem:$0x3FB5] =	sst s7  }
0x10: {  	[smem:$0x3FB6] =	sst s8  }
0x11: {  	[smem:$0x3FB7] =	sst s9;
	s0 =	simm.s32 @!p0 $0x0  }
0x12: {  	s1 =	sld [smem:$0x3F9D];
	s0 =	simm.s32 @p0 $0x1  }
0x13: {  	[smem:$0x3FB8] =	sst s0;
	s0 =	simm.s32 @!p1 $0x0  }
0x14: {  	s2 =	sld [smem:$0x3F9C];
	s0 =	simm.s32 @p1 $0x1  }
0x15: {  	[smem:$0x3FB9] =	sst s0;
	s0 =	simm.s32 @!p2 $0x0  }
0x16: {  	s3 =	sld [smem:$0x3FDB];
	s0 =	simm.s32 @p2 $0x1  }
0x17: {  	s4 =	simm.s32 $0x1BF5;
	[smem:$0x3FBB] =	sst s0  }
0x18: {  	s0 =	sld [smem:$0x3F9E];
	_ =	swait.ge [sflag:s4], $0x0  }
0x19: {  	s7 =	sld [smem:$0x3F9F]  }
0x1a: {  	s8 =	sadd.s32 $0xFFFFE003, lr  }
0x1b: {  	s9 =	sadd.s32 $0xFFFFFEF7, lr;
	s5 =	simm.s32 $0xFFFFFFFF;
	p2 =	slt.u32 s8, $0xFFFFF086  }
0x1c: {  	p1 =	slt.u32 s9, $0xF7A;
	s5 =	simm.s32 @!p2 $0x0  }
0x1d: {  	s5 =	simm.s32 @p1 $0x1;
	p0 =	seq.s32 s7, s2  }
0x1e: {  	s7 =	smul.u32 @!p0 $0xF7A, s2;
	p2 =	seq.s32 @!p0 s5, $0x0  }
0x1f: {  	s9 =	smul.u32 $0xF7A, s1;
	s8 =	simm.s32 @!p0 $0x1BF5;
	p2 =	por !p2, p0  }
0x20: {  	[sflag:s8] =	ssyncset.s32 @!p0 $0xFFFFF086;
	s6 =	sadd.s32 @!p0 s3, s7;
	s7 =	simm.s32 @!p0 $0x108  }
0x21: {  	s3 =	sadd.s32 s3, s9;
	s6 =	sadd.s32 @!p0 $0x88, s6;
	s7 =	simm.s32 @p2 $0x1082  }
0x22: {  	[simem:s7], [sflag:s8] =	dma.local @!p0 [hbm:s6], $0xF7A  }
0x23: {  	s9 =	sor.u32 $0xD0000000, s2;
	s6 =	simm.s32 $0x108;
	_ =	swait.ge @!p0 [sflag:s8], $0x0  }
0x24: {  	s3 =	sadd.s32 $0x88, s3;
	s6 =	simm.s32 @!p1 $0x1082;
	[sflag:s4] =	ssyncset.s32 $0xFFFFF086  }
0x25: {  	[simem:s6], [sflag:s4] =	dma.local [hbm:s3], $0xF7A  }
0x26: {  	[smem:$0x3F9F] =	sst s1;
	(tag) =	ssettag s2;
	_ =	strace s9  }
0x27: {  	s1 =	sld [smem:$0x3FAF]  }
0x28: {  	s2 =	sld [smem:$0x3FB0]  }
0x29: {  	s4 =	sld [smem:$0x3FB2]  }
0x2a: {  	p0 =	seq.s32 s5, $0x0;
	s5 =	sld [smem:$0x3FB3]  }
0x2b: {  	s6 =	sld [smem:$0x3FB4]  }
0x2c: {  	s7 =	sld [smem:$0x3FB5]  }
0x2d: {  	s3 =	simm.s32 $0x108;
	s8 =	sld [smem:$0x3FB6]  }
0x2e: {  	s3 =	simm.s32 @!p0 $0x1082;
	s9 =	sld [smem:$0x3FB7]  }
0x2f: {  	lr =	sadd.s32 s0, s3;
	s0 =	sld [smem:$0x3FAE]  }
0x30: {  	s3 =	sld [smem:$0x3FB1]  }
0x31: {  	[smem:$0x3FBA] =	sst s10  }
0x32: {  	s10 =	sld [smem:$0x3FB8];
	_ =	sdelay $0x3  }
0x33: {  	p0 =	seq.s32 s10, $0x1;
	s10 =	sld [smem:$0x3FBA];
	_ =	sdelay $0x3  }
0x34: {  	[smem:$0x3FBA] =	sst s10  }
0x35: {  	s10 =	sld [smem:$0x3FB9];
	_ =	sdelay $0x3  }
0x36: {  	p1 =	seq.s32 s10, $0x1;
	s10 =	sld [smem:$0x3FBA];
	_ =	sdelay $0x3  }
0x37: {  	[smem:$0x3FBA] =	sst s10  }
0x38: {  	s10 =	sld [smem:$0x3FBB]  }
0x39: {  	_ = 	snop;
	(pc) =	sbr.ind lr, $3  }
0x3a: {  	_ = 	snop  }
0x3b: {  	_ = 	snop  }
0x3c: {  	p2 =	seq.s32 s10, $0x1;
	s10 =	sld [smem:$0x3FBA]  }
0x3d: {  	_ =	shalt  }
0x3e: {  	_ =	shalt  }
0x3f: {  	_ =	shalt  }
0x40: {  	_ =	shalt  }
0x41: {  	_ =	shalt  }
0x42: {  	_ =	shalt  }
0x43: {  	_ =	shalt  }
0x44: {  	_ =	shalt  }
0x45: {  	_ =	shalt  }
0x46: {  	_ =	shalt  }
0x47: {  	_ =	shalt  }
0x48: {  	_ =	shalt  }
0x49: {  	_ =	shalt  }
0x4a: {  	_ =	shalt  }
0x4b: {  	_ =	shalt  }
0x4c: {  	_ =	shalt  }
0x4d: {  	_ =	shalt  }
0x4e: {  	_ =	shalt  }
0x4f: {  	_ =	shalt  }
0x50: {  	_ =	shalt  }
0x51: {  	_ =	shalt  }
0x52: {  	_ =	shalt  }
0x53: {  	_ =	shalt  }
0x54: {  	_ =	shalt  }
0x55: {  	_ =	shalt  }
0x56: {  	_ =	shalt  }
0x57: {  	_ =	shalt  }
0x58: {  	_ =	shalt  }
0x59: {  	_ =	shalt  }
0x5a: {  	_ =	shalt  }
0x5b: {  	_ =	shalt  }
0x5c: {  	_ =	shalt  }
0x5d: {  	_ =	shalt  }
0x5e: {  	_ =	shalt  }
0x5f: {  	_ =	shalt  }
0x60: {  	_ =	shalt  }
0x61: {  	_ =	shalt  }
0x62: {  	_ =	shalt  }
0x63: {  	_ =	shalt  }
0x64: {  	_ =	shalt  }
0x65: {  	_ =	shalt  }
0x66: {  	_ =	shalt  }
0x67: {  	_ =	shalt  }
0x68: {  	_ =	shalt  }
0x69: {  	_ =	shalt  }
0x6a: {  	_ =	shalt  }
0x6b: {  	_ =	shalt  }
0x6c: {  	_ =	shalt  }
0x6d: {  	_ =	shalt  }
0x6e: {  	_ =	shalt  }
0x6f: {  	_ =	shalt  }
0x70: {  	_ =	shalt  }
0x71: {  	_ =	shalt  }
0x72: {  	_ =	shalt  }
0x73: {  	_ =	shalt  }
0x74: {  	_ =	shalt  }
0x75: {  	_ =	shalt  }
0x76: {  	_ =	shalt  }
0x77: {  	_ =	shalt  }
0x78: {  	_ =	shalt  }
0x79: {  	_ =	shalt  }
0x7a: {  	_ =	shalt  }
0x7b: {  	_ =	shalt  }
0x7c: {  	_ =	shalt  }
0x7d: {  	_ =	shalt  }
0x7e: {  	_ =	shalt  }
0x7f: {  	_ =	shalt  }
0x80: {  	_ =	shalt  }
0x81: {  	_ =	shalt  }
0x82: {  	_ =	shalt  }
0x83: {  	_ =	shalt  }
0x84: {  	_ =	shalt  }
0x85: {  	_ =	shalt  }
0x86: {  	_ =	shalt  }
0x87: {  	_ =	shalt  }
.Lfunc_end0:
.L_simem_size_0:
called_computation_lowered:
.L_overlay_start_0:
0x88: {  	s2 =	sld [smem:$0x3FD9]  }
0x89: {  	s3 =	sld [smem:$0x3FFE];
	_ =	sdelay $0x1  }
0x8a: {  	s1 =	srdreg.scid  }
0x8b: {  	s0 =	sand.u32 $0x1, s1  }
0x8c: {  	s14 =	sshll.u32 s0, $0xA;
	s2 =	sadd.s32 s3, s2  }
0x8d: {  	s2 =	sadd.s32 s2, s14  }
0x8e: {  	[smem:$0x3FC6] =	sst s2  }
0x8f: {  	_ = 	snop  }
0x90: {  	s2 =	sld [smem:$0x3FD0];
	_ =	sdelay $0x2  }
0x91: {  	s4 =	simm.s32 $0xA;
	s5 =	simm.s32 $0x10;
	s15 =	sld [smem:$0x3FC8]  }
0x92: {  	[smem:s5], [sflag:s4] =	dma.local [hbm:s2], $0x1  }
0x93: {  	_ =	swait.eq [sflag:s4], $0x1  }
0x94: {  	[sflag:s4] =	ssyncset.done $0x0  }
0x95: {  	s16 =	sld [smem:$0x10];
	[sflag:s4] =	ssyncadd.s32 $0xFFFFFFFF  }
0x96: {  	s17 =	sld [smem:$0x12];
	(tm) =	ssettm $0x1  }
0x97: {  	s18 =	sld [smem:$0x3FFB];
	_ =	sdelay $0x3  }
0x98: {  	_ =	strace s18  }
0x99: {  	s5 =	sld [smem:$0x3FFC];
	_ =	sdelay $0x3  }
0x9a: {  	_ =	strace s5  }
0x9b: {  	s5 =	sld [smem:$0x3FFD];
	_ =	sdelay $0x3  }
0x9c: {  	_ =	strace s5  }
0x9d: {  	_ =	strace $0x8FFFFFFF  }
0x9e: {  	s19 =	sld [smem:$0x3FDB];
	_ =	sdelay $0x1  }
0x9f: {  	s6 =	simm.s32 $_scs_section_size  }
0xa0: {  	s7 =	simm.s32 $_size__tile_overlayer_lowered;
	s8 =	simm.s32 $_tile_overlayer_lowered  }
0xa1: {  	s22 =	simm.s32 $0x1BFF;
	s21 =	sshll.u32 s8, $0x1;
	s5 =	sadd.s32 s6, s19  }
0xa2: {  	s9 =	simm.s32 $0x0;
	s20 =	sshll.u32 s7, $0x1;
	s7 =	sadd.s32 s21, s5  }
0xa3: {  	[timem:s9], [sflag:s22] =	dma.local [hbm:s7], s20  }
0xa4: {  	_ =	swait.ge [sflag:s22], s20  }
0xa5: {  	s6 =	ssub.s32 $0x0, s20;
	[sflag:s22] =	ssyncset.done $0x0  }
0xa6: {  	[sflag:s22] =	ssyncadd.s32 s6;
	_ =	sdelay $0x1  }
0xa7: {  	s23 =	simm.s32 $0x1B8B  }
0xa8: {  	_ =	swait.ge [sflag:s23], $0x1  }
0xa9: {  	[sflag:s23] =	ssyncset.done $0x0  }
0xaa: {  	s25 =	simm.s32 $0x1B8E;
	s24 =	sld [smem:$0x3FFE];
	[sflag:s23] =	ssyncadd.s32 $0xFFFFFFFF  }
0xab: {  	s26 =	simm.s32 $execute0_lowered;
	[smem:$0x3FD2] =	sst s25  }
0xac: {  	s7 =	sshll.u32 s26, $0x1;
	_ =	strace $0x80000046;
	[dreg:$0x1] =	wrdreg $0xFFFFFFFF  }
0xad: {  	s28 =	simm.s32 $_size_execute0_lowered;
	s5 =	sadd.s32 s5, s7;
	[dreg:$0x0] =	wrdreg $0x0  }
0xae: {  	s7 =	sshll.u32 s28, $0x1;
	[dreg:$0x2] =	wrdreg s5  }
0xaf: {  	[dreg:$0x3] =	wrdreg s7  }
0xb0: {  	[dreg:$0x4] =	wrdreg $0xC0  }
0xb1: {  	_ =	task [dreg:s9], $0x5FFFF  }
0xb2: {  	[dreg:$0x1] =	wrdreg $0xFFFFFFFF  }
0xb3: {  	[dreg:$0x0] =	wrdreg $0x60  }
0xb4: {  	[dreg:$0x2] =	wrdreg s15  }
0xb5: {  	[dreg:$0x3] =	wrdreg s24  }
0xb6: {  	[dreg:$0x4] =	wrdreg s17  }
0xb7: {  	[dreg:$0x5] =	wrdreg s16  }
0xb8: {  	[dreg:$0x6] =	wrdreg $0x9  }
0xb9: {  	_ =	task.clear_ibuf [dreg:s9], $0x7FFFF;
	_ =	strace $0x90000046  }
0xba: {  	s29 =	simm.s32 $0x9;
	_ =	strace $0x8000004F  }
0xbb: {  	_ =	swait.ge [sflag:s29], $0x1  }
0xbc: {  	[sflag:s29] =	ssyncadd.s32 $0xFFFFFFFF  }
0xbd: {  	_ =	strace $0x9000004F  }
0xbe: {  	_ =	sfence  }
0xbf: {  	s30 =	sld [smem:$0x0];
	_ =	sdelay $0x2  }
0xc0: {  	s31 =	sshll.u32 s1, $0xD;
	s1 =	sshrl.u32 s1, $0x2  }
0xc1: {  	s3 =	sand.u32 $0x4000, s31;
	s1 =	sadd.s32 s1, s30  }
0xc2: {  	s0 =	sor.u32 s3, s0;
	s1 =	sshll.u32 s1, $0x11  }
0xc3: {  	s0 =	sor.u32 s1, s0  }
0xc4: {  	s0 =	sadd.s32 $0x8F2B, s0  }
0xc5: {  	[sflag:s0] =	ssyncadd.remote.s32 $0x1  }
0xc6: {  	_ =	sfence.sel $0xFFFF  }
0xc7: {  	[dreg:$0x0] =	wrdreg $0xFFFFFFFF;
	(pc) =	sbr.abs _section_cstart, $3  }
0xc8: {  	[dreg:$0x1] =	wrdreg $0xFFFFFFFF  }
0xc9: {  	_ =	task.clear_ibuf [dreg:s9], $0x2FFFF;
	_ =	strace $0x9FFFFFFF  }
0xca: {  	(tm) =	ssettm $0x7FFFFFFF  }
0xcb: {  	_ =	shalt  }
tec
execute0_lowered:
.L_overlay_start_1:
0x0: {  	(tag) =	ssettag $0x1  }
0x1: {  	s1 =	rddreg [dreg:$0x0]  }
0x2: {  	s2 =	rddreg [dreg:$0x1]  }
0x3: {  	s0 =	rddreg [dreg:$0x3];
	s29 =	srdreg.scid;
	s5 =	simm.s32 $0x0  }
0x4: {  	s3 =	stileid.u32;
	s15 =	simm.s32 $0x1;
	s16 =	simm.s32 $0x5  }
0x5: {  	s17 =	simm.s32 $0x2100;
	s18 =	simm.s32 $0x2080;
	s19 =	simm.s32 $0x80  }
0x6: {  	s20 =	simm.s32 $0x400;
	s21 =	simm.s32 $0x0;
	[dreg:$0x5] =	wrdreg s0  }
0x7: {  	s0 =	sand.u32 $0x1, s29;
	[smem:$0x7FF] =	sst s5;
	s6 =	sshll.u32 s3, $0x4  }
0x8: {  	s4 =	sshll.u32 s0, $0x4;
	_ =	strace $0x80000047;
	s7 =	sand.u32 $0x70, s6  }
0x9: {  	s0 =	ssub.s32 $0x2, s0;
	s4 =	sor.u32 s3, s4;
	s11 =	sadd.s32 s7, s2  }
0xa: {  	s31 =	sshrl.u32 s0, $0x1;
	s7 =	simm.s32 $0x3;
	s8 =	smul.u32 $0x3, s4  }
0xb: {  	s30 =	sshll.u32 s4, $0x1;
	p0 =	slt.u32 s4, $0x8;
	s0 =	ssub.s32 s0, s31  }
0xc: {  	s9 =	sshll.u32 s4, $0xA;
	s10 =	sshll.u32 s4, $0x4;
	s6 =	sadd.s32 $0x8, s30  }
.Ltmp0:
0xd: {  	s7 =	simm.s32 @!p0 $0x2;
	s12 =	sand.u32 $0x6000, s9;
	(pc) =	sbr.rel .LBB2_1-.Ltmp0, $4  }
0xe: {  	s10 =	sadd.s32 s2, s10;
	s14 =	smax.u32 s0, $0x1;
	s6 =	smov.u32 @p0 s8  }
0xf: {  	v2 =	vlaneseq.u32;
	s9 =	sadd.s32 $0xFFFFFFFF, s7;
	s13 =	sadd.s32 s12, s11;
	s8 =	sshll.u32 s6, $0x4  }
0x10: {  	vm0 =	vmmov $0xffff;
	v3 =	vimm.s32 $0x0;
	v1 =	vshrl.u32 v2, $0x3;
	s11 =	sadd.s32 $0x200, s10;
	s12 =	sadd.s32 $0x400, s10;
	s8 =	sand.u32 $0x1FFFFFF0, s8  }
0x11: {  	v0 =	vand.u32 $0x7, v2;
	v2 =	vor.u32 $0x8, v2;
	v1 =	vmul.u32 $0x8, v1;
	p0 =	sgt.u32 s4, $0x7;
	s13 =	sadd.s32 $0x600, s13;
	s8 =	sadd.s32 s2, s8  }
.LBB2_12:
0x12: {  	v6 =	vadd.s32 v4, v6  }
0x13: {  	s3 =	spop (v2sf);
	[tilespmem:s0+$0x0] =	vst v6  }
0x14: {  	v6 =	vld [tilespmem:s3+$0x0];
	_ =	sdelay $0x4  }
0x15: {  	s28 =	spop (v2sf);
	(v2sf) =	vpush v5, $0x3;
	v6 =	vadd.s32 v4, v6  }
0x16: {  	s29 =	spop (v2sf);
	[tilespmem:s3+$0x0] =	vst v6  }
0x17: {  	v6 =	vld [tilespmem:s29+$0x0];
	_ =	sdelay $0x4  }
0x18: {  	(v2sf) =	vpush v5, $0x4;
	v6 =	vadd.s32 v4, v6  }
0x19: {  	[tilespmem:s29+$0x0] =	vst v6  }
0x1a: {  	v6 =	vld [tilespmem:s28+$0x0];
	_ =	sdelay $0x4  }
0x1b: {  	(v2sf) =	vpush v5, $0x5;
	v6 =	vadd.s32 v4, v6  }
0x1c: {  	s30 =	spop (v2sf);
	[tilespmem:s28+$0x0] =	vst v6  }
0x1d: {  	v6 =	vld [tilespmem:s30+$0x0];
	_ =	sdelay $0x4  }
0x1e: {  	(v2sf) =	vpush v5, $0x6;
	v6 =	vadd.s32 v4, v6  }
0x1f: {  	s31 =	spop (v2sf);
	[tilespmem:s30+$0x0] =	vst v6  }
0x20: {  	v6 =	vld [tilespmem:s31+$0x0];
	_ =	sdelay $0x4  }
0x21: {  	(v2sf) =	vpush v5, $0x7;
	v6 =	vadd.s32 v4, v6  }
0x22: {  	s3 =	spop (v2sf);
	[tilespmem:s31+$0x0] =	vst v6  }
0x23: {  	v6 =	vld [tilespmem:s3+$0x0];
	_ =	sdelay $0x4  }
0x24: {  	(v2sf) =	vpush v5, $0x8;
	v6 =	vadd.s32 v4, v6  }
0x25: {  	s4 =	spop (v2sf);
	[tilespmem:s3+$0x0] =	vst v6  }
0x26: {  	v6 =	vld [tilespmem:s4+$0x0];
	_ =	sdelay $0x4  }
0x27: {  	(v2sf) =	vpush v5, $0x9;
	v6 =	vadd.s32 v4, v6  }
0x28: {  	s22 =	spop (v2sf);
	[tilespmem:s4+$0x0] =	vst v6  }
0x29: {  	v6 =	vld [tilespmem:s22+$0x0];
	_ =	sdelay $0x4  }
0x2a: {  	(v2sf) =	vpush v5, $0xA;
	v6 =	vadd.s32 v4, v6  }
0x2b: {  	s23 =	spop (v2sf);
	[tilespmem:s22+$0x0] =	vst v6  }
0x2c: {  	v6 =	vld [tilespmem:s23+$0x0];
	_ =	sdelay $0x4  }
0x2d: {  	(v2sf) =	vpush v5, $0xB;
	v6 =	vadd.s32 v4, v6  }
0x2e: {  	s24 =	spop (v2sf);
	[tilespmem:s23+$0x0] =	vst v6  }
0x2f: {  	v6 =	vld [tilespmem:s24+$0x0];
	_ =	sdelay $0x4  }
0x30: {  	(v2sf) =	vpush v5, $0xC;
	v6 =	vadd.s32 v4, v6  }
0x31: {  	s25 =	spop (v2sf);
	[tilespmem:s24+$0x0] =	vst v6  }
0x32: {  	v6 =	vld [tilespmem:s25+$0x0];
	_ =	sdelay $0x4  }
0x33: {  	(v2sf) =	vpush v5, $0xD;
	v6 =	vadd.s32 v4, v6  }
0x34: {  	s26 =	spop (v2sf);
	[tilespmem:s25+$0x0] =	vst v6  }
0x35: {  	v6 =	vld [tilespmem:s26+$0x0];
	_ =	sdelay $0x4  }
0x36: {  	(v2sf) =	vpush v5, $0xE;
	v6 =	vadd.s32 v4, v6  }
0x37: {  	s28 =	spop (v2sf);
	[tilespmem:s26+$0x0] =	vst v6  }
0x38: {  	v6 =	vld [tilespmem:s28+$0x0];
	_ =	sdelay $0x4  }
0x39: {  	(v2sf) =	vpush v5, $0xF;
	v5 =	vadd.s32 v4, v6  }
0x3a: {  	s29 =	spop (v2sf);
	[tilespmem:s28+$0x0] =	vst v5  }
0x3b: {  	v5 =	vld [tilespmem:s29+$0x0];
	_ =	sdelay $0x4  }
0x3c: {  	v5 =	vadd.s32 v4, v5  }
0x3d: {  	s30 =	spop (v2sf);
	[tilespmem:s29+$0x0] =	vst v5  }
0x3e: {  	v5 =	vld [tilespmem:s30+$0x0];
	_ =	sdelay $0x4  }
0x3f: {  	v5 =	vadd.s32 v4, v5  }
0x40: {  	s31 =	spop (v2sf);
	[tilespmem:s30+$0x0] =	vst v5  }
0x41: {  	v5 =	vld [tilespmem:s31+$0x0];
	_ =	sdelay $0x4  }
0x42: {  	v4 =	vadd.s32 v4, v5  }
0x43: {  	[tilespmem:s31+$0x0] =	vst v4  }
.LBB2_13:
0x44: {  	s21 =	sadd.s32 $0x1, s21  }
0x45: {  	p1 =	sne.s32 s21, s14  }
.Ltmp1:
0x46: {  	_ = 	snop;
	(pc) =	sbr.rel @!p1 .LBB2_14-.Ltmp1, $4  }
0x47: {  	[hbm4b:s13+s19] =	stream.strided.scatter [tilespmem:s5], [sflag:$0x1], $0x2000, s20, s19, $0x38;
	[tilespmem:$0x10100] =	vst v63  }
0x48: {  	_ =	swait.ge [sflag:s15], $0x2000  }
0x49: {  	[sflag:s15] =	ssyncset.done $0x0  }
0x4a: {  	[sflag:s15] =	ssyncadd.s32 $0xFFFFE000  }
.LBB2_1:
0x4b: {  	_ =	strace $0x80000048;
	s23 =	simm.s32 $0x0  }
0x4c: {  	s22 =	simm.s32 $0x0;
	s24 =	simm.s32 $0x0;
	s25 =	simm.s32 $0x0  }
0x4d: {  	[tilespmem:s5], [sflag:$0x1] =	stream.linear.gather [hbm4b:s8+s5], $0x80, $0x200038;
	[tilespmem:$0x10100] =	vst v63  }
0x4e: {  	s26 =	simm.s32 $0x1;
	s28 =	simm.s32 $0x0;
	_ =	strace $0x90000048  }
.LBB2_2:
0x4f: {  	s29 =	smov.u32 s23;
	s23 =	sadd.s32 $0x1, s23  }
0x50: {  	p1 =	seq.s32 s23, s7  }
0x51: {  	s23 =	simm.s32 @p1 $0x0  }
0x52: {  	p6 =	slt.u32 s28, s9;
	p2 =	sne.s32 s29, s23  }
0x53: {  	p1 =	por !p6, !p2  }
0x54: {  	p1 =	por !p1, !p1  }
0x55: {  	s0 =	sadd.s32 @p1 s6, s23  }
0x56: {  	s4 =	sand.u32 @p1 $0x1, s26;
	s0 =	sshll.u32 @p1 s0, $0x4  }
0x57: {  	_ =	strace @p1 $0x80000049;
	s31 =	simm.s32 @p1 $0x0;
	s0 =	sand.u32 @p1 $0x1FFFFFF0, s0  }
0x58: {  	s30 =	sshll.u32 @p1 s4, $0x7;
	s4 =	sadd.s32 @p1 $0x1, s4;
	s0 =	sadd.s32 @p1 s2, s0  }
0x59: {  	[tilespmem:s30], [sflag:s4] =	stream.linear.gather @p1 [hbm4b:s0+s31], $0x80, $0x200038;
	[tilespmem:$0x10100] =	vst v63  }
0x5a: {  	s31 =	sand.u32 $0x1, s25;
	_ =	strace @p1 $0x90000049  }
0x5b: {  	s0 =	sadd.s32 $0x1, s31;
	_ =	strace $0x8000004A  }
0x5c: {  	_ =	swait.ge [sflag:s0], $0x80  }
0x5d: {  	[sflag:s0] =	ssyncset.done $0x0  }
0x5e: {  	[sflag:s0] =	ssyncadd.s32 $0xFFFFFF80  }
0x5f: {  	s3 =	sshll.u32 s25, $0x7;
	_ =	strace $0x9000004A  }
0x60: {  	s4 =	sand.u32 $0x80, s3;
	_ =	strace $0x8000004B  }
0x61: {  	v4 =	vld [tilespmem:s4+$0x0];
	_ =	sdelay $0x4  }
0x62: {  	v5 =	vshll.u32 v4, $0x1  }
0x63: {  	v4 =	vand.u32 $0x7, v4;
	v5 =	vand.u32 $0xFFFFFFF0, v5  }
0x64: {  	v4 =	vor.u32 v4, v5  }
0x65: {  	v5 =	vperm.xlane v4, v0;
	_ =	sdelay $0x1  }
0x66: {  	v4 =	vperm.xlane v4, v2;
	v5 =	vadd.s32 v1, v5;
	_ =	sdelay $0x1  }
0x67: {  	s30 =	sand.u32 $0x1, s24;
	v4 =	vadd.s32 v1, v4  }
0x68: {  	s0 =	sshll.u32 s30, $0xF  }
0x69: {  	s31 =	sor.u32 $0x100, s0  }
0x6a: {  	[tilespmem:s31], [sflag:$0x5] =	stream.indirect_vreg.gather [hbm4b:s1+s5], $0x80, v5, vm0, $0x2000b8;
	[tilespmem:$0x10100] =	vst v63  }
0x6b: {  	s3 =	sor.u32 $0x900, s0  }
0x6c: {  	[tilespmem:s3], [sflag:$0x5] =	stream.indirect_vreg.gather [hbm4b:s1+s5], $0x80, v4, vm0, $0x2000b8;
	[tilespmem:$0x10100] =	vst v63  }
0x6d: {  	v4 =	vld [tilespmem:s4+$0x10];
	_ =	sdelay $0x4  }
0x6e: {  	v5 =	vshll.u32 v4, $0x1  }
0x6f: {  	v4 =	vand.u32 $0x7, v4;
	v5 =	vand.u32 $0xFFFFFFF0, v5  }
0x70: {  	v4 =	vor.u32 v4, v5  }
0x71: {  	v5 =	vperm.xlane v4, v0;
	_ =	sdelay $0x1  }
0x72: {  	v4 =	vperm.xlane v4, v2;
	v5 =	vadd.s32 v1, v5;
	_ =	sdelay $0x1  }
0x73: {  	v4 =	vadd.s32 v1, v4;
	_ =	sdelay $0x1  }
0x74: {  	s3 =	sor.u32 $0x1100, s0  }
0x75: {  	[tilespmem:s3], [sflag:$0x5] =	stream.indirect_vreg.gather [hbm4b:s1+s5], $0x80, v5, vm0, $0x2000b8;
	[tilespmem:$0x10100] =	vst v63  }
0x76: {  	s3 =	sor.u32 $0x1900, s0  }
0x77: {  	[tilespmem:s3], [sflag:$0x5] =	stream.indirect_vreg.gather [hbm4b:s1+s5], $0x80, v4, vm0, $0x2000b8;
	[tilespmem:$0x10100] =	vst v63  }
0x78: {  	v4 =	vld [tilespmem:s4+$0x20];
	_ =	sdelay $0x4  }
0x79: {  	v5 =	vshll.u32 v4, $0x1  }
0x7a: {  	v4 =	vand.u32 $0x7, v4;
	v5 =	vand.u32 $0xFFFFFFF0, v5  }
0x7b: {  	v4 =	vor.u32 v4, v5  }
0x7c: {  	v5 =	vperm.xlane v4, v0;
	_ =	sdelay $0x1  }
0x7d: {  	v4 =	vperm.xlane v4, v2;
	v5 =	vadd.s32 v1, v5;
	_ =	sdelay $0x1  }
0x7e: {  	v4 =	vadd.s32 v1, v4;
	_ =	sdelay $0x1  }
0x7f: {  	s3 =	sor.u32 $0x2100, s0  }
0x80: {  	[tilespmem:s3], [sflag:$0x5] =	stream.indirect_vreg.gather [hbm4b:s1+s5], $0x80, v5, vm0, $0x2000b8;
	[tilespmem:$0x10100] =	vst v63  }
0x81: {  	s3 =	sor.u32 $0x2900, s0  }
0x82: {  	[tilespmem:s3], [sflag:$0x5] =	stream.indirect_vreg.gather [hbm4b:s1+s5], $0x80, v4, vm0, $0x2000b8;
	[tilespmem:$0x10100] =	vst v63  }
0x83: {  	v4 =	vld [tilespmem:s4+$0x30];
	_ =	sdelay $0x4  }
0x84: {  	v5 =	vshll.u32 v4, $0x1  }
0x85: {  	v4 =	vand.u32 $0x7, v4;
	v5 =	vand.u32 $0xFFFFFFF0, v5  }
0x86: {  	v4 =	vor.u32 v4, v5  }
0x87: {  	v5 =	vperm.xlane v4, v0;
	_ =	sdelay $0x1  }
0x88: {  	v4 =	vperm.xlane v4, v2;
	v5 =	vadd.s32 v1, v5;
	_ =	sdelay $0x1  }
0x89: {  	v4 =	vadd.s32 v1, v4;
	_ =	sdelay $0x1  }
0x8a: {  	s3 =	sor.u32 $0x3100, s0  }
0x8b: {  	[tilespmem:s3], [sflag:$0x5] =	stream.indirect_vreg.gather [hbm4b:s1+s5], $0x80, v5, vm0, $0x2000b8;
	[tilespmem:$0x10100] =	vst v63  }
0x8c: {  	s3 =	sor.u32 $0x3900, s0  }
0x8d: {  	[tilespmem:s3], [sflag:$0x5] =	stream.indirect_vreg.gather [hbm4b:s1+s5], $0x80, v4, vm0, $0x2000b8;
	[tilespmem:$0x10100] =	vst v63  }
0x8e: {  	v4 =	vld [tilespmem:s4+$0x40];
	_ =	sdelay $0x4  }
0x8f: {  	v5 =	vshll.u32 v4, $0x1  }
0x90: {  	v4 =	vand.u32 $0x7, v4;
	v5 =	vand.u32 $0xFFFFFFF0, v5  }
0x91: {  	v4 =	vor.u32 v4, v5  }
0x92: {  	v5 =	vperm.xlane v4, v0;
	_ =	sdelay $0x1  }
0x93: {  	v4 =	vperm.xlane v4, v2;
	v5 =	vadd.s32 v1, v5;
	_ =	sdelay $0x1  }
0x94: {  	v4 =	vadd.s32 v1, v4;
	_ =	sdelay $0x1  }
0x95: {  	s3 =	sor.u32 $0x4100, s0  }
0x96: {  	[tilespmem:s3], [sflag:$0x5] =	stream.indirect_vreg.gather [hbm4b:s1+s5], $0x80, v5, vm0, $0x2000b8;
	[tilespmem:$0x10100] =	vst v63  }
0x97: {  	s3 =	sor.u32 $0x4900, s0  }
0x98: {  	[tilespmem:s3], [sflag:$0x5] =	stream.indirect_vreg.gather [hbm4b:s1+s5], $0x80, v4, vm0, $0x2000b8;
	[tilespmem:$0x10100] =	vst v63  }
0x99: {  	v4 =	vld [tilespmem:s4+$0x50];
	_ =	sdelay $0x4  }
0x9a: {  	v5 =	vshll.u32 v4, $0x1  }
0x9b: {  	v4 =	vand.u32 $0x7, v4;
	v5 =	vand.u32 $0xFFFFFFF0, v5  }
0x9c: {  	v4 =	vor.u32 v4, v5  }
0x9d: {  	v5 =	vperm.xlane v4, v0;
	_ =	sdelay $0x1  }
0x9e: {  	v4 =	vperm.xlane v4, v2;
	v5 =	vadd.s32 v1, v5;
	_ =	sdelay $0x1  }
0x9f: {  	v4 =	vadd.s32 v1, v4;
	_ =	sdelay $0x1  }
0xa0: {  	s3 =	sor.u32 $0x5100, s0  }
0xa1: {  	[tilespmem:s3], [sflag:$0x5] =	stream.indirect_vreg.gather [hbm4b:s1+s5], $0x80, v5, vm0, $0x2000b8;
	[tilespmem:$0x10100] =	vst v63  }
0xa2: {  	s3 =	sor.u32 $0x5900, s0  }
0xa3: {  	[tilespmem:s3], [sflag:$0x5] =	stream.indirect_vreg.gather [hbm4b:s1+s5], $0x80, v4, vm0, $0x2000b8;
	[tilespmem:$0x10100] =	vst v63  }
0xa4: {  	v4 =	vld [tilespmem:s4+$0x60];
	_ =	sdelay $0x4  }
0xa5: {  	v5 =	vshll.u32 v4, $0x1  }
0xa6: {  	v4 =	vand.u32 $0x7, v4;
	v5 =	vand.u32 $0xFFFFFFF0, v5  }
0xa7: {  	v4 =	vor.u32 v4, v5  }
0xa8: {  	v5 =	vperm.xlane v4, v0;
	_ =	sdelay $0x1  }
0xa9: {  	v4 =	vperm.xlane v4, v2;
	v5 =	vadd.s32 v1, v5;
	_ =	sdelay $0x1  }
0xaa: {  	v4 =	vadd.s32 v1, v4;
	_ =	sdelay $0x1  }
0xab: {  	s3 =	sor.u32 $0x6100, s0  }
0xac: {  	[tilespmem:s3], [sflag:$0x5] =	stream.indirect_vreg.gather [hbm4b:s1+s5], $0x80, v5, vm0, $0x2000b8;
	[tilespmem:$0x10100] =	vst v63  }
0xad: {  	s3 =	sor.u32 $0x6900, s0  }
0xae: {  	[tilespmem:s3], [sflag:$0x5] =	stream.indirect_vreg.gather [hbm4b:s1+s5], $0x80, v4, vm0, $0x2000b8;
	[tilespmem:$0x10100] =	vst v63  }
0xaf: {  	v4 =	vld [tilespmem:s4+$0x70];
	_ =	sdelay $0x4  }
0xb0: {  	v5 =	vshll.u32 v4, $0x1  }
0xb1: {  	v4 =	vand.u32 $0x7, v4;
	v5 =	vand.u32 $0xFFFFFFF0, v5  }
0xb2: {  	v4 =	vor.u32 v4, v5  }
0xb3: {  	v5 =	vperm.xlane v4, v0;
	_ =	sdelay $0x1  }
0xb4: {  	v4 =	vperm.xlane v4, v2;
	v5 =	vadd.s32 v1, v5;
	_ =	sdelay $0x1  }
0xb5: {  	v4 =	vadd.s32 v1, v4;
	_ =	sdelay $0x1  }
0xb6: {  	s4 =	sor.u32 $0x7100, s0  }
0xb7: {  	[tilespmem:s4], [sflag:$0x5] =	stream.indirect_vreg.gather [hbm4b:s1+s5], $0x80, v5, vm0, $0x2000b8;
	[tilespmem:$0x10100] =	vst v63  }
0xb8: {  	s0 =	sor.u32 $0x7900, s0  }
0xb9: {  	[tilespmem:s0], [sflag:$0x5] =	stream.indirect_vreg.gather [hbm4b:s1+s5], $0x80, v4, vm0, $0x2000b8;
	[tilespmem:$0x10100] =	vst v63  }
0xba: {  	_ =	swait.ge [sflag:s16], $0x8000  }
0xbb: {  	p3 =	seq.s32 s9, s28;
	[sflag:s16] =	ssyncset.done $0x0  }
0xbc: {  	p2 =	por p3, p2;
	s4 =	simm.s32 $0x1;
	[sflag:s16] =	ssyncadd.s32 $0xFFFF8000  }
0xbd: {  	s4 =	simm.s32 @!p1 $0x0;
	s0 =	sadd.s32 s6, s29;
	_ =	strace $0x9000004B  }
0xbe: {  	p1 =	seq.s32 s28, $0x0;
	s0 =	sshll.u32 @p2 s0, $0xC;
	_ =	strace @p2 $0x8000004C  }
0xbf: {  	s29 =	sadd.s32 @p2 $0x3, s30;
	s0 =	sand.u32 @p2 $0x1FFFF000, s0;
	s3 =	rddreg [dreg:$0x5]  }
0xc0: {  	s26 =	sadd.s32 s4, s26;
	s0 =	sadd.s32 @p2 s3, s0;
	s3 =	simm.s32 @p2 $0x0  }
0xc1: {  	[hbm4b:s0+s3] =	stream.linear.scatter @p2 [tilespmem:s31], [sflag:s29], $0x8000, $0x200038;
	[tilespmem:$0x10100] =	vst v63  }
0xc2: {  	s4 =	simm.s32 $0x1;
	s0 =	simm.s32 $0x1;
	_ =	strace @p2 $0x9000004C  }
0xc3: {  	s0 =	simm.s32 @!p2 $0x0;
	p2 =	sne.s32 s28, $0x0;
	s28 =	sadd.s32 $0x1, s28  }
0xc4: {  	s3 =	sand.u32 @!p1 $0x1, s22;
	s4 =	simm.s32 @!p2 $0x0;
	p2 =	sne.s32 s7, s28  }
.Ltmp2:
0xc5: {  	s3 =	sadd.s32 @!p1 $0x3, s3;
	_ =	strace @!p1 $0x8000004D;
	(pc) =	sbr.rel @p2 .LBB2_2-.Ltmp2, $4  }
0xc6: {  	_ =	swait.ge @!p1 [sflag:s3], $0x8000  }
0xc7: {  	[sflag:s3] =	ssyncset.done @!p1 $0x0  }
0xc8: {  	s24 =	sadd.s32 s0, s24;
	[sflag:s3] =	ssyncadd.s32 @!p1 $0xFFFF8000  }
0xc9: {  	s25 =	sadd.s32 s0, s25;
	s22 =	sadd.s32 s4, s22;
	_ =	strace @!p1 $0x9000004D  }
0xca: {  	s0 =	sand.u32 $0x1, s22  }
0xcb: {  	_ =	strace $0x8000004E;
	s0 =	sadd.s32 $0x3, s0  }
0xcc: {  	_ =	swait.ge [sflag:s0], $0x8000  }
0xcd: {  	[sflag:s0] =	ssyncset.done $0x0  }
0xce: {  	[sflag:s0] =	ssyncadd.s32 $0xFFFF8000  }
0xcf: {  	_ =	strace $0x9000004E  }
0xd0: {  	s31 =	simm.s32 $0x0;
	s3 =	rddreg [dreg:$0x2]  }
0xd1: {  	[tilespmem:s17], [sflag:$0x1] =	stream.linear.gather [hbm4b:s3+s31], $0x80, $0x38;
	[tilespmem:$0x10100] =	vst v63  }
0xd2: {  	_ =	swait.ge [sflag:s15], $0x80  }
0xd3: {  	[sflag:s15] =	ssyncset.done $0x0  }
0xd4: {  	[sflag:s15] =	ssyncadd.s32 $0xFFFFFF80  }
0xd5: {  	v4 =	vld [tilespmem:$0x2100];
	_ =	sdelay $0x2  }
0xd6: {  	s4 =	simm.s32 $0x0;
	s0 =	simm.s32 $0x40  }
.LBB2_4:
0xd7: {  	p1 =	sne.s32 s0, $0x8000;
	[tilespmem:s4+$0x0] =	vst v3;
	s3 =	smov.u32 s0;
	s0 =	sadd.s32 $0x40, s0  }
.Ltmp3:
0xd8: {  	(pc) =	sbr.rel @p1 .LBB2_4-.Ltmp3, $2  }
0xd9: {  	_ =	sdelay $0x2  }
0xda: {  	s4 =	sshra.s32 s3, $0x2  }
0xdb: {  	[tilespmem:s4+$0x0] =	vst v3;
	s0 =	simm.s32 $0x0  }
0xdc: {  	[tilespmem:s18], [sflag:$0x1] =	stream.linear.gather [hbm4b:s10+s0], $0x80, $0x38;
	[tilespmem:$0x10100] =	vst v63  }
0xdd: {  	_ =	swait.ge [sflag:s15], $0x80  }
0xde: {  	[sflag:s15] =	ssyncset.done $0x0  }
0xdf: {  	s26 =	simm.s32 $0x0;
	[sflag:s15] =	ssyncadd.s32 $0xFFFFFF80  }
0xe0: {  	v5 =	vld [tilespmem:s26+$0x2080];
	_ =	sdelay $0x4  }
0xe1: {  	(v2sf) =	vpush v5, $0x0;
	_ =	sdelay $0x5  }
0xe2: {  	(v2sf) =	vpush v5, $0x2  }
0xe3: {  	(v2sf) =	vpush v5, $0x1;
	_ =	sdelay $0x7  }
0xe4: {  	s28 =	spop (v2sf)  }
0xe5: {  	v6 =	vld [tilespmem:s28+$0x0];
	_ =	sdelay $0x4  }
0xe6: {  	(v2sf) =	vpush v5, $0x3;
	s3 =	spop (v2sf);
	v6 =	vadd.s32 v4, v6  }
0xe7: {  	s29 =	spop (v2sf);
	[tilespmem:s28+$0x0] =	vst v6  }
0xe8: {  	v6 =	vld [tilespmem:s29+$0x0];
	_ =	sdelay $0x4  }
0xe9: {  	(v2sf) =	vpush v5, $0x4;
	v6 =	vadd.s32 v4, v6  }
0xea: {  	[tilespmem:s29+$0x0] =	vst v6  }
0xeb: {  	v6 =	vld [tilespmem:s3+$0x0];
	_ =	sdelay $0x4  }
0xec: {  	(v2sf) =	vpush v5, $0x5;
	v6 =	vadd.s32 v4, v6  }
0xed: {  	s30 =	spop (v2sf);
	[tilespmem:s3+$0x0] =	vst v6  }
0xee: {  	v6 =	vld [tilespmem:s30+$0x0];
	_ =	sdelay $0x4  }
0xef: {  	(v2sf) =	vpush v5, $0x6;
	v6 =	vadd.s32 v4, v6  }
0xf0: {  	s31 =	spop (v2sf);
	[tilespmem:s30+$0x0] =	vst v6  }
0xf1: {  	v6 =	vld [tilespmem:s31+$0x0];
	_ =	sdelay $0x4  }
0xf2: {  	(v2sf) =	vpush v5, $0x7;
	v6 =	vadd.s32 v4, v6  }
0xf3: {  	s3 =	spop (v2sf);
	[tilespmem:s31+$0x0] =	vst v6  }
0xf4: {  	v6 =	vld [tilespmem:s3+$0x0];
	_ =	sdelay $0x4  }
0xf5: {  	(v2sf) =	vpush v5, $0x8;
	v6 =	vadd.s32 v4, v6  }
0xf6: {  	s4 =	spop (v2sf);
	[tilespmem:s3+$0x0] =	vst v6  }
0xf7: {  	v6 =	vld [tilespmem:s4+$0x0];
	_ =	sdelay $0x4  }
0xf8: {  	(v2sf) =	vpush v5, $0x9;
	v6 =	vadd.s32 v4, v6  }
0xf9: {  	s22 =	spop (v2sf);
	[tilespmem:s4+$0x0] =	vst v6  }
0xfa: {  	v6 =	vld [tilespmem:s22+$0x0];
	_ =	sdelay $0x4  }
0xfb: {  	(v2sf) =	vpush v5, $0xA;
	v6 =	vadd.s32 v4, v6  }
0xfc: {  	s23 =	spop (v2sf);
	[tilespmem:s22+$0x0] =	vst v6  }
0xfd: {  	v6 =	vld [tilespmem:s23+$0x0];
	_ =	sdelay $0x4  }
0xfe: {  	(v2sf) =	vpush v5, $0xB;
	v6 =	vadd.s32 v4, v6  }
0xff: {  	s24 =	spop (v2sf);
	[tilespmem:s23+$0x0] =	vst v6  }
0x100: {  	v6 =	vld [tilespmem:s24+$0x0];
	_ =	sdelay $0x4  }
0x101: {  	(v2sf) =	vpush v5, $0xC;
	v6 =	vadd.s32 v4, v6  }
0x102: {  	s25 =	spop (v2sf);
	[tilespmem:s24+$0x0] =	vst v6  }
0x103: {  	v6 =	vld [tilespmem:s25+$0x0];
	_ =	sdelay $0x4  }
0x104: {  	(v2sf) =	vpush v5, $0xD;
	v6 =	vadd.s32 v4, v6  }
0x105: {  	s26 =	spop (v2sf);
	[tilespmem:s25+$0x0] =	vst v6  }
0x106: {  	v6 =	vld [tilespmem:s26+$0x0];
	_ =	sdelay $0x4  }
0x107: {  	v6 =	vadd.s32 v4, v6  }
0x108: {  	s28 =	spop (v2sf);
	[tilespmem:s26+$0x0] =	vst v6  }
0x109: {  	v6 =	vld [tilespmem:s28+$0x0];
	_ =	sdelay $0x1  }
0x10a: {  	(v2sf) =	vpush v5, $0xE;
	_ =	sdelay $0x2  }
0x10b: {  	(v2sf) =	vpush v5, $0xF;
	v5 =	vadd.s32 v4, v6  }
0x10c: {  	s29 =	spop (v2sf);
	[tilespmem:s28+$0x0] =	vst v5  }
0x10d: {  	v5 =	vld [tilespmem:s29+$0x0];
	_ =	sdelay $0x3  }
0x10e: {  	s30 =	simm.s32 $0x10  }
0x10f: {  	v6 =	vadd.s32 v4, v5;
	v5 =	vld [tilespmem:s30+$0x2080];
	_ =	sdelay $0x4  }
0x110: {  	s31 =	spop (v2sf);
	(v2sf) =	vpush v5, $0x0  }
0x111: {  	(v2sf) =	vpush v5, $0x2  }
0x112: {  	[tilespmem:s29+$0x0] =	vst v6  }
0x113: {  	v6 =	vld [tilespmem:s31+$0x0];
	_ =	sdelay $0x4  }
0x114: {  	s0 =	spop (v2sf);
	v6 =	vadd.s32 v4, v6;
	(v2sf) =	vpush v5, $0x1  }
0x115: {  	[tilespmem:s31+$0x0] =	vst v6  }
0x116: {  	s22 =	simm.s32 $0x80;
	v6 =	vld [tilespmem:s0+$0x0]  }
.LBB2_6:
0x117: {  	_ =	sdelay $0x2  }
0x118: {  	p1 =	sne.s32 s22, $0x1C0  }
0x119: {  	s23 =	smov.u32 s22;
	s22 =	sadd.s32 $0x40, s22;
	s3 =	spop (v2sf);
	v6 =	vadd.s32 v4, v6  }
0x11a: {  	s4 =	spop (v2sf);
	[tilespmem:s0+$0x0] =	vst v6  }
0x11b: {  	v6 =	vld [tilespmem:s3+$0x0];
	_ =	sdelay $0x4  }
0x11c: {  	v6 =	vadd.s32 v4, v6;
	(v2sf) =	vpush v5, $0x3  }
0x11d: {  	[tilespmem:s3+$0x0] =	vst v6;
	s0 =	spop (v2sf)  }
0x11e: {  	v6 =	vld [tilespmem:s0+$0x0];
	_ =	sdelay $0x4  }
0x11f: {  	v6 =	vadd.s32 v4, v6;
	(v2sf) =	vpush v5, $0x4  }
0x120: {  	[tilespmem:s0+$0x0] =	vst v6  }
0x121: {  	v6 =	vld [tilespmem:s4+$0x0];
	_ =	sdelay $0x4  }
0x122: {  	v6 =	vadd.s32 v4, v6;
	(v2sf) =	vpush v5, $0x5  }
0x123: {  	[tilespmem:s4+$0x0] =	vst v6;
	s0 =	spop (v2sf)  }
0x124: {  	v6 =	vld [tilespmem:s0+$0x0];
	_ =	sdelay $0x4  }
0x125: {  	v6 =	vadd.s32 v4, v6;
	(v2sf) =	vpush v5, $0x6  }
0x126: {  	[tilespmem:s0+$0x0] =	vst v6;
	s0 =	spop (v2sf)  }
0x127: {  	v6 =	vld [tilespmem:s0+$0x0];
	_ =	sdelay $0x4  }
0x128: {  	v6 =	vadd.s32 v4, v6;
	(v2sf) =	vpush v5, $0x7  }
0x129: {  	[tilespmem:s0+$0x0] =	vst v6;
	s0 =	spop (v2sf)  }
0x12a: {  	v6 =	vld [tilespmem:s0+$0x0];
	_ =	sdelay $0x4  }
0x12b: {  	v6 =	vadd.s32 v4, v6;
	(v2sf) =	vpush v5, $0x8  }
0x12c: {  	[tilespmem:s0+$0x0] =	vst v6;
	s0 =	spop (v2sf)  }
0x12d: {  	v6 =	vld [tilespmem:s0+$0x0];
	_ =	sdelay $0x4  }
0x12e: {  	v6 =	vadd.s32 v4, v6;
	(v2sf) =	vpush v5, $0x9  }
0x12f: {  	[tilespmem:s0+$0x0] =	vst v6;
	s0 =	spop (v2sf)  }
0x130: {  	v6 =	vld [tilespmem:s0+$0x0];
	_ =	sdelay $0x4  }
0x131: {  	v6 =	vadd.s32 v4, v6;
	(v2sf) =	vpush v5, $0xA  }
0x132: {  	[tilespmem:s0+$0x0] =	vst v6;
	s0 =	spop (v2sf)  }
0x133: {  	v6 =	vld [tilespmem:s0+$0x0];
	_ =	sdelay $0x4  }
0x134: {  	v6 =	vadd.s32 v4, v6;
	(v2sf) =	vpush v5, $0xB  }
0x135: {  	[tilespmem:s0+$0x0] =	vst v6;
	s0 =	spop (v2sf)  }
0x136: {  	v6 =	vld [tilespmem:s0+$0x0];
	_ =	sdelay $0x4  }
0x137: {  	v6 =	vadd.s32 v4, v6;
	(v2sf) =	vpush v5, $0xC  }
0x138: {  	[tilespmem:s0+$0x0] =	vst v6;
	s0 =	spop (v2sf)  }
0x139: {  	v6 =	vld [tilespmem:s0+$0x0];
	_ =	sdelay $0x3  }
0x13a: {  	(v2sf) =	vpush v5, $0xD  }
0x13b: {  	v6 =	vadd.s32 v4, v6  }
0x13c: {  	[tilespmem:s0+$0x0] =	vst v6;
	s0 =	spop (v2sf)  }
0x13d: {  	v6 =	vld [tilespmem:s0+$0x0];
	_ =	sdelay $0x3  }
0x13e: {  	(v2sf) =	vpush v5, $0xE  }
0x13f: {  	v6 =	vadd.s32 v4, v6  }
0x140: {  	[tilespmem:s0+$0x0] =	vst v6;
	s0 =	spop (v2sf)  }
0x141: {  	v6 =	vld [tilespmem:s0+$0x0];
	_ =	sdelay $0x3  }
0x142: {  	(v2sf) =	vpush v5, $0xF  }
0x143: {  	s3 =	sshra.s32 s23, $0x2;
	v6 =	vadd.s32 v4, v6;
	s4 =	spop (v2sf)  }
0x144: {  	v5 =	vld [tilespmem:s3+$0x2080];
	[tilespmem:s0+$0x0] =	vst v6  }
0x145: {  	v6 =	vld [tilespmem:s4+$0x0];
	_ =	sdelay $0x3  }
0x146: {  	(v2sf) =	vpush v5, $0x0  }
0x147: {  	(v2sf) =	vpush v5, $0x2;
	v6 =	vadd.s32 v4, v6;
	s3 =	spop (v2sf)  }
0x148: {  	[tilespmem:s4+$0x0] =	vst v6  }
0x149: {  	v6 =	vld [tilespmem:s3+$0x0];
	_ =	sdelay $0x2  }
.Ltmp4:
0x14a: {  	(pc) =	sbr.rel @p1 .LBB2_6-.Ltmp4, $4  }
0x14b: {  	_ = 	snop  }
0x14c: {  	(v2sf) =	vpush v5, $0x1;
	v6 =	vadd.s32 v4, v6;
	s0 =	spop (v2sf)  }
0x14d: {  	[tilespmem:s3+$0x0] =	vst v6  }
0x14e: {  	v6 =	vld [tilespmem:s0+$0x0]  }
0x14f: {  	_ =	sdelay $0x3  }
0x150: {  	v6 =	vadd.s32 v4, v6  }
0x151: {  	s3 =	spop (v2sf);
	[tilespmem:s0+$0x0] =	vst v6  }
0x152: {  	v6 =	vld [tilespmem:s3+$0x0];
	_ =	sdelay $0x4  }
0x153: {  	s4 =	spop (v2sf);
	(v2sf) =	vpush v5, $0x3;
	v6 =	vadd.s32 v4, v6  }
0x154: {  	[tilespmem:s3+$0x0] =	vst v6;
	s22 =	spop (v2sf)  }
0x155: {  	v6 =	vld [tilespmem:s22+$0x0];
	_ =	sdelay $0x4  }
0x156: {  	(v2sf) =	vpush v5, $0x4;
	v6 =	vadd.s32 v4, v6  }
0x157: {  	[tilespmem:s22+$0x0] =	vst v6  }
0x158: {  	v6 =	vld [tilespmem:s4+$0x0];
	_ =	sdelay $0x4  }
0x159: {  	(v2sf) =	vpush v5, $0x5;
	v6 =	vadd.s32 v4, v6  }
0x15a: {  	s23 =	spop (v2sf);
	[tilespmem:s4+$0x0] =	vst v6  }
0x15b: {  	v6 =	vld [tilespmem:s23+$0x0];
	_ =	sdelay $0x4  }
0x15c: {  	(v2sf) =	vpush v5, $0x6;
	v6 =	vadd.s32 v4, v6  }
0x15d: {  	s24 =	spop (v2sf);
	[tilespmem:s23+$0x0] =	vst v6  }
0x15e: {  	v6 =	vld [tilespmem:s24+$0x0];
	_ =	sdelay $0x4  }
0x15f: {  	(v2sf) =	vpush v5, $0x7;
	v6 =	vadd.s32 v4, v6  }
0x160: {  	s25 =	spop (v2sf);
	[tilespmem:s24+$0x0] =	vst v6  }
0x161: {  	v6 =	vld [tilespmem:s25+$0x0];
	_ =	sdelay $0x4  }
0x162: {  	(v2sf) =	vpush v5, $0x8;
	v6 =	vadd.s32 v4, v6  }
0x163: {  	s26 =	spop (v2sf);
	[tilespmem:s25+$0x0] =	vst v6  }
0x164: {  	v6 =	vld [tilespmem:s26+$0x0];
	_ =	sdelay $0x4  }
0x165: {  	(v2sf) =	vpush v5, $0x9;
	v6 =	vadd.s32 v4, v6  }
0x166: {  	s28 =	spop (v2sf);
	[tilespmem:s26+$0x0] =	vst v6  }
0x167: {  	v6 =	vld [tilespmem:s28+$0x0];
	_ =	sdelay $0x4  }
0x168: {  	(v2sf) =	vpush v5, $0xA;
	v6 =	vadd.s32 v4, v6  }
0x169: {  	s29 =	spop (v2sf);
	[tilespmem:s28+$0x0] =	vst v6  }
0x16a: {  	v6 =	vld [tilespmem:s29+$0x0];
	_ =	sdelay $0x4  }
0x16b: {  	(v2sf) =	vpush v5, $0xB;
	v6 =	vadd.s32 v4, v6  }
0x16c: {  	s30 =	spop (v2sf);
	[tilespmem:s29+$0x0] =	vst v6  }
0x16d: {  	v6 =	vld [tilespmem:s30+$0x0];
	_ =	sdelay $0x4  }
0x16e: {  	(v2sf) =	vpush v5, $0xC;
	v6 =	vadd.s32 v4, v6  }
0x16f: {  	s31 =	spop (v2sf);
	[tilespmem:s30+$0x0] =	vst v6  }
0x170: {  	v6 =	vld [tilespmem:s31+$0x0];
	_ =	sdelay $0x4  }
0x171: {  	(v2sf) =	vpush v5, $0xD;
	v6 =	vadd.s32 v4, v6  }
0x172: {  	s3 =	spop (v2sf);
	[tilespmem:s31+$0x0] =	vst v6  }
0x173: {  	v6 =	vld [tilespmem:s3+$0x0];
	_ =	sdelay $0x4  }
0x174: {  	(v2sf) =	vpush v5, $0xE;
	v6 =	vadd.s32 v4, v6  }
0x175: {  	s4 =	spop (v2sf);
	[tilespmem:s3+$0x0] =	vst v6  }
0x176: {  	v6 =	vld [tilespmem:s4+$0x0];
	_ =	sdelay $0x4  }
0x177: {  	(v2sf) =	vpush v5, $0xF;
	v5 =	vadd.s32 v4, v6  }
0x178: {  	s22 =	spop (v2sf);
	[tilespmem:s4+$0x0] =	vst v5  }
0x179: {  	v5 =	vld [tilespmem:s22+$0x0];
	_ =	sdelay $0x4  }
0x17a: {  	v5 =	vadd.s32 v4, v5  }
0x17b: {  	s23 =	spop (v2sf);
	[tilespmem:s22+$0x0] =	vst v5  }
0x17c: {  	v5 =	vld [tilespmem:s23+$0x0];
	_ =	sdelay $0x4  }
0x17d: {  	v5 =	vadd.s32 v4, v5  }
0x17e: {  	s24 =	spop (v2sf);
	[tilespmem:s23+$0x0] =	vst v5  }
0x17f: {  	v5 =	vld [tilespmem:s24+$0x0];
	_ =	sdelay $0x4  }
0x180: {  	v5 =	vadd.s32 v4, v5  }
0x181: {  	s25 =	simm.s32 $0x0;
	[tilespmem:s24+$0x0] =	vst v5  }
0x182: {  	[tilespmem:s18], [sflag:$0x1] =	stream.linear.gather [hbm4b:s11+s25], $0x80, $0x38;
	[tilespmem:$0x10100] =	vst v63  }
0x183: {  	_ =	swait.ge [sflag:s15], $0x80  }
0x184: {  	[sflag:s15] =	ssyncset.done $0x0  }
0x185: {  	s26 =	simm.s32 $0x0;
	[sflag:s15] =	ssyncadd.s32 $0xFFFFFF80  }
0x186: {  	v5 =	vld [tilespmem:s26+$0x2080];
	_ =	sdelay $0x4  }
0x187: {  	(v2sf) =	vpush v5, $0x0;
	_ =	sdelay $0x5  }
0x188: {  	(v2sf) =	vpush v5, $0x2  }
0x189: {  	(v2sf) =	vpush v5, $0x1;
	_ =	sdelay $0x7  }
0x18a: {  	s28 =	spop (v2sf)  }
0x18b: {  	v6 =	vld [tilespmem:s28+$0x0];
	_ =	sdelay $0x4  }
0x18c: {  	(v2sf) =	vpush v5, $0x3;
	s29 =	spop (v2sf);
	v6 =	vadd.s32 v4, v6  }
0x18d: {  	s30 =	spop (v2sf);
	[tilespmem:s28+$0x0] =	vst v6  }
0x18e: {  	v6 =	vld [tilespmem:s30+$0x0];
	_ =	sdelay $0x4  }
0x18f: {  	(v2sf) =	vpush v5, $0x4;
	v6 =	vadd.s32 v4, v6  }
0x190: {  	[tilespmem:s30+$0x0] =	vst v6  }
0x191: {  	v6 =	vld [tilespmem:s29+$0x0];
	_ =	sdelay $0x4  }
0x192: {  	(v2sf) =	vpush v5, $0x5;
	v6 =	vadd.s32 v4, v6  }
0x193: {  	s31 =	spop (v2sf);
	[tilespmem:s29+$0x0] =	vst v6  }
0x194: {  	v6 =	vld [tilespmem:s31+$0x0];
	_ =	sdelay $0x4  }
0x195: {  	(v2sf) =	vpush v5, $0x6;
	v6 =	vadd.s32 v4, v6  }
0x196: {  	s3 =	spop (v2sf);
	[tilespmem:s31+$0x0] =	vst v6  }
0x197: {  	v6 =	vld [tilespmem:s3+$0x0];
	_ =	sdelay $0x4  }
0x198: {  	(v2sf) =	vpush v5, $0x7;
	v6 =	vadd.s32 v4, v6  }
0x199: {  	s4 =	spop (v2sf);
	[tilespmem:s3+$0x0] =	vst v6  }
0x19a: {  	v6 =	vld [tilespmem:s4+$0x0];
	_ =	sdelay $0x4  }
0x19b: {  	(v2sf) =	vpush v5, $0x8;
	v6 =	vadd.s32 v4, v6  }
0x19c: {  	s22 =	spop (v2sf);
	[tilespmem:s4+$0x0] =	vst v6  }
0x19d: {  	v6 =	vld [tilespmem:s22+$0x0];
	_ =	sdelay $0x4  }
0x19e: {  	(v2sf) =	vpush v5, $0x9;
	v6 =	vadd.s32 v4, v6  }
0x19f: {  	s23 =	spop (v2sf);
	[tilespmem:s22+$0x0] =	vst v6  }
0x1a0: {  	v6 =	vld [tilespmem:s23+$0x0];
	_ =	sdelay $0x4  }
0x1a1: {  	(v2sf) =	vpush v5, $0xA;
	v6 =	vadd.s32 v4, v6  }
0x1a2: {  	s24 =	spop (v2sf);
	[tilespmem:s23+$0x0] =	vst v6  }
0x1a3: {  	v6 =	vld [tilespmem:s24+$0x0];
	_ =	sdelay $0x4  }
0x1a4: {  	(v2sf) =	vpush v5, $0xB;
	v6 =	vadd.s32 v4, v6  }
0x1a5: {  	s25 =	spop (v2sf);
	[tilespmem:s24+$0x0] =	vst v6  }
0x1a6: {  	v6 =	vld [tilespmem:s25+$0x0];
	_ =	sdelay $0x4  }
0x1a7: {  	(v2sf) =	vpush v5, $0xC;
	v6 =	vadd.s32 v4, v6  }
0x1a8: {  	s26 =	spop (v2sf);
	[tilespmem:s25+$0x0] =	vst v6  }
0x1a9: {  	v6 =	vld [tilespmem:s26+$0x0];
	_ =	sdelay $0x4  }
0x1aa: {  	(v2sf) =	vpush v5, $0xD;
	v6 =	vadd.s32 v4, v6  }
0x1ab: {  	s28 =	spop (v2sf);
	[tilespmem:s26+$0x0] =	vst v6  }
0x1ac: {  	v6 =	vld [tilespmem:s28+$0x0];
	_ =	sdelay $0x4  }
0x1ad: {  	v6 =	vadd.s32 v4, v6  }
0x1ae: {  	s29 =	spop (v2sf);
	[tilespmem:s28+$0x0] =	vst v6  }
0x1af: {  	v6 =	vld [tilespmem:s29+$0x0];
	_ =	sdelay $0x1  }
0x1b0: {  	(v2sf) =	vpush v5, $0xE;
	_ =	sdelay $0x2  }
0x1b1: {  	(v2sf) =	vpush v5, $0xF;
	v5 =	vadd.s32 v4, v6  }
0x1b2: {  	s30 =	spop (v2sf);
	[tilespmem:s29+$0x0] =	vst v5  }
0x1b3: {  	v5 =	vld [tilespmem:s30+$0x0];
	_ =	sdelay $0x3  }
0x1b4: {  	s31 =	simm.s32 $0x10  }
0x1b5: {  	v6 =	vadd.s32 v4, v5;
	v5 =	vld [tilespmem:s31+$0x2080];
	_ =	sdelay $0x4  }
0x1b6: {  	s4 =	spop (v2sf);
	(v2sf) =	vpush v5, $0x0  }
0x1b7: {  	(v2sf) =	vpush v5, $0x2  }
0x1b8: {  	[tilespmem:s30+$0x0] =	vst v6  }
0x1b9: {  	v6 =	vld [tilespmem:s4+$0x0];
	_ =	sdelay $0x4  }
0x1ba: {  	s0 =	spop (v2sf);
	v6 =	vadd.s32 v4, v6;
	(v2sf) =	vpush v5, $0x1  }
0x1bb: {  	[tilespmem:s4+$0x0] =	vst v6  }
0x1bc: {  	s22 =	simm.s32 $0x80;
	v6 =	vld [tilespmem:s0+$0x0]  }
.LBB2_8:
0x1bd: {  	_ =	sdelay $0x2  }
0x1be: {  	p1 =	sne.s32 s22, $0x1C0  }
0x1bf: {  	s23 =	smov.u32 s22;
	s22 =	sadd.s32 $0x40, s22;
	s3 =	spop (v2sf);
	v6 =	vadd.s32 v4, v6  }
0x1c0: {  	s4 =	spop (v2sf);
	[tilespmem:s0+$0x0] =	vst v6  }
0x1c1: {  	v6 =	vld [tilespmem:s3+$0x0];
	_ =	sdelay $0x4  }
0x1c2: {  	v6 =	vadd.s32 v4, v6;
	(v2sf) =	vpush v5, $0x3  }
0x1c3: {  	[tilespmem:s3+$0x0] =	vst v6;
	s0 =	spop (v2sf)  }
0x1c4: {  	v6 =	vld [tilespmem:s0+$0x0];
	_ =	sdelay $0x4  }
0x1c5: {  	v6 =	vadd.s32 v4, v6;
	(v2sf) =	vpush v5, $0x4  }
0x1c6: {  	[tilespmem:s0+$0x0] =	vst v6  }
0x1c7: {  	v6 =	vld [tilespmem:s4+$0x0];
	_ =	sdelay $0x4  }
0x1c8: {  	v6 =	vadd.s32 v4, v6;
	(v2sf) =	vpush v5, $0x5  }
0x1c9: {  	[tilespmem:s4+$0x0] =	vst v6;
	s0 =	spop (v2sf)  }
0x1ca: {  	v6 =	vld [tilespmem:s0+$0x0];
	_ =	sdelay $0x4  }
0x1cb: {  	v6 =	vadd.s32 v4, v6;
	(v2sf) =	vpush v5, $0x6  }
0x1cc: {  	[tilespmem:s0+$0x0] =	vst v6;
	s0 =	spop (v2sf)  }
0x1cd: {  	v6 =	vld [tilespmem:s0+$0x0];
	_ =	sdelay $0x4  }
0x1ce: {  	v6 =	vadd.s32 v4, v6;
	(v2sf) =	vpush v5, $0x7  }
0x1cf: {  	[tilespmem:s0+$0x0] =	vst v6;
	s0 =	spop (v2sf)  }
0x1d0: {  	v6 =	vld [tilespmem:s0+$0x0];
	_ =	sdelay $0x4  }
0x1d1: {  	v6 =	vadd.s32 v4, v6;
	(v2sf) =	vpush v5, $0x8  }
0x1d2: {  	[tilespmem:s0+$0x0] =	vst v6;
	s0 =	spop (v2sf)  }
0x1d3: {  	v6 =	vld [tilespmem:s0+$0x0];
	_ =	sdelay $0x4  }
0x1d4: {  	v6 =	vadd.s32 v4, v6;
	(v2sf) =	vpush v5, $0x9  }
0x1d5: {  	[tilespmem:s0+$0x0] =	vst v6;
	s0 =	spop (v2sf)  }
0x1d6: {  	v6 =	vld [tilespmem:s0+$0x0];
	_ =	sdelay $0x4  }
0x1d7: {  	v6 =	vadd.s32 v4, v6;
	(v2sf) =	vpush v5, $0xA  }
0x1d8: {  	[tilespmem:s0+$0x0] =	vst v6;
	s0 =	spop (v2sf)  }
0x1d9: {  	v6 =	vld [tilespmem:s0+$0x0];
	_ =	sdelay $0x4  }
0x1da: {  	v6 =	vadd.s32 v4, v6;
	(v2sf) =	vpush v5, $0xB  }
0x1db: {  	[tilespmem:s0+$0x0] =	vst v6;
	s0 =	spop (v2sf)  }
0x1dc: {  	v6 =	vld [tilespmem:s0+$0x0];
	_ =	sdelay $0x4  }
0x1dd: {  	v6 =	vadd.s32 v4, v6;
	(v2sf) =	vpush v5, $0xC  }
0x1de: {  	[tilespmem:s0+$0x0] =	vst v6;
	s0 =	spop (v2sf)  }
0x1df: {  	v6 =	vld [tilespmem:s0+$0x0];
	_ =	sdelay $0x3  }
0x1e0: {  	(v2sf) =	vpush v5, $0xD  }
0x1e1: {  	v6 =	vadd.s32 v4, v6  }
0x1e2: {  	[tilespmem:s0+$0x0] =	vst v6;
	s0 =	spop (v2sf)  }
0x1e3: {  	v6 =	vld [tilespmem:s0+$0x0];
	_ =	sdelay $0x3  }
0x1e4: {  	(v2sf) =	vpush v5, $0xE  }
0x1e5: {  	v6 =	vadd.s32 v4, v6  }
0x1e6: {  	[tilespmem:s0+$0x0] =	vst v6;
	s0 =	spop (v2sf)  }
0x1e7: {  	v6 =	vld [tilespmem:s0+$0x0];
	_ =	sdelay $0x3  }
0x1e8: {  	(v2sf) =	vpush v5, $0xF  }
0x1e9: {  	s3 =	sshra.s32 s23, $0x2;
	v6 =	vadd.s32 v4, v6;
	s4 =	spop (v2sf)  }
0x1ea: {  	v5 =	vld [tilespmem:s3+$0x2080];
	[tilespmem:s0+$0x0] =	vst v6  }
0x1eb: {  	v6 =	vld [tilespmem:s4+$0x0];
	_ =	sdelay $0x3  }
0x1ec: {  	(v2sf) =	vpush v5, $0x0  }
0x1ed: {  	(v2sf) =	vpush v5, $0x2;
	v6 =	vadd.s32 v4, v6;
	s3 =	spop (v2sf)  }
0x1ee: {  	[tilespmem:s4+$0x0] =	vst v6  }
0x1ef: {  	v6 =	vld [tilespmem:s3+$0x0];
	_ =	sdelay $0x2  }
.Ltmp5:
0x1f0: {  	(pc) =	sbr.rel @p1 .LBB2_8-.Ltmp5, $4  }
0x1f1: {  	_ = 	snop  }
0x1f2: {  	(v2sf) =	vpush v5, $0x1;
	v6 =	vadd.s32 v4, v6;
	s0 =	spop (v2sf)  }
0x1f3: {  	[tilespmem:s3+$0x0] =	vst v6  }
0x1f4: {  	v6 =	vld [tilespmem:s0+$0x0]  }
0x1f5: {  	_ =	sdelay $0x3  }
0x1f6: {  	v6 =	vadd.s32 v4, v6  }
0x1f7: {  	s3 =	spop (v2sf);
	[tilespmem:s0+$0x0] =	vst v6  }
0x1f8: {  	v6 =	vld [tilespmem:s3+$0x0];
	_ =	sdelay $0x4  }
0x1f9: {  	s28 =	spop (v2sf);
	(v2sf) =	vpush v5, $0x3;
	v6 =	vadd.s32 v4, v6  }
0x1fa: {  	[tilespmem:s3+$0x0] =	vst v6;
	s29 =	spop (v2sf)  }
0x1fb: {  	v6 =	vld [tilespmem:s29+$0x0];
	_ =	sdelay $0x4  }
0x1fc: {  	(v2sf) =	vpush v5, $0x4;
	v6 =	vadd.s32 v4, v6  }
0x1fd: {  	[tilespmem:s29+$0x0] =	vst v6  }
0x1fe: {  	v6 =	vld [tilespmem:s28+$0x0];
	_ =	sdelay $0x4  }
0x1ff: {  	(v2sf) =	vpush v5, $0x5;
	v6 =	vadd.s32 v4, v6  }
0x200: {  	s30 =	spop (v2sf);
	[tilespmem:s28+$0x0] =	vst v6  }
0x201: {  	v6 =	vld [tilespmem:s30+$0x0];
	_ =	sdelay $0x4  }
0x202: {  	(v2sf) =	vpush v5, $0x6;
	v6 =	vadd.s32 v4, v6  }
0x203: {  	s31 =	spop (v2sf);
	[tilespmem:s30+$0x0] =	vst v6  }
0x204: {  	v6 =	vld [tilespmem:s31+$0x0];
	_ =	sdelay $0x4  }
0x205: {  	(v2sf) =	vpush v5, $0x7;
	v6 =	vadd.s32 v4, v6  }
0x206: {  	s3 =	spop (v2sf);
	[tilespmem:s31+$0x0] =	vst v6  }
0x207: {  	v6 =	vld [tilespmem:s3+$0x0];
	_ =	sdelay $0x4  }
0x208: {  	(v2sf) =	vpush v5, $0x8;
	v6 =	vadd.s32 v4, v6  }
0x209: {  	s4 =	spop (v2sf);
	[tilespmem:s3+$0x0] =	vst v6  }
0x20a: {  	v6 =	vld [tilespmem:s4+$0x0];
	_ =	sdelay $0x4  }
0x20b: {  	(v2sf) =	vpush v5, $0x9;
	v6 =	vadd.s32 v4, v6  }
0x20c: {  	s22 =	spop (v2sf);
	[tilespmem:s4+$0x0] =	vst v6  }
0x20d: {  	v6 =	vld [tilespmem:s22+$0x0];
	_ =	sdelay $0x4  }
0x20e: {  	(v2sf) =	vpush v5, $0xA;
	v6 =	vadd.s32 v4, v6  }
0x20f: {  	s23 =	spop (v2sf);
	[tilespmem:s22+$0x0] =	vst v6  }
0x210: {  	v6 =	vld [tilespmem:s23+$0x0];
	_ =	sdelay $0x4  }
0x211: {  	(v2sf) =	vpush v5, $0xB;
	v6 =	vadd.s32 v4, v6  }
0x212: {  	s24 =	spop (v2sf);
	[tilespmem:s23+$0x0] =	vst v6  }
0x213: {  	v6 =	vld [tilespmem:s24+$0x0];
	_ =	sdelay $0x4  }
0x214: {  	(v2sf) =	vpush v5, $0xC;
	v6 =	vadd.s32 v4, v6  }
0x215: {  	s25 =	spop (v2sf);
	[tilespmem:s24+$0x0] =	vst v6  }
0x216: {  	v6 =	vld [tilespmem:s25+$0x0];
	_ =	sdelay $0x4  }
0x217: {  	(v2sf) =	vpush v5, $0xD;
	v6 =	vadd.s32 v4, v6  }
0x218: {  	s26 =	spop (v2sf);
	[tilespmem:s25+$0x0] =	vst v6  }
0x219: {  	v6 =	vld [tilespmem:s26+$0x0];
	_ =	sdelay $0x4  }
0x21a: {  	(v2sf) =	vpush v5, $0xE;
	v6 =	vadd.s32 v4, v6  }
0x21b: {  	s28 =	spop (v2sf);
	[tilespmem:s26+$0x0] =	vst v6  }
0x21c: {  	v6 =	vld [tilespmem:s28+$0x0];
	_ =	sdelay $0x4  }
0x21d: {  	(v2sf) =	vpush v5, $0xF;
	v5 =	vadd.s32 v4, v6  }
0x21e: {  	s29 =	spop (v2sf);
	[tilespmem:s28+$0x0] =	vst v5  }
0x21f: {  	v5 =	vld [tilespmem:s29+$0x0];
	_ =	sdelay $0x4  }
0x220: {  	v5 =	vadd.s32 v4, v5  }
0x221: {  	s30 =	spop (v2sf);
	[tilespmem:s29+$0x0] =	vst v5  }
0x222: {  	v5 =	vld [tilespmem:s30+$0x0];
	_ =	sdelay $0x4  }
0x223: {  	v5 =	vadd.s32 v4, v5  }
0x224: {  	s31 =	spop (v2sf);
	[tilespmem:s30+$0x0] =	vst v5  }
0x225: {  	v5 =	vld [tilespmem:s31+$0x0];
	_ =	sdelay $0x1  }
.Ltmp6:
0x226: {  	_ = 	snop;
	(pc) =	sbr.rel @p0 .LBB2_13-.Ltmp6, $3  }
0x227: {  	_ =	sdelay $0x1  }
0x228: {  	v5 =	vadd.s32 v4, v5  }
0x229: {  	[tilespmem:s31+$0x0] =	vst v5  }
0x22a: {  	s0 =	simm.s32 $0x0  }
0x22b: {  	[tilespmem:s18], [sflag:$0x1] =	stream.linear.gather [hbm4b:s12+s0], $0x80, $0x38;
	[tilespmem:$0x10100] =	vst v63  }
0x22c: {  	_ =	swait.ge [sflag:s15], $0x80  }
0x22d: {  	[sflag:s15] =	ssyncset.done $0x0  }
0x22e: {  	s28 =	simm.s32 $0x0;
	[sflag:s15] =	ssyncadd.s32 $0xFFFFFF80  }
0x22f: {  	v5 =	vld [tilespmem:s28+$0x2080];
	_ =	sdelay $0x4  }
0x230: {  	(v2sf) =	vpush v5, $0x0;
	_ =	sdelay $0x5  }
0x231: {  	(v2sf) =	vpush v5, $0x2  }
0x232: {  	(v2sf) =	vpush v5, $0x1;
	_ =	sdelay $0x7  }
0x233: {  	s29 =	spop (v2sf)  }
0x234: {  	v6 =	vld [tilespmem:s29+$0x0];
	_ =	sdelay $0x4  }
0x235: {  	(v2sf) =	vpush v5, $0x3;
	s3 =	spop (v2sf);
	v6 =	vadd.s32 v4, v6  }
0x236: {  	s30 =	spop (v2sf);
	[tilespmem:s29+$0x0] =	vst v6  }
0x237: {  	v6 =	vld [tilespmem:s30+$0x0];
	_ =	sdelay $0x4  }
0x238: {  	(v2sf) =	vpush v5, $0x4;
	v6 =	vadd.s32 v4, v6  }
0x239: {  	[tilespmem:s30+$0x0] =	vst v6  }
0x23a: {  	v6 =	vld [tilespmem:s3+$0x0];
	_ =	sdelay $0x4  }
0x23b: {  	(v2sf) =	vpush v5, $0x5;
	v6 =	vadd.s32 v4, v6  }
0x23c: {  	s31 =	spop (v2sf);
	[tilespmem:s3+$0x0] =	vst v6  }
0x23d: {  	v6 =	vld [tilespmem:s31+$0x0];
	_ =	sdelay $0x4  }
0x23e: {  	(v2sf) =	vpush v5, $0x6;
	v6 =	vadd.s32 v4, v6  }
0x23f: {  	s3 =	spop (v2sf);
	[tilespmem:s31+$0x0] =	vst v6  }
0x240: {  	v6 =	vld [tilespmem:s3+$0x0];
	_ =	sdelay $0x4  }
0x241: {  	(v2sf) =	vpush v5, $0x7;
	v6 =	vadd.s32 v4, v6  }
0x242: {  	s4 =	spop (v2sf);
	[tilespmem:s3+$0x0] =	vst v6  }
0x243: {  	v6 =	vld [tilespmem:s4+$0x0];
	_ =	sdelay $0x4  }
0x244: {  	(v2sf) =	vpush v5, $0x8;
	v6 =	vadd.s32 v4, v6  }
0x245: {  	s22 =	spop (v2sf);
	[tilespmem:s4+$0x0] =	vst v6  }
0x246: {  	v6 =	vld [tilespmem:s22+$0x0];
	_ =	sdelay $0x4  }
0x247: {  	(v2sf) =	vpush v5, $0x9;
	v6 =	vadd.s32 v4, v6  }
0x248: {  	s23 =	spop (v2sf);
	[tilespmem:s22+$0x0] =	vst v6  }
0x249: {  	v6 =	vld [tilespmem:s23+$0x0];
	_ =	sdelay $0x4  }
0x24a: {  	(v2sf) =	vpush v5, $0xA;
	v6 =	vadd.s32 v4, v6  }
0x24b: {  	s24 =	spop (v2sf);
	[tilespmem:s23+$0x0] =	vst v6  }
0x24c: {  	v6 =	vld [tilespmem:s24+$0x0];
	_ =	sdelay $0x4  }
0x24d: {  	(v2sf) =	vpush v5, $0xB;
	v6 =	vadd.s32 v4, v6  }
0x24e: {  	s25 =	spop (v2sf);
	[tilespmem:s24+$0x0] =	vst v6  }
0x24f: {  	v6 =	vld [tilespmem:s25+$0x0];
	_ =	sdelay $0x4  }
0x250: {  	(v2sf) =	vpush v5, $0xC;
	v6 =	vadd.s32 v4, v6  }
0x251: {  	s26 =	spop (v2sf);
	[tilespmem:s25+$0x0] =	vst v6  }
0x252: {  	v6 =	vld [tilespmem:s26+$0x0];
	_ =	sdelay $0x4  }
0x253: {  	(v2sf) =	vpush v5, $0xD;
	v6 =	vadd.s32 v4, v6  }
0x254: {  	s28 =	spop (v2sf);
	[tilespmem:s26+$0x0] =	vst v6  }
0x255: {  	v6 =	vld [tilespmem:s28+$0x0];
	_ =	sdelay $0x4  }
0x256: {  	v6 =	vadd.s32 v4, v6  }
0x257: {  	s29 =	spop (v2sf);
	[tilespmem:s28+$0x0] =	vst v6  }
0x258: {  	v6 =	vld [tilespmem:s29+$0x0];
	_ =	sdelay $0x1  }
0x259: {  	(v2sf) =	vpush v5, $0xE;
	_ =	sdelay $0x2  }
0x25a: {  	(v2sf) =	vpush v5, $0xF;
	v5 =	vadd.s32 v4, v6  }
0x25b: {  	s30 =	spop (v2sf);
	[tilespmem:s29+$0x0] =	vst v5  }
0x25c: {  	v5 =	vld [tilespmem:s30+$0x0];
	_ =	sdelay $0x3  }
0x25d: {  	s31 =	simm.s32 $0x10  }
0x25e: {  	v6 =	vadd.s32 v4, v5;
	v5 =	vld [tilespmem:s31+$0x2080];
	_ =	sdelay $0x4  }
0x25f: {  	s4 =	spop (v2sf);
	(v2sf) =	vpush v5, $0x0  }
0x260: {  	(v2sf) =	vpush v5, $0x2  }
0x261: {  	[tilespmem:s30+$0x0] =	vst v6  }
0x262: {  	v6 =	vld [tilespmem:s4+$0x0];
	_ =	sdelay $0x4  }
0x263: {  	s0 =	spop (v2sf);
	v6 =	vadd.s32 v4, v6;
	(v2sf) =	vpush v5, $0x1  }
0x264: {  	[tilespmem:s4+$0x0] =	vst v6  }
0x265: {  	v6 =	vld [tilespmem:s0+$0x0];
	_ =	sdelay $0x2  }
0x266: {  	s22 =	simm.s32 $0x80  }
.LBB2_11:
0x267: {  	p1 =	sne.s32 s22, $0x1C0  }
0x268: {  	s3 =	spop (v2sf);
	v6 =	vadd.s32 v4, v6;
	s23 =	smov.u32 s22;
	s22 =	sadd.s32 $0x40, s22  }
0x269: {  	s4 =	spop (v2sf);
	[tilespmem:s0+$0x0] =	vst v6  }
0x26a: {  	v6 =	vld [tilespmem:s3+$0x0];
	_ =	sdelay $0x4  }
0x26b: {  	v6 =	vadd.s32 v4, v6;
	(v2sf) =	vpush v5, $0x3  }
0x26c: {  	[tilespmem:s3+$0x0] =	vst v6;
	s0 =	spop (v2sf)  }
0x26d: {  	v6 =	vld [tilespmem:s0+$0x0];
	_ =	sdelay $0x4  }
0x26e: {  	v6 =	vadd.s32 v4, v6;
	(v2sf) =	vpush v5, $0x4  }
0x26f: {  	[tilespmem:s0+$0x0] =	vst v6  }
0x270: {  	v6 =	vld [tilespmem:s4+$0x0];
	_ =	sdelay $0x4  }
0x271: {  	v6 =	vadd.s32 v4, v6;
	(v2sf) =	vpush v5, $0x5  }
0x272: {  	[tilespmem:s4+$0x0] =	vst v6;
	s0 =	spop (v2sf)  }
0x273: {  	v6 =	vld [tilespmem:s0+$0x0];
	_ =	sdelay $0x4  }
0x274: {  	v6 =	vadd.s32 v4, v6;
	(v2sf) =	vpush v5, $0x6  }
0x275: {  	[tilespmem:s0+$0x0] =	vst v6;
	s0 =	spop (v2sf)  }
0x276: {  	v6 =	vld [tilespmem:s0+$0x0];
	_ =	sdelay $0x4  }
0x277: {  	v6 =	vadd.s32 v4, v6;
	(v2sf) =	vpush v5, $0x7  }
0x278: {  	[tilespmem:s0+$0x0] =	vst v6;
	s0 =	spop (v2sf)  }
0x279: {  	v6 =	vld [tilespmem:s0+$0x0];
	_ =	sdelay $0x4  }
0x27a: {  	v6 =	vadd.s32 v4, v6;
	(v2sf) =	vpush v5, $0x8  }
0x27b: {  	[tilespmem:s0+$0x0] =	vst v6;
	s0 =	spop (v2sf)  }
0x27c: {  	v6 =	vld [tilespmem:s0+$0x0];
	_ =	sdelay $0x4  }
0x27d: {  	v6 =	vadd.s32 v4, v6;
	(v2sf) =	vpush v5, $0x9  }
0x27e: {  	[tilespmem:s0+$0x0] =	vst v6;
	s0 =	spop (v2sf)  }
0x27f: {  	v6 =	vld [tilespmem:s0+$0x0];
	_ =	sdelay $0x4  }
0x280: {  	v6 =	vadd.s32 v4, v6;
	(v2sf) =	vpush v5, $0xA  }
0x281: {  	[tilespmem:s0+$0x0] =	vst v6;
	s0 =	spop (v2sf)  }
0x282: {  	v6 =	vld [tilespmem:s0+$0x0];
	_ =	sdelay $0x4  }
0x283: {  	v6 =	vadd.s32 v4, v6;
	(v2sf) =	vpush v5, $0xB  }
0x284: {  	[tilespmem:s0+$0x0] =	vst v6;
	s0 =	spop (v2sf)  }
0x285: {  	v6 =	vld [tilespmem:s0+$0x0];
	_ =	sdelay $0x4  }
0x286: {  	v6 =	vadd.s32 v4, v6;
	(v2sf) =	vpush v5, $0xC  }
0x287: {  	[tilespmem:s0+$0x0] =	vst v6;
	s0 =	spop (v2sf)  }
0x288: {  	v6 =	vld [tilespmem:s0+$0x0];
	_ =	sdelay $0x3  }
0x289: {  	(v2sf) =	vpush v5, $0xD  }
0x28a: {  	v6 =	vadd.s32 v4, v6  }
0x28b: {  	[tilespmem:s0+$0x0] =	vst v6;
	s0 =	spop (v2sf)  }
0x28c: {  	v6 =	vld [tilespmem:s0+$0x0];
	_ =	sdelay $0x3  }
0x28d: {  	(v2sf) =	vpush v5, $0xE  }
0x28e: {  	v6 =	vadd.s32 v4, v6  }
0x28f: {  	[tilespmem:s0+$0x0] =	vst v6;
	s0 =	spop (v2sf)  }
0x290: {  	v6 =	vld [tilespmem:s0+$0x0];
	_ =	sdelay $0x3  }
0x291: {  	(v2sf) =	vpush v5, $0xF  }
0x292: {  	s3 =	sshra.s32 s23, $0x2;
	v6 =	vadd.s32 v4, v6;
	s4 =	spop (v2sf)  }
0x293: {  	v5 =	vld [tilespmem:s3+$0x2080];
	[tilespmem:s0+$0x0] =	vst v6  }
0x294: {  	v6 =	vld [tilespmem:s4+$0x0];
	_ =	sdelay $0x3  }
0x295: {  	(v2sf) =	vpush v5, $0x0  }
0x296: {  	(v2sf) =	vpush v5, $0x2;
	v6 =	vadd.s32 v4, v6;
	s3 =	spop (v2sf)  }
0x297: {  	[tilespmem:s4+$0x0] =	vst v6  }
0x298: {  	v6 =	vld [tilespmem:s3+$0x0];
	_ =	sdelay $0x2  }
.Ltmp7:
0x299: {  	(pc) =	sbr.rel @p1 .LBB2_11-.Ltmp7, $4  }
0x29a: {  	_ = 	snop  }
0x29b: {  	(v2sf) =	vpush v5, $0x1;
	v6 =	vadd.s32 v4, v6;
	s0 =	spop (v2sf)  }
0x29c: {  	[tilespmem:s3+$0x0] =	vst v6  }
0x29d: {  	v6 =	vld [tilespmem:s0+$0x0]  }
.Ltmp8:
0x29e: {  	_ = 	snop;
	(pc) =	sbr.rel .LBB2_12-.Ltmp8, $1  }
0x29f: {  	_ =	sdelay $0x3  }
.LBB2_14:
0x2a0: {  	_ =	sfence.sel $0x180000  }
0x2a1: {  	[bflag:$0x0] =	sbarrier.arrive $0xFFFF  }
0x2a2: {  	_ =	strace $0x90000047  }
0x2a3: {  	s0 =	stileid.u32;
	[bflag:$0x2] =	sbarrier.arrive $0xFFFF  }
0x2a4: {  	p0 =	sne.s32 s0, $0x0;
	s0 =	rddreg [dreg:$0x4]  }
0x2a5: {  	s0 =	sadd.s32 @!p0 $0x100000, s0  }
0x2a6: {  	[sflag:s0] =	ssyncadd.tile.s32 @!p0 $0x1;
	_ =	shalt  }
.Lfunc_end2:
_tile_overlayer_lowered:
.L_overlay_start_2:
0x2a7: {  	(tag) =	ssettag $0x2  }
0x2a8: {  	s0 =	rddreg [dreg:$0x0];
	s2 =	stileid.u32  }
0x2a9: {  	s1 =	rddreg [dreg:$0x1];
	p0 =	sne.s32 s2, $0x0  }
0x2aa: {  	s3 =	rddreg [dreg:$0x2];
	[bflag:$0x3] =	sbarrier.arrive $0xFFFF;
	s2 =	simm.s32 @!p0 $0x1C01  }
0x2ab: {  	[timem:s3], [sflag:s2] =	dma.local @!p0 [hbm:s0], s1  }
0x2ac: {  	s0 =	simm.s32 @!p0 $0x1  }
0x2ad: {  	_ =	swait.ge @!p0 [sflag:s0], s1  }
0x2ae: {  	s1 =	ssub.s32 @!p0 $0x0, s1;
	[sflag:s0] =	ssyncset.done @!p0 $0x0  }
0x2af: {  	[sflag:s0] =	ssyncadd.s32 @!p0 s1  }
0x2b0: {  	[bflag:$0x3] =	sbarrier.arrive $0xFFFF  }
0x2b1: {  	_ =	shalt  }

</sc_bundles>
